<compile_context>
chip_gen: v7x
topology: tpu7x:2x2x1
jax: 0.10.2.dev20260603
libtpu: 0.0.44.dev20260713+nightly
codegen_flags: <defaults>
</compile_context>

<pallas_src>
import functools

import jax
import jax.numpy as jnp
from jax import lax
from jax.experimental import pallas as pl
from jax.experimental.pallas import tpu as pltpu
from jax.experimental.pallas import tpu_sc as plsc

N = 10000
K = 16
_EPS = 1e-5
NPAD = 10240
NCH = NPAD // 128

_SC_NC = 2
_SC_NS = 16
_SC_NW = _SC_NC * _SC_NS


def _sc_gather(table, idx, n_rows, c_out=None):
    T, C = table.shape
    assert C % 128 == 0
    c_out = C if c_out is None else c_out
    n_chunks = n_rows // 128
    cpw = (n_chunks + _SC_NW - 1) // _SC_NW
    cpw = ((cpw + 7) // 8) * 8
    n_pad = cpw * _SC_NW
    idx2 = jnp.zeros((n_pad, 128), jnp.int32).at[:n_chunks].set(
        idx.reshape(n_chunks, 128))
    mesh = plsc.VectorSubcoreMesh(core_axis_name="c", subcore_axis_name="s")

    assert cpw % 4 == 0

    @functools.partial(
        pl.kernel,
        mesh=mesh,
        out_type=jax.ShapeDtypeStruct((n_pad * 128, c_out), jnp.float32),
        scratch_types=[
            pltpu.VMEM((cpw, 128), jnp.int32),
            pltpu.VMEM((128, C), jnp.float32),
            pltpu.VMEM((128, C), jnp.float32),
            pltpu.SemaphoreType.DMA,
            pltpu.SemaphoreType.DMA,
        ],
    )
    def gk(idx_hbm, table_hbm, out_hbm, idx_v, rows0, rows1, sem0, sem1):
        wid = lax.axis_index("s") * _SC_NC + lax.axis_index("c")
        base = pl.multiple_of(wid * cpw, 8)
        pltpu.sync_copy(idx_hbm.at[pl.ds(base, cpw)], idx_v)
        pltpu.async_copy(table_hbm.at[idx_v.at[0]], rows0, sem0)

        def store(rows, j):
            src = rows if c_out == C else rows.at[:, pl.ds(0, c_out)]
            pltpu.sync_copy(src, out_hbm.at[pl.ds((base + j) * 128, 128)])

        def body(h, carry):
            j = 2 * h
            pltpu.async_copy(table_hbm.at[idx_v.at[j + 1]], rows1, sem1)
            pltpu.make_async_copy(table_hbm.at[idx_v.at[j]], rows0, sem0).wait()
            store(rows0, j)

            @pl.when(j + 2 < cpw)
            def _():
                pltpu.async_copy(table_hbm.at[idx_v.at[j + 2]], rows0, sem0)

            pltpu.make_async_copy(table_hbm.at[idx_v.at[j + 1]], rows1, sem1).wait()
            store(rows1, j + 1)
            return carry

        lax.fori_loop(0, cpw // 2, body, 0)

    return gk(idx2, table)[:n_rows]


_QB = 256


def _knn_a_body(q_ref, pt_ref, d_ref, seg_ref, ck_ref):
    q = q_ref[...]
    pt = pt_ref[...]
    t = jnp.dot(q, pt, preferred_element_type=jnp.float32)
    sqc = jnp.sum(pt * pt, axis=0, keepdims=True)
    d = sqc - 2.0 * t
    mins = []
    for c in range(NCH):
        blk = d[:, c * 128:(c + 1) * 128]
        d_ref[pl.ds(c * _QB, _QB), :] = blk
        mins.append(jnp.min(blk, axis=1, keepdims=True))
    m = jnp.concatenate(mins, axis=1)
    iota = lax.broadcasted_iota(jnp.int32, (_QB, NCH), 1).astype(jnp.float32)
    qloc = lax.broadcasted_iota(jnp.int32, (_QB, 1), 0)
    cols = []
    for _ in range(K):
        rm = jnp.min(m, axis=1, keepdims=True)
        cand = jnp.where(m == rm, iota, jnp.float32(1e9))
        pc = jnp.min(cand, axis=1, keepdims=True)
        m = jnp.where(cand == pc, jnp.float32(jnp.inf), m)
        cols.append(pc.astype(jnp.int32))
    ck = jnp.concatenate(cols, axis=1)
    ck_ref[...] = ck
    seg_ref[...] = pl.program_id(0) * (NCH * _QB) + ck * _QB + qloc


def _knn_stage_a(posq, post):
    return pl.pallas_call(
        _knn_a_body,
        grid=(NPAD // _QB,),
        in_specs=[
            pl.BlockSpec((_QB, 3), lambda i: (i, 0)),
            pl.BlockSpec((3, NPAD), lambda i: (0, 0)),
        ],
        out_specs=[
            pl.BlockSpec((NCH * _QB, 128), lambda i: (i, 0)),
            pl.BlockSpec((_QB, K), lambda i: (i, 0)),
            pl.BlockSpec((_QB, K), lambda i: (i, 0)),
        ],
        out_shape=[
            jax.ShapeDtypeStruct((NPAD * NCH, 128), jnp.float32),
            jax.ShapeDtypeStruct((NPAD, K), jnp.int32),
            jax.ShapeDtypeStruct((NPAD, K), jnp.int32),
        ],
    )(posq, post)


def _knn_b_body(dr_ref, ck_ref, nbr_ref):
    P = dr_ref.shape[0]
    d = dr_ref[...]
    ck_f = ck_ref[...].astype(jnp.float32)
    iota2 = lax.broadcasted_iota(jnp.int32, (P, K * 128), 1).astype(jnp.float32)
    iota16 = lax.broadcasted_iota(jnp.int32, (P, K), 1).astype(jnp.float32)
    cols = []
    for _ in range(K):
        rm = jnp.min(d, axis=1, keepdims=True)
        cand = jnp.where(d == rm, iota2, jnp.float32(1e9))
        pc = jnp.min(cand, axis=1, keepdims=True)
        d = jnp.where(cand == pc, jnp.float32(jnp.inf), d)
        j2 = jnp.floor(pc * (1.0 / 128.0))
        lane = pc - j2 * 128.0
        sel = jnp.sum(jnp.where(iota16 == j2, ck_f, 0.0), axis=1, keepdims=True)
        cols.append((sel * 128.0 + lane).astype(jnp.int32))
    nbr_ref[...] = jnp.concatenate(cols, axis=1)


def _knn_stage_b(dr, ck, n, P=200):
    return pl.pallas_call(
        _knn_b_body,
        grid=(n // P,),
        in_specs=[
            pl.BlockSpec((P, K * 128), lambda i: (i, 0)),
            pl.BlockSpec((P, K), lambda i: (i, 0)),
        ],
        out_specs=pl.BlockSpec((P, K), lambda i: (i, 0)),
        out_shape=jax.ShapeDtypeStruct((n, K), jnp.int32),
    )(dr, ck)


def _ab_body(x_ref, p_ref, wt_ref, wb_ref, a_ref, b_ref):
    bvec = jnp.dot(p_ref[...], wb_ref[...], preferred_element_type=jnp.float32)
    a_ref[...] = jnp.dot(x_ref[...], wt_ref[...], preferred_element_type=jnp.float32) + bvec
    b_ref[...] = bvec


def _node_ab(x, pos, Wa):
    fin = x.shape[1]
    C = Wa.shape[1]
    wt = Wa[:fin]
    wb = Wa[fin:]
    return pl.pallas_call(
        _ab_body,
        out_shape=(
            jax.ShapeDtypeStruct((N, C), jnp.float32),
            jax.ShapeDtypeStruct((N, C), jnp.float32),
        ),
    )(x, pos, wt, wb)


def _conv_body(g_ref, b_ref, wb_ref, s_ref, prm_ref, o_ref):
    Kc, P, _ = g_ref.shape
    C = b_ref.shape[1]
    ba = prm_ref[0:1, :]
    gm = prm_ref[1:2, :]
    bt = prm_ref[2:3, :]
    bb = prm_ref[3:4, :]
    s = s_ref[...]
    h = (g_ref[..., :C] - b_ref[...][None]).reshape(Kc * P, C) + ba
    m = jnp.dot(h, s, preferred_element_type=jnp.float32)
    d = h - m
    v = jnp.dot(d * d, s, preferred_element_type=jnp.float32)
    hn = (d / jnp.sqrt(v + _EPS)) * gm + bt
    hr = jnp.maximum(hn, 0.0)
    z = jnp.dot(hr, wb_ref[...], preferred_element_type=jnp.float32)
    acc = jnp.max(z.reshape(Kc, P, C), axis=0)
    o_ref[...] = jnp.maximum(acc + bb, 0.0)


def _conv_layer(G, B, Wb, prm, S, P=200):
    n = B.shape[0]
    C = B.shape[1]
    Cg = G.shape[2]
    grid = (n // P,)
    return pl.pallas_call(
        _conv_body,
        grid=grid,
        in_specs=[
            pl.BlockSpec((K, P, Cg), lambda i: (0, i, 0)),
            pl.BlockSpec((P, C), lambda i: (i, 0)),
            pl.BlockSpec((C, C), lambda i: (0, 0)),
            pl.BlockSpec((C, C), lambda i: (0, 0)),
            pl.BlockSpec((8, C), lambda i: (0, 0)),
        ],
        out_specs=pl.BlockSpec((P, C), lambda i: (i, 0)),
        out_shape=jax.ShapeDtypeStruct((n, C), jnp.float32),
    )(G, B, Wb, S, prm)


def _group_avg_matrix(C):
    i = jnp.arange(C)
    return jnp.where((i[:, None] // 8) == (i[None, :] // 8), 1.0 / 8.0, 0.0).astype(jnp.float32)


def _pack_params(ba, gm, bt, bb):
    C = ba.shape[0]
    p = jnp.zeros((8, C), jnp.float32)
    return p.at[0].set(ba).at[1].set(gm).at[2].set(bt).at[3].set(bb)


def kernel(pos, normal, W1a, b1a, g1, be1, W1b, b1b, W2a, b2a, g2, be2, W2b, b2b,
           W3a, b3a, g3, be3, W3b, b3b):
    posq = jnp.concatenate(
        [pos, jnp.full((NPAD - N, 3), 1e4, jnp.float32)], axis=0)
    D2, seg, ck = _knn_stage_a(posq, posq.T)
    Dr = _sc_gather(D2, seg[:N].reshape(-1), K * N)
    nbr = _knn_stage_b(Dr.reshape(N, K * 128), ck[:N], N, P=400)
    nbr_t = nbr.T

    x0 = jnp.concatenate([pos, normal], axis=-1)

    idx_flat = nbr_t.reshape(-1)

    def layer(x, Wa, ba, gm, bt, Wb, bb):
        A, B = _node_ab(x, pos, Wa)
        C = Wa.shape[1]
        Cg = max(128, C)
        Ap = A if C == Cg else jnp.pad(A, ((0, 0), (0, Cg - C)))
        G = _sc_gather(Ap, idx_flat, K * N).reshape(K, N, Cg)
        return _conv_layer(G, B, Wb, _pack_params(ba, gm, bt, bb),
                           _group_avg_matrix(C), P=400)

    h1 = layer(x0, W1a, b1a, g1, be1, W1b, b1b)
    h2 = layer(h1, W2a, b2a, g2, be2, W2b, b2b)
    h3 = layer(h2, W3a, b3a, g3, be3, W3b, b3b)
    return (h1, h2, h3)

# --- scband reference (transcript-rebuilt; emitter-appended) ---
"""Pipeline reference for scband-point-net-simple-61409442398998 (READ-ONLY COPY).

The authoritative reference and input builder live on the scoring server;
editing this copy changes nothing except your own understanding.
"""

import jax, jax.numpy as jnp
import numpy as np

N = 10000
K = 16

def group_norm(x, G, gamma, beta, eps=1e-5):
    E, C = x.shape
    xr = x.reshape(E, G, C // G)
    m = xr.mean(axis=-1, keepdims=True)
    v = xr.var(axis=-1, keepdims=True)
    xn = (xr - m) / jnp.sqrt(v + eps)
    return xn.reshape(E, C) * gamma + beta

def knn_graph(pos, k):
    n = pos.shape[0]
    sq = jnp.sum(pos * pos, axis=1)
    chunks = []
    step = 1000
    for s in range(0, n, step):
        p = pos[s:s + step]
        d = sq[None, :] - 2.0 * (p @ pos.T) + jnp.sum(p * p, axis=1)[:, None]
        _, idx = jax.lax.top_k(-d, k)
        chunks.append(idx)
    nbr = jnp.concatenate(chunks, axis=0)
    src = nbr.reshape(-1)
    dst = jnp.repeat(jnp.arange(n), k)
    return src, dst

def point_conv(x, pos, src, dst, Wa, ba, g, be, Wb, bb, groups, n):
    rel = pos[src] - pos[dst]
    m = jnp.concatenate([x[src], rel], axis=-1)
    h = m @ Wa + ba
    h = group_norm(h, groups, g, be)
    h = jax.nn.relu(h)
    h = h @ Wb + bb
    return jax.ops.segment_max(h, dst, num_segments=n)

def setup_inputs(seed: int = 0):
    key = jax.random.key(seed)
    ks = jax.random.split(key, 8)
    pos = jax.random.normal(ks[0], (N, 3), dtype=jnp.float32)
    normal = jax.random.normal(ks[1], (N, 3), dtype=jnp.float32)
    def lin(k, i, o):
        return jax.random.normal(k, (i, o), dtype=jnp.float32) * (1.0 / np.sqrt(i)), jnp.zeros((o,), dtype=jnp.float32)
    W1a, b1a = lin(ks[2], 9, 64)
    W1b, b1b = lin(ks[3], 64, 64)
    W2a, b2a = lin(ks[4], 67, 64)
    W2b, b2b = lin(ks[5], 64, 64)
    W3a, b3a = lin(ks[6], 67, 128)
    W3b, b3b = lin(ks[7], 128, 128)
    return {"pos": pos, "normal": normal,
            "W1a": W1a, "b1a": b1a, "g1": jnp.ones((64,), jnp.float32), "be1": jnp.zeros((64,), jnp.float32), "W1b": W1b, "b1b": b1b,
            "W2a": W2a, "b2a": b2a, "g2": jnp.ones((64,), jnp.float32), "be2": jnp.zeros((64,), jnp.float32), "W2b": W2b, "b2b": b2b,
            "W3a": W3a, "b3a": b3a, "g3": jnp.ones((128,), jnp.float32), "be3": jnp.zeros((128,), jnp.float32), "W3b": W3b, "b3b": b3b}

def reference(pos, normal, W1a, b1a, g1, be1, W1b, b1b, W2a, b2a, g2, be2, W2b, b2b, W3a, b3a, g3, be3, W3b, b3b):
    src, dst = knn_graph(pos, K)
    h = jnp.concatenate([pos, normal], axis=-1)
    h1 = jax.nn.relu(point_conv(h, pos, src, dst, W1a, b1a, g1, be1, W1b, b1b, 8, N))
    h2 = jax.nn.relu(point_conv(h1, pos, src, dst, W2a, b2a, g2, be2, W2b, b2b, 8, N))
    h3 = jax.nn.relu(point_conv(h2, pos, src, dst, W3a, b3a, g3, be3, W3b, b3b, 16, N))
    return (h1, h2, h3)

if __name__ == "__main__":
    import jax
    _d = setup_inputs()
    print(jax.jit(kernel)(*tuple(_d.values())))

</pallas_src>

<mosaic_0001>
#map = affine_map<(d0, d1) -> (0, 0)>
module attributes {stable_mosaic.version = 14 : i64} {
  func.func @gk(%arg0: i32, %arg1: i32, %arg2: memref<1280x128xi32, #tpu.memory_space<hbm>>, %arg3: memref<819200x128xf32, #tpu.memory_space<hbm>>, %arg4: memref<163840x128xf32, #tpu.memory_space<hbm>>, %arg5: memref<40x128xi32, #tpu.memory_space<vmem>>, %arg6: memref<128x128xf32, #tpu.memory_space<vmem>>, %arg7: memref<128x128xf32, #tpu.memory_space<vmem>>, %arg8: memref<!tpu.dma_semaphore, #tpu.memory_space<semaphore_mem>>, %arg9: memref<!tpu.dma_semaphore, #tpu.memory_space<semaphore_mem>>) attributes {dimension_semantics = [#tpu.dimension_semantics<core_parallel>, #tpu.dimension_semantics<subcore_parallel>], iteration_bounds = array<i64: 2, 16>, scalar_prefetch = 0 : i64, scratch_operands = 5 : i64, tpu.core_type = #tpu.core_type<sc_vector_subcore>, window_params = [{transform_indices = #map}, {transform_indices = #map}, {transform_indices = #map}]} {
    %mul3A = arith.constant 2 : i32
    %mul3A_0 = arith.muli %arg1, %mul3A : i32
    %add3A = arith.addi %mul3A_0, %arg0 : i32
    %mul3A_1 = arith.constant 40 : i32
    %mul3A_2 = arith.muli %add3A, %mul3A_1 : i32
    %multiple_of3A = tpu.assume_multiple %mul3A_2, 8 : i32
    "tpu.region"() ({
      %run_scoped3A = tpu.sem_alloc : memref<!tpu.dma_semaphore, #tpu.memory_space<semaphore_mem>>
      %dma_start3A_14 = arith.constant 0 : i32
      %dma_start3A_15 = tpu.memref_slice %arg2[%multiple_of3A, %dma_start3A_14] : memref<1280x128xi32, #tpu.memory_space<hbm>> -> memref<40x128xi32, #tpu.memory_space<hbm>>
      %dma_start3A_16 = arith.constant 0 : i32
      %dma_start3A_17 = tpu.memref_slice %arg2[%multiple_of3A, %dma_start3A_16] : memref<1280x128xi32, #tpu.memory_space<hbm>> -> memref<40x128xi32, #tpu.memory_space<hbm>>
      tpu.enqueue_dma source(%dma_start3A_17 : memref<40x128xi32, #tpu.memory_space<hbm>>) target(%arg5 : memref<40x128xi32, #tpu.memory_space<vmem>>) target_semaphore(%run_scoped3A : memref<!tpu.dma_semaphore, #tpu.memory_space<semaphore_mem>>)
      %dma_wait3A = arith.constant 0 : i32
      %dma_wait3A_18 = tpu.memref_slice %arg2[%multiple_of3A, %dma_wait3A] : memref<1280x128xi32, #tpu.memory_space<hbm>> -> memref<40x128xi32, #tpu.memory_space<hbm>>
      %dma_wait3A_19 = arith.constant 0 : i32
      %dma_wait3A_20 = tpu.memref_slice %arg2[%multiple_of3A, %dma_wait3A_19] : memref<1280x128xi32, #tpu.memory_space<hbm>> -> memref<40x128xi32, #tpu.memory_space<hbm>>
      tpu.wait_dma2 semaphore(%run_scoped3A : memref<!tpu.dma_semaphore, #tpu.memory_space<semaphore_mem>>) src(%dma_wait3A_20 : memref<40x128xi32, #tpu.memory_space<hbm>>) dst(%arg5 : memref<40x128xi32, #tpu.memory_space<vmem>>)
      tpu.yield
    }) : () -> ()
    %dma_start3A = arith.constant 0 : i32
    %dma_start3A_3 = arith.constant 0 : i32
    %dma_start3A_4 = tpu.memref_slice %arg5[%dma_start3A, %dma_start3A_3] : memref<40x128xi32, #tpu.memory_space<vmem>> -> memref<1x128xi32, #tpu.memory_space<vmem>>
    %dma_start3A_5 = tpu.memref_squeeze %dma_start3A_4 : memref<1x128xi32, #tpu.memory_space<vmem>> -> memref<128xi32, #tpu.memory_space<vmem>>
    %dma_start3A_6 = arith.constant 0 : i32
    %dma_start3A_7 = arith.constant 0 : i32
    %dma_start3A_8 = tpu.memref_slice %arg3[%dma_start3A_6, %dma_start3A_7] : memref<819200x128xf32, #tpu.memory_space<hbm>> -> memref<819200x128xf32, #tpu.memory_space<hbm>>
    tpu.enqueue_indirect_dma source(%dma_start3A_8 : memref<819200x128xf32, #tpu.memory_space<hbm>>) target(%arg6 : memref<128x128xf32, #tpu.memory_space<vmem>>) offsets(%dma_start3A_5 : memref<128xi32, #tpu.memory_space<vmem>>) semaphore(%arg8 : memref<!tpu.dma_semaphore, #tpu.memory_space<semaphore_mem>>)
    %scan3A = arith.constant 0 : i32
    %scan3A_9 = arith.constant 0 : i32
    %scan3A_10 = arith.constant 20 : i32
    %scan3A_11 = arith.addi %scan3A_9, %scan3A_10 : i32
    %scan3A_12 = arith.constant 1 : i32
    scf.for %scan3A_14 = %scan3A_9 to %scan3A_11 step %scan3A_12  : i32 {
      %mul3A_15 = arith.constant 2 : i32
      %mul3A_16 = arith.muli %mul3A_15, %scan3A_14 : i32
      %add3A_17 = arith.constant 1 : i32
      %add3A_18 = arith.addi %mul3A_16, %add3A_17 : i32
      %dma_start3A_19 = arith.constant 0 : i32
      %dma_start3A_20 = tpu.memref_slice %arg5[%add3A_18, %dma_start3A_19] : memref<40x128xi32, #tpu.memory_space<vmem>> -> memref<1x128xi32, #tpu.memory_space<vmem>>
      %dma_start3A_21 = tpu.memref_squeeze %dma_start3A_20 : memref<1x128xi32, #tpu.memory_space<vmem>> -> memref<128xi32, #tpu.memory_space<vmem>>
      %dma_start3A_22 = arith.constant 0 : i32
      %dma_start3A_23 = arith.constant 0 : i32
      %dma_start3A_24 = tpu.memref_slice %arg3[%dma_start3A_22, %dma_start3A_23] : memref<819200x128xf32, #tpu.memory_space<hbm>> -> memref<819200x128xf32, #tpu.memory_space<hbm>>
      tpu.enqueue_indirect_dma source(%dma_start3A_24 : memref<819200x128xf32, #tpu.memory_space<hbm>>) target(%arg7 : memref<128x128xf32, #tpu.memory_space<vmem>>) offsets(%dma_start3A_21 : memref<128xi32, #tpu.memory_space<vmem>>) semaphore(%arg9 : memref<!tpu.dma_semaphore, #tpu.memory_space<semaphore_mem>>)
      %dma_wait3A = arith.constant 0 : i32
      %dma_wait3A_25 = tpu.memref_slice %arg5[%mul3A_16, %dma_wait3A] : memref<40x128xi32, #tpu.memory_space<vmem>> -> memref<1x128xi32, #tpu.memory_space<vmem>>
      %dma_wait3A_26 = tpu.memref_squeeze %dma_wait3A_25 : memref<1x128xi32, #tpu.memory_space<vmem>> -> memref<128xi32, #tpu.memory_space<vmem>>
      %dma_wait3A_27 = arith.constant 0 : i32
      %dma_wait3A_28 = arith.constant 0 : i32
      %dma_wait3A_29 = tpu.memref_slice %arg3[%dma_wait3A_27, %dma_wait3A_28] : memref<819200x128xf32, #tpu.memory_space<hbm>> -> memref<819200x128xf32, #tpu.memory_space<hbm>>
      tpu.wait_indirect_dma semaphore(%arg8 : memref<!tpu.dma_semaphore, #tpu.memory_space<semaphore_mem>>) src(%dma_wait3A_29 : memref<819200x128xf32, #tpu.memory_space<hbm>>) dst(%arg6 : memref<128x128xf32, #tpu.memory_space<vmem>>)
      %add3A_30 = arith.addi %multiple_of3A, %mul3A_16 : i32
      %mul3A_31 = arith.constant 128 : i32
      %mul3A_32 = arith.muli %add3A_30, %mul3A_31 : i32
      "tpu.region"() ({
        %run_scoped3A = tpu.sem_alloc : memref<!tpu.dma_semaphore, #tpu.memory_space<semaphore_mem>>
        %dma_start3A_50 = arith.constant 0 : i32
        %dma_start3A_51 = tpu.memref_slice %arg4[%mul3A_32, %dma_start3A_50] : memref<163840x128xf32, #tpu.memory_space<hbm>> -> memref<128x128xf32, #tpu.memory_space<hbm>>
        %dma_start3A_52 = arith.constant 0 : i32
        %dma_start3A_53 = tpu.memref_slice %arg4[%mul3A_32, %dma_start3A_52] : memref<163840x128xf32, #tpu.memory_space<hbm>> -> memref<128x128xf32, #tpu.memory_space<hbm>>
        tpu.enqueue_dma source(%arg6 : memref<128x128xf32, #tpu.memory_space<vmem>>) target(%dma_start3A_53 : memref<128x128xf32, #tpu.memory_space<hbm>>) target_semaphore(%run_scoped3A : memref<!tpu.dma_semaphore, #tpu.memory_space<semaphore_mem>>)
        %dma_wait3A_54 = arith.constant 0 : i32
        %dma_wait3A_55 = tpu.memref_slice %arg4[%mul3A_32, %dma_wait3A_54] : memref<163840x128xf32, #tpu.memory_space<hbm>> -> memref<128x128xf32, #tpu.memory_space<hbm>>
        %dma_wait3A_56 = arith.constant 0 : i32
        %dma_wait3A_57 = tpu.memref_slice %arg4[%mul3A_32, %dma_wait3A_56] : memref<163840x128xf32, #tpu.memory_space<hbm>> -> memref<128x128xf32, #tpu.memory_space<hbm>>
        tpu.wait_dma2 semaphore(%run_scoped3A : memref<!tpu.dma_semaphore, #tpu.memory_space<semaphore_mem>>) src(%arg6 : memref<128x128xf32, #tpu.memory_space<vmem>>) dst(%dma_wait3A_57 : memref<128x128xf32, #tpu.memory_space<hbm>>)
        tpu.yield
      }) : () -> ()
      %add3A_33 = arith.constant 2 : i32
      %add3A_34 = arith.addi %mul3A_16, %add3A_33 : i32
      %lt3A = arith.constant 40 : i32
      %lt3A_35 = arith.cmpi slt, %add3A_34, %lt3A : i32
      %convert_element_type3A = arith.extui %lt3A_35 : i1 to i32
      %cond3A = arith.constant 0 : i32
      %cond3A_36 = arith.cmpi ne, %convert_element_type3A, %cond3A : i32
      scf.if %cond3A_36 {
        %add3A_50 = arith.constant 2 : i32
        %add3A_51 = arith.addi %mul3A_16, %add3A_50 : i32
        %dma_start3A_52 = arith.constant 0 : i32
        %dma_start3A_53 = tpu.memref_slice %arg5[%add3A_51, %dma_start3A_52] : memref<40x128xi32, #tpu.memory_space<vmem>> -> memref<1x128xi32, #tpu.memory_space<vmem>>
        %dma_start3A_54 = tpu.memref_squeeze %dma_start3A_53 : memref<1x128xi32, #tpu.memory_space<vmem>> -> memref<128xi32, #tpu.memory_space<vmem>>
        %dma_start3A_55 = arith.constant 0 : i32
        %dma_start3A_56 = arith.constant 0 : i32
        %dma_start3A_57 = tpu.memref_slice %arg3[%dma_start3A_55, %dma_start3A_56] : memref<819200x128xf32, #tpu.memory_space<hbm>> -> memref<819200x128xf32, #tpu.memory_space<hbm>>
        tpu.enqueue_indirect_dma source(%dma_start3A_57 : memref<819200x128xf32, #tpu.memory_space<hbm>>) target(%arg6 : memref<128x128xf32, #tpu.memory_space<vmem>>) offsets(%dma_start3A_54 : memref<128xi32, #tpu.memory_space<vmem>>) semaphore(%arg8 : memref<!tpu.dma_semaphore, #tpu.memory_space<semaphore_mem>>)
      } else {
      }
      %add3A_37 = arith.constant 1 : i32
      %add3A_38 = arith.addi %mul3A_16, %add3A_37 : i32
      %dma_wait3A_39 = arith.constant 0 : i32
      %dma_wait3A_40 = tpu.memref_slice %arg5[%add3A_38, %dma_wait3A_39] : memref<40x128xi32, #tpu.memory_space<vmem>> -> memref<1x128xi32, #tpu.memory_space<vmem>>
      %dma_wait3A_41 = tpu.memref_squeeze %dma_wait3A_40 : memref<1x128xi32, #tpu.memory_space<vmem>> -> memref<128xi32, #tpu.memory_space<vmem>>
      %dma_wait3A_42 = arith.constant 0 : i32
      %dma_wait3A_43 = arith.constant 0 : i32
      %dma_wait3A_44 = tpu.memref_slice %arg3[%dma_wait3A_42, %dma_wait3A_43] : memref<819200x128xf32, #tpu.memory_space<hbm>> -> memref<819200x128xf32, #tpu.memory_space<hbm>>
      tpu.wait_indirect_dma semaphore(%arg9 : memref<!tpu.dma_semaphore, #tpu.memory_space<semaphore_mem>>) src(%dma_wait3A_44 : memref<819200x128xf32, #tpu.memory_space<hbm>>) dst(%arg7 : memref<128x128xf32, #tpu.memory_space<vmem>>)
      %add3A_45 = arith.constant 1 : i32
      %add3A_46 = arith.addi %mul3A_16, %add3A_45 : i32
      %add3A_47 = arith.addi %multiple_of3A, %add3A_46 : i32
      %mul3A_48 = arith.constant 128 : i32
      %mul3A_49 = arith.muli %add3A_47, %mul3A_48 : i32
      "tpu.region"() ({
        %run_scoped3A = tpu.sem_alloc : memref<!tpu.dma_semaphore, #tpu.memory_space<semaphore_mem>>
        %dma_start3A_50 = arith.constant 0 : i32
        %dma_start3A_51 = tpu.memref_slice %arg4[%mul3A_49, %dma_start3A_50] : memref<163840x128xf32, #tpu.memory_space<hbm>> -> memref<128x128xf32, #tpu.memory_space<hbm>>
        %dma_start3A_52 = arith.constant 0 : i32
        %dma_start3A_53 = tpu.memref_slice %arg4[%mul3A_49, %dma_start3A_52] : memref<163840x128xf32, #tpu.memory_space<hbm>> -> memref<128x128xf32, #tpu.memory_space<hbm>>
        tpu.enqueue_dma source(%arg7 : memref<128x128xf32, #tpu.memory_space<vmem>>) target(%dma_start3A_53 : memref<128x128xf32, #tpu.memory_space<hbm>>) target_semaphore(%run_scoped3A : memref<!tpu.dma_semaphore, #tpu.memory_space<semaphore_mem>>)
        %dma_wait3A_54 = arith.constant 0 : i32
        %dma_wait3A_55 = tpu.memref_slice %arg4[%mul3A_49, %dma_wait3A_54] : memref<163840x128xf32, #tpu.memory_space<hbm>> -> memref<128x128xf32, #tpu.memory_space<hbm>>
        %dma_wait3A_56 = arith.constant 0 : i32
        %dma_wait3A_57 = tpu.memref_slice %arg4[%mul3A_49, %dma_wait3A_56] : memref<163840x128xf32, #tpu.memory_space<hbm>> -> memref<128x128xf32, #tpu.memory_space<hbm>>
        tpu.wait_dma2 semaphore(%run_scoped3A : memref<!tpu.dma_semaphore, #tpu.memory_space<semaphore_mem>>) src(%arg7 : memref<128x128xf32, #tpu.memory_space<vmem>>) dst(%dma_wait3A_57 : memref<128x128xf32, #tpu.memory_space<hbm>>)
        tpu.yield
      }) : () -> ()
    }
    %scan3A_13 = arith.constant 20 : i32
    return
  }
}

#map = affine_map<(d0, d1) -> (0, 0)>
module attributes {stable_mosaic.version = 14 : i64} {
  func.func @gk(%arg0: i32, %arg1: i32, %arg2: memref<1280x128xi32, #tpu.memory_space<hbm>>, %arg3: memref<10000x128xf32, #tpu.memory_space<hbm>>, %arg4: memref<163840x128xf32, #tpu.memory_space<hbm>>, %arg5: memref<40x128xi32, #tpu.memory_space<vmem>>, %arg6: memref<128x128xf32, #tpu.memory_space<vmem>>, %arg7: memref<128x128xf32, #tpu.memory_space<vmem>>, %arg8: memref<!tpu.dma_semaphore, #tpu.memory_space<semaphore_mem>>, %arg9: memref<!tpu.dma_semaphore, #tpu.memory_space<semaphore_mem>>) attributes {dimension_semantics = [#tpu.dimension_semantics<core_parallel>, #tpu.dimension_semantics<subcore_parallel>], iteration_bounds = array<i64: 2, 16>, scalar_prefetch = 0 : i64, scratch_operands = 5 : i64, tpu.core_type = #tpu.core_type<sc_vector_subcore>, window_params = [{transform_indices = #map}, {transform_indices = #map}, {transform_indices = #map}]} {
    %mul3A = arith.constant 2 : i32
    %mul3A_0 = arith.muli %arg1, %mul3A : i32
    %add3A = arith.addi %mul3A_0, %arg0 : i32
    %mul3A_1 = arith.constant 40 : i32
    %mul3A_2 = arith.muli %add3A, %mul3A_1 : i32
    %multiple_of3A = tpu.assume_multiple %mul3A_2, 8 : i32
    "tpu.region"() ({
      %run_scoped3A = tpu.sem_alloc : memref<!tpu.dma_semaphore, #tpu.memory_space<semaphore_mem>>
      %dma_start3A_14 = arith.constant 0 : i32
      %dma_start3A_15 = tpu.memref_slice %arg2[%multiple_of3A, %dma_start3A_14] : memref<1280x128xi32, #tpu.memory_space<hbm>> -> memref<40x128xi32, #tpu.memory_space<hbm>>
      %dma_start3A_16 = arith.constant 0 : i32
      %dma_start3A_17 = tpu.memref_slice %arg2[%multiple_of3A, %dma_start3A_16] : memref<1280x128xi32, #tpu.memory_space<hbm>> -> memref<40x128xi32, #tpu.memory_space<hbm>>
      tpu.enqueue_dma source(%dma_start3A_17 : memref<40x128xi32, #tpu.memory_space<hbm>>) target(%arg5 : memref<40x128xi32, #tpu.memory_space<vmem>>) target_semaphore(%run_scoped3A : memref<!tpu.dma_semaphore, #tpu.memory_space<semaphore_mem>>)
      %dma_wait3A = arith.constant 0 : i32
      %dma_wait3A_18 = tpu.memref_slice %arg2[%multiple_of3A, %dma_wait3A] : memref<1280x128xi32, #tpu.memory_space<hbm>> -> memref<40x128xi32, #tpu.memory_space<hbm>>
      %dma_wait3A_19 = arith.constant 0 : i32
      %dma_wait3A_20 = tpu.memref_slice %arg2[%multiple_of3A, %dma_wait3A_19] : memref<1280x128xi32, #tpu.memory_space<hbm>> -> memref<40x128xi32, #tpu.memory_space<hbm>>
      tpu.wait_dma2 semaphore(%run_scoped3A : memref<!tpu.dma_semaphore, #tpu.memory_space<semaphore_mem>>) src(%dma_wait3A_20 : memref<40x128xi32, #tpu.memory_space<hbm>>) dst(%arg5 : memref<40x128xi32, #tpu.memory_space<vmem>>)
      tpu.yield
    }) : () -> ()
    %dma_start3A = arith.constant 0 : i32
    %dma_start3A_3 = arith.constant 0 : i32
    %dma_start3A_4 = tpu.memref_slice %arg5[%dma_start3A, %dma_start3A_3] : memref<40x128xi32, #tpu.memory_space<vmem>> -> memref<1x128xi32, #tpu.memory_space<vmem>>
    %dma_start3A_5 = tpu.memref_squeeze %dma_start3A_4 : memref<1x128xi32, #tpu.memory_space<vmem>> -> memref<128xi32, #tpu.memory_space<vmem>>
    %dma_start3A_6 = arith.constant 0 : i32
    %dma_start3A_7 = arith.constant 0 : i32
    %dma_start3A_8 = tpu.memref_slice %arg3[%dma_start3A_6, %dma_start3A_7] : memref<10000x128xf32, #tpu.memory_space<hbm>> -> memref<10000x128xf32, #tpu.memory_space<hbm>>
    tpu.enqueue_indirect_dma source(%dma_start3A_8 : memref<10000x128xf32, #tpu.memory_space<hbm>>) target(%arg6 : memref<128x128xf32, #tpu.memory_space<vmem>>) offsets(%dma_start3A_5 : memref<128xi32, #tpu.memory_space<vmem>>) semaphore(%arg8 : memref<!tpu.dma_semaphore, #tpu.memory_space<semaphore_mem>>)
    %scan3A = arith.constant 0 : i32
    %scan3A_9 = arith.constant 0 : i32
    %scan3A_10 = arith.constant 20 : i32
    %scan3A_11 = arith.addi %scan3A_9, %scan3A_10 : i32
    %scan3A_12 = arith.constant 1 : i32
    scf.for %scan3A_14 = %scan3A_9 to %scan3A_11 step %scan3A_12  : i32 {
      %mul3A_15 = arith.constant 2 : i32
      %mul3A_16 = arith.muli %mul3A_15, %scan3A_14 : i32
      %add3A_17 = arith.constant 1 : i32
      %add3A_18 = arith.addi %mul3A_16, %add3A_17 : i32
      %dma_start3A_19 = arith.constant 0 : i32
      %dma_start3A_20 = tpu.memref_slice %arg5[%add3A_18, %dma_start3A_19] : memref<40x128xi32, #tpu.memory_space<vmem>> -> memref<1x128xi32, #tpu.memory_space<vmem>>
      %dma_start3A_21 = tpu.memref_squeeze %dma_start3A_20 : memref<1x128xi32, #tpu.memory_space<vmem>> -> memref<128xi32, #tpu.memory_space<vmem>>
      %dma_start3A_22 = arith.constant 0 : i32
      %dma_start3A_23 = arith.constant 0 : i32
      %dma_start3A_24 = tpu.memref_slice %arg3[%dma_start3A_22, %dma_start3A_23] : memref<10000x128xf32, #tpu.memory_space<hbm>> -> memref<10000x128xf32, #tpu.memory_space<hbm>>
      tpu.enqueue_indirect_dma source(%dma_start3A_24 : memref<10000x128xf32, #tpu.memory_space<hbm>>) target(%arg7 : memref<128x128xf32, #tpu.memory_space<vmem>>) offsets(%dma_start3A_21 : memref<128xi32, #tpu.memory_space<vmem>>) semaphore(%arg9 : memref<!tpu.dma_semaphore, #tpu.memory_space<semaphore_mem>>)
      %dma_wait3A = arith.constant 0 : i32
      %dma_wait3A_25 = tpu.memref_slice %arg5[%mul3A_16, %dma_wait3A] : memref<40x128xi32, #tpu.memory_space<vmem>> -> memref<1x128xi32, #tpu.memory_space<vmem>>
      %dma_wait3A_26 = tpu.memref_squeeze %dma_wait3A_25 : memref<1x128xi32, #tpu.memory_space<vmem>> -> memref<128xi32, #tpu.memory_space<vmem>>
      %dma_wait3A_27 = arith.constant 0 : i32
      %dma_wait3A_28 = arith.constant 0 : i32
      %dma_wait3A_29 = tpu.memref_slice %arg3[%dma_wait3A_27, %dma_wait3A_28] : memref<10000x128xf32, #tpu.memory_space<hbm>> -> memref<10000x128xf32, #tpu.memory_space<hbm>>
      tpu.wait_indirect_dma semaphore(%arg8 : memref<!tpu.dma_semaphore, #tpu.memory_space<semaphore_mem>>) src(%dma_wait3A_29 : memref<10000x128xf32, #tpu.memory_space<hbm>>) dst(%arg6 : memref<128x128xf32, #tpu.memory_space<vmem>>)
      %add3A_30 = arith.addi %multiple_of3A, %mul3A_16 : i32
      %mul3A_31 = arith.constant 128 : i32
      %mul3A_32 = arith.muli %add3A_30, %mul3A_31 : i32
      "tpu.region"() ({
        %run_scoped3A = tpu.sem_alloc : memref<!tpu.dma_semaphore, #tpu.memory_space<semaphore_mem>>
        %dma_start3A_50 = arith.constant 0 : i32
        %dma_start3A_51 = tpu.memref_slice %arg4[%mul3A_32, %dma_start3A_50] : memref<163840x128xf32, #tpu.memory_space<hbm>> -> memref<128x128xf32, #tpu.memory_space<hbm>>
        %dma_start3A_52 = arith.constant 0 : i32
        %dma_start3A_53 = tpu.memref_slice %arg4[%mul3A_32, %dma_start3A_52] : memref<163840x128xf32, #tpu.memory_space<hbm>> -> memref<128x128xf32, #tpu.memory_space<hbm>>
        tpu.enqueue_dma source(%arg6 : memref<128x128xf32, #tpu.memory_space<vmem>>) target(%dma_start3A_53 : memref<128x128xf32, #tpu.memory_space<hbm>>) target_semaphore(%run_scoped3A : memref<!tpu.dma_semaphore, #tpu.memory_space<semaphore_mem>>)
        %dma_wait3A_54 = arith.constant 0 : i32
        %dma_wait3A_55 = tpu.memref_slice %arg4[%mul3A_32, %dma_wait3A_54] : memref<163840x128xf32, #tpu.memory_space<hbm>> -> memref<128x128xf32, #tpu.memory_space<hbm>>
        %dma_wait3A_56 = arith.constant 0 : i32
        %dma_wait3A_57 = tpu.memref_slice %arg4[%mul3A_32, %dma_wait3A_56] : memref<163840x128xf32, #tpu.memory_space<hbm>> -> memref<128x128xf32, #tpu.memory_space<hbm>>
        tpu.wait_dma2 semaphore(%run_scoped3A : memref<!tpu.dma_semaphore, #tpu.memory_space<semaphore_mem>>) src(%arg6 : memref<128x128xf32, #tpu.memory_space<vmem>>) dst(%dma_wait3A_57 : memref<128x128xf32, #tpu.memory_space<hbm>>)
        tpu.yield
      }) : () -> ()
      %add3A_33 = arith.constant 2 : i32
      %add3A_34 = arith.addi %mul3A_16, %add3A_33 : i32
      %lt3A = arith.constant 40 : i32
      %lt3A_35 = arith.cmpi slt, %add3A_34, %lt3A : i32
      %convert_element_type3A = arith.extui %lt3A_35 : i1 to i32
      %cond3A = arith.constant 0 : i32
      %cond3A_36 = arith.cmpi ne, %convert_element_type3A, %cond3A : i32
      scf.if %cond3A_36 {
        %add3A_50 = arith.constant 2 : i32
        %add3A_51 = arith.addi %mul3A_16, %add3A_50 : i32
        %dma_start3A_52 = arith.constant 0 : i32
        %dma_start3A_53 = tpu.memref_slice %arg5[%add3A_51, %dma_start3A_52] : memref<40x128xi32, #tpu.memory_space<vmem>> -> memref<1x128xi32, #tpu.memory_space<vmem>>
        %dma_start3A_54 = tpu.memref_squeeze %dma_start3A_53 : memref<1x128xi32, #tpu.memory_space<vmem>> -> memref<128xi32, #tpu.memory_space<vmem>>
        %dma_start3A_55 = arith.constant 0 : i32
        %dma_start3A_56 = arith.constant 0 : i32
        %dma_start3A_57 = tpu.memref_slice %arg3[%dma_start3A_55, %dma_start3A_56] : memref<10000x128xf32, #tpu.memory_space<hbm>> -> memref<10000x128xf32, #tpu.memory_space<hbm>>
        tpu.enqueue_indirect_dma source(%dma_start3A_57 : memref<10000x128xf32, #tpu.memory_space<hbm>>) target(%arg6 : memref<128x128xf32, #tpu.memory_space<vmem>>) offsets(%dma_start3A_54 : memref<128xi32, #tpu.memory_space<vmem>>) semaphore(%arg8 : memref<!tpu.dma_semaphore, #tpu.memory_space<semaphore_mem>>)
      } else {
      }
      %add3A_37 = arith.constant 1 : i32
      %add3A_38 = arith.addi %mul3A_16, %add3A_37 : i32
      %dma_wait3A_39 = arith.constant 0 : i32
      %dma_wait3A_40 = tpu.memref_slice %arg5[%add3A_38, %dma_wait3A_39] : memref<40x128xi32, #tpu.memory_space<vmem>> -> memref<1x128xi32, #tpu.memory_space<vmem>>
      %dma_wait3A_41 = tpu.memref_squeeze %dma_wait3A_40 : memref<1x128xi32, #tpu.memory_space<vmem>> -> memref<128xi32, #tpu.memory_space<vmem>>
      %dma_wait3A_42 = arith.constant 0 : i32
      %dma_wait3A_43 = arith.constant 0 : i32
      %dma_wait3A_44 = tpu.memref_slice %arg3[%dma_wait3A_42, %dma_wait3A_43] : memref<10000x128xf32, #tpu.memory_space<hbm>> -> memref<10000x128xf32, #tpu.memory_space<hbm>>
      tpu.wait_indirect_dma semaphore(%arg9 : memref<!tpu.dma_semaphore, #tpu.memory_space<semaphore_mem>>) src(%dma_wait3A_44 : memref<10000x128xf32, #tpu.memory_space<hbm>>) dst(%arg7 : memref<128x128xf32, #tpu.memory_space<vmem>>)
      %add3A_45 = arith.constant 1 : i32
      %add3A_46 = arith.addi %mul3A_16, %add3A_45 : i32
      %add3A_47 = arith.addi %multiple_of3A, %add3A_46 : i32
      %mul3A_48 = arith.constant 128 : i32
      %mul3A_49 = arith.muli %add3A_47, %mul3A_48 : i32
      "tpu.region"() ({
        %run_scoped3A = tpu.sem_alloc : memref<!tpu.dma_semaphore, #tpu.memory_space<semaphore_mem>>
        %dma_start3A_50 = arith.constant 0 : i32
        %dma_start3A_51 = tpu.memref_slice %arg4[%mul3A_49, %dma_start3A_50] : memref<163840x128xf32, #tpu.memory_space<hbm>> -> memref<128x128xf32, #tpu.memory_space<hbm>>
        %dma_start3A_52 = arith.constant 0 : i32
        %dma_start3A_53 = tpu.memref_slice %arg4[%mul3A_49, %dma_start3A_52] : memref<163840x128xf32, #tpu.memory_space<hbm>> -> memref<128x128xf32, #tpu.memory_space<hbm>>
        tpu.enqueue_dma source(%arg7 : memref<128x128xf32, #tpu.memory_space<vmem>>) target(%dma_start3A_53 : memref<128x128xf32, #tpu.memory_space<hbm>>) target_semaphore(%run_scoped3A : memref<!tpu.dma_semaphore, #tpu.memory_space<semaphore_mem>>)
        %dma_wait3A_54 = arith.constant 0 : i32
        %dma_wait3A_55 = tpu.memref_slice %arg4[%mul3A_49, %dma_wait3A_54] : memref<163840x128xf32, #tpu.memory_space<hbm>> -> memref<128x128xf32, #tpu.memory_space<hbm>>
        %dma_wait3A_56 = arith.constant 0 : i32
        %dma_wait3A_57 = tpu.memref_slice %arg4[%mul3A_49, %dma_wait3A_56] : memref<163840x128xf32, #tpu.memory_space<hbm>> -> memref<128x128xf32, #tpu.memory_space<hbm>>
        tpu.wait_dma2 semaphore(%run_scoped3A : memref<!tpu.dma_semaphore, #tpu.memory_space<semaphore_mem>>) src(%arg7 : memref<128x128xf32, #tpu.memory_space<vmem>>) dst(%dma_wait3A_57 : memref<128x128xf32, #tpu.memory_space<hbm>>)
        tpu.yield
      }) : () -> ()
    }
    %scan3A_13 = arith.constant 20 : i32
    return
  }
}

#map = affine_map<(d0, d1) -> (0, 0)>
module attributes {stable_mosaic.version = 14 : i64} {
  func.func @gk(%arg0: i32, %arg1: i32, %arg2: memref<1280x128xi32, #tpu.memory_space<hbm>>, %arg3: memref<10000x128xf32, #tpu.memory_space<hbm>>, %arg4: memref<163840x128xf32, #tpu.memory_space<hbm>>, %arg5: memref<40x128xi32, #tpu.memory_space<vmem>>, %arg6: memref<128x128xf32, #tpu.memory_space<vmem>>, %arg7: memref<128x128xf32, #tpu.memory_space<vmem>>, %arg8: memref<!tpu.dma_semaphore, #tpu.memory_space<semaphore_mem>>, %arg9: memref<!tpu.dma_semaphore, #tpu.memory_space<semaphore_mem>>) attributes {dimension_semantics = [#tpu.dimension_semantics<core_parallel>, #tpu.dimension_semantics<subcore_parallel>], iteration_bounds = array<i64: 2, 16>, scalar_prefetch = 0 : i64, scratch_operands = 5 : i64, tpu.core_type = #tpu.core_type<sc_vector_subcore>, window_params = [{transform_indices = #map}, {transform_indices = #map}, {transform_indices = #map}]} {
    %mul3A = arith.constant 2 : i32
    %mul3A_0 = arith.muli %arg1, %mul3A : i32
    %add3A = arith.addi %mul3A_0, %arg0 : i32
    %mul3A_1 = arith.constant 40 : i32
    %mul3A_2 = arith.muli %add3A, %mul3A_1 : i32
    %multiple_of3A = tpu.assume_multiple %mul3A_2, 8 : i32
    "tpu.region"() ({
      %run_scoped3A = tpu.sem_alloc : memref<!tpu.dma_semaphore, #tpu.memory_space<semaphore_mem>>
      %dma_start3A_14 = arith.constant 0 : i32
      %dma_start3A_15 = tpu.memref_slice %arg2[%multiple_of3A, %dma_start3A_14] : memref<1280x128xi32, #tpu.memory_space<hbm>> -> memref<40x128xi32, #tpu.memory_space<hbm>>
      %dma_start3A_16 = arith.constant 0 : i32
      %dma_start3A_17 = tpu.memref_slice %arg2[%multiple_of3A, %dma_start3A_16] : memref<1280x128xi32, #tpu.memory_space<hbm>> -> memref<40x128xi32, #tpu.memory_space<hbm>>
      tpu.enqueue_dma source(%dma_start3A_17 : memref<40x128xi32, #tpu.memory_space<hbm>>) target(%arg5 : memref<40x128xi32, #tpu.memory_space<vmem>>) target_semaphore(%run_scoped3A : memref<!tpu.dma_semaphore, #tpu.memory_space<semaphore_mem>>)
      %dma_wait3A = arith.constant 0 : i32
      %dma_wait3A_18 = tpu.memref_slice %arg2[%multiple_of3A, %dma_wait3A] : memref<1280x128xi32, #tpu.memory_space<hbm>> -> memref<40x128xi32, #tpu.memory_space<hbm>>
      %dma_wait3A_19 = arith.constant 0 : i32
      %dma_wait3A_20 = tpu.memref_slice %arg2[%multiple_of3A, %dma_wait3A_19] : memref<1280x128xi32, #tpu.memory_space<hbm>> -> memref<40x128xi32, #tpu.memory_space<hbm>>
      tpu.wait_dma2 semaphore(%run_scoped3A : memref<!tpu.dma_semaphore, #tpu.memory_space<semaphore_mem>>) src(%dma_wait3A_20 : memref<40x128xi32, #tpu.memory_space<hbm>>) dst(%arg5 : memref<40x128xi32, #tpu.memory_space<vmem>>)
      tpu.yield
    }) : () -> ()
    %dma_start3A = arith.constant 0 : i32
    %dma_start3A_3 = arith.constant 0 : i32
    %dma_start3A_4 = tpu.memref_slice %arg5[%dma_start3A, %dma_start3A_3] : memref<40x128xi32, #tpu.memory_space<vmem>> -> memref<1x128xi32, #tpu.memory_space<vmem>>
    %dma_start3A_5 = tpu.memref_squeeze %dma_start3A_4 : memref<1x128xi32, #tpu.memory_space<vmem>> -> memref<128xi32, #tpu.memory_space<vmem>>
    %dma_start3A_6 = arith.constant 0 : i32
    %dma_start3A_7 = arith.constant 0 : i32
    %dma_start3A_8 = tpu.memref_slice %arg3[%dma_start3A_6, %dma_start3A_7] : memref<10000x128xf32, #tpu.memory_space<hbm>> -> memref<10000x128xf32, #tpu.memory_space<hbm>>
    tpu.enqueue_indirect_dma source(%dma_start3A_8 : memref<10000x128xf32, #tpu.memory_space<hbm>>) target(%arg6 : memref<128x128xf32, #tpu.memory_space<vmem>>) offsets(%dma_start3A_5 : memref<128xi32, #tpu.memory_space<vmem>>) semaphore(%arg8 : memref<!tpu.dma_semaphore, #tpu.memory_space<semaphore_mem>>)
    %scan3A = arith.constant 0 : i32
    %scan3A_9 = arith.constant 0 : i32
    %scan3A_10 = arith.constant 20 : i32
    %scan3A_11 = arith.addi %scan3A_9, %scan3A_10 : i32
    %scan3A_12 = arith.constant 1 : i32
    scf.for %scan3A_14 = %scan3A_9 to %scan3A_11 step %scan3A_12  : i32 {
      %mul3A_15 = arith.constant 2 : i32
      %mul3A_16 = arith.muli %mul3A_15, %scan3A_14 : i32
      %add3A_17 = arith.constant 1 : i32
      %add3A_18 = arith.addi %mul3A_16, %add3A_17 : i32
      %dma_start3A_19 = arith.constant 0 : i32
      %dma_start3A_20 = tpu.memref_slice %arg5[%add3A_18, %dma_start3A_19] : memref<40x128xi32, #tpu.memory_space<vmem>> -> memref<1x128xi32, #tpu.memory_space<vmem>>
      %dma_start3A_21 = tpu.memref_squeeze %dma_start3A_20 : memref<1x128xi32, #tpu.memory_space<vmem>> -> memref<128xi32, #tpu.memory_space<vmem>>
      %dma_start3A_22 = arith.constant 0 : i32
      %dma_start3A_23 = arith.constant 0 : i32
      %dma_start3A_24 = tpu.memref_slice %arg3[%dma_start3A_22, %dma_start3A_23] : memref<10000x128xf32, #tpu.memory_space<hbm>> -> memref<10000x128xf32, #tpu.memory_space<hbm>>
      tpu.enqueue_indirect_dma source(%dma_start3A_24 : memref<10000x128xf32, #tpu.memory_space<hbm>>) target(%arg7 : memref<128x128xf32, #tpu.memory_space<vmem>>) offsets(%dma_start3A_21 : memref<128xi32, #tpu.memory_space<vmem>>) semaphore(%arg9 : memref<!tpu.dma_semaphore, #tpu.memory_space<semaphore_mem>>)
      %dma_wait3A = arith.constant 0 : i32
      %dma_wait3A_25 = tpu.memref_slice %arg5[%mul3A_16, %dma_wait3A] : memref<40x128xi32, #tpu.memory_space<vmem>> -> memref<1x128xi32, #tpu.memory_space<vmem>>
      %dma_wait3A_26 = tpu.memref_squeeze %dma_wait3A_25 : memref<1x128xi32, #tpu.memory_space<vmem>> -> memref<128xi32, #tpu.memory_space<vmem>>
      %dma_wait3A_27 = arith.constant 0 : i32
      %dma_wait3A_28 = arith.constant 0 : i32
      %dma_wait3A_29 = tpu.memref_slice %arg3[%dma_wait3A_27, %dma_wait3A_28] : memref<10000x128xf32, #tpu.memory_space<hbm>> -> memref<10000x128xf32, #tpu.memory_space<hbm>>
      tpu.wait_indirect_dma semaphore(%arg8 : memref<!tpu.dma_semaphore, #tpu.memory_space<semaphore_mem>>) src(%dma_wait3A_29 : memref<10000x128xf32, #tpu.memory_space<hbm>>) dst(%arg6 : memref<128x128xf32, #tpu.memory_space<vmem>>)
      %add3A_30 = arith.addi %multiple_of3A, %mul3A_16 : i32
      %mul3A_31 = arith.constant 128 : i32
      %mul3A_32 = arith.muli %add3A_30, %mul3A_31 : i32
      "tpu.region"() ({
        %run_scoped3A = tpu.sem_alloc : memref<!tpu.dma_semaphore, #tpu.memory_space<semaphore_mem>>
        %dma_start3A_50 = arith.constant 0 : i32
        %dma_start3A_51 = tpu.memref_slice %arg4[%mul3A_32, %dma_start3A_50] : memref<163840x128xf32, #tpu.memory_space<hbm>> -> memref<128x128xf32, #tpu.memory_space<hbm>>
        %dma_start3A_52 = arith.constant 0 : i32
        %dma_start3A_53 = tpu.memref_slice %arg4[%mul3A_32, %dma_start3A_52] : memref<163840x128xf32, #tpu.memory_space<hbm>> -> memref<128x128xf32, #tpu.memory_space<hbm>>
        tpu.enqueue_dma source(%arg6 : memref<128x128xf32, #tpu.memory_space<vmem>>) target(%dma_start3A_53 : memref<128x128xf32, #tpu.memory_space<hbm>>) target_semaphore(%run_scoped3A : memref<!tpu.dma_semaphore, #tpu.memory_space<semaphore_mem>>)
        %dma_wait3A_54 = arith.constant 0 : i32
        %dma_wait3A_55 = tpu.memref_slice %arg4[%mul3A_32, %dma_wait3A_54] : memref<163840x128xf32, #tpu.memory_space<hbm>> -> memref<128x128xf32, #tpu.memory_space<hbm>>
        %dma_wait3A_56 = arith.constant 0 : i32
        %dma_wait3A_57 = tpu.memref_slice %arg4[%mul3A_32, %dma_wait3A_56] : memref<163840x128xf32, #tpu.memory_space<hbm>> -> memref<128x128xf32, #tpu.memory_space<hbm>>
        tpu.wait_dma2 semaphore(%run_scoped3A : memref<!tpu.dma_semaphore, #tpu.memory_space<semaphore_mem>>) src(%arg6 : memref<128x128xf32, #tpu.memory_space<vmem>>) dst(%dma_wait3A_57 : memref<128x128xf32, #tpu.memory_space<hbm>>)
        tpu.yield
      }) : () -> ()
      %add3A_33 = arith.constant 2 : i32
      %add3A_34 = arith.addi %mul3A_16, %add3A_33 : i32
      %lt3A = arith.constant 40 : i32
      %lt3A_35 = arith.cmpi slt, %add3A_34, %lt3A : i32
      %convert_element_type3A = arith.extui %lt3A_35 : i1 to i32
      %cond3A = arith.constant 0 : i32
      %cond3A_36 = arith.cmpi ne, %convert_element_type3A, %cond3A : i32
      scf.if %cond3A_36 {
        %add3A_50 = arith.constant 2 : i32
        %add3A_51 = arith.addi %mul3A_16, %add3A_50 : i32
        %dma_start3A_52 = arith.constant 0 : i32
        %dma_start3A_53 = tpu.memref_slice %arg5[%add3A_51, %dma_start3A_52] : memref<40x128xi32, #tpu.memory_space<vmem>> -> memref<1x128xi32, #tpu.memory_space<vmem>>
        %dma_start3A_54 = tpu.memref_squeeze %dma_start3A_53 : memref<1x128xi32, #tpu.memory_space<vmem>> -> memref<128xi32, #tpu.memory_space<vmem>>
        %dma_start3A_55 = arith.constant 0 : i32
        %dma_start3A_56 = arith.constant 0 : i32
        %dma_start3A_57 = tpu.memref_slice %arg3[%dma_start3A_55, %dma_start3A_56] : memref<10000x128xf32, #tpu.memory_space<hbm>> -> memref<10000x128xf32, #tpu.memory_space<hbm>>
        tpu.enqueue_indirect_dma source(%dma_start3A_57 : memref<10000x128xf32, #tpu.memory_space<hbm>>) target(%arg6 : memref<128x128xf32, #tpu.memory_space<vmem>>) offsets(%dma_start3A_54 : memref<128xi32, #tpu.memory_space<vmem>>) semaphore(%arg8 : memref<!tpu.dma_semaphore, #tpu.memory_space<semaphore_mem>>)
      } else {
      }
      %add3A_37 = arith.constant 1 : i32
      %add3A_38 = arith.addi %mul3A_16, %add3A_37 : i32
      %dma_wait3A_39 = arith.constant 0 : i32
      %dma_wait3A_40 = tpu.memref_slice %arg5[%add3A_38, %dma_wait3A_39] : memref<40x128xi32, #tpu.memory_space<vmem>> -> memref<1x128xi32, #tpu.memory_space<vmem>>
      %dma_wait3A_41 = tpu.memref_squeeze %dma_wait3A_40 : memref<1x128xi32, #tpu.memory_space<vmem>> -> memref<128xi32, #tpu.memory_space<vmem>>
      %dma_wait3A_42 = arith.constant 0 : i32
      %dma_wait3A_43 = arith.constant 0 : i32
      %dma_wait3A_44 = tpu.memref_slice %arg3[%dma_wait3A_42, %dma_wait3A_43] : memref<10000x128xf32, #tpu.memory_space<hbm>> -> memref<10000x128xf32, #tpu.memory_space<hbm>>
      tpu.wait_indirect_dma semaphore(%arg9 : memref<!tpu.dma_semaphore, #tpu.memory_space<semaphore_mem>>) src(%dma_wait3A_44 : memref<10000x128xf32, #tpu.memory_space<hbm>>) dst(%arg7 : memref<128x128xf32, #tpu.memory_space<vmem>>)
      %add3A_45 = arith.constant 1 : i32
      %add3A_46 = arith.addi %mul3A_16, %add3A_45 : i32
      %add3A_47 = arith.addi %multiple_of3A, %add3A_46 : i32
      %mul3A_48 = arith.constant 128 : i32
      %mul3A_49 = arith.muli %add3A_47, %mul3A_48 : i32
      "tpu.region"() ({
        %run_scoped3A = tpu.sem_alloc : memref<!tpu.dma_semaphore, #tpu.memory_space<semaphore_mem>>
        %dma_start3A_50 = arith.constant 0 : i32
        %dma_start3A_51 = tpu.memref_slice %arg4[%mul3A_49, %dma_start3A_50] : memref<163840x128xf32, #tpu.memory_space<hbm>> -> memref<128x128xf32, #tpu.memory_space<hbm>>
        %dma_start3A_52 = arith.constant 0 : i32
        %dma_start3A_53 = tpu.memref_slice %arg4[%mul3A_49, %dma_start3A_52] : memref<163840x128xf32, #tpu.memory_space<hbm>> -> memref<128x128xf32, #tpu.memory_space<hbm>>
        tpu.enqueue_dma source(%arg7 : memref<128x128xf32, #tpu.memory_space<vmem>>) target(%dma_start3A_53 : memref<128x128xf32, #tpu.memory_space<hbm>>) target_semaphore(%run_scoped3A : memref<!tpu.dma_semaphore, #tpu.memory_space<semaphore_mem>>)
        %dma_wait3A_54 = arith.constant 0 : i32
        %dma_wait3A_55 = tpu.memref_slice %arg4[%mul3A_49, %dma_wait3A_54] : memref<163840x128xf32, #tpu.memory_space<hbm>> -> memref<128x128xf32, #tpu.memory_space<hbm>>
        %dma_wait3A_56 = arith.constant 0 : i32
        %dma_wait3A_57 = tpu.memref_slice %arg4[%mul3A_49, %dma_wait3A_56] : memref<163840x128xf32, #tpu.memory_space<hbm>> -> memref<128x128xf32, #tpu.memory_space<hbm>>
        tpu.wait_dma2 semaphore(%run_scoped3A : memref<!tpu.dma_semaphore, #tpu.memory_space<semaphore_mem>>) src(%arg7 : memref<128x128xf32, #tpu.memory_space<vmem>>) dst(%dma_wait3A_57 : memref<128x128xf32, #tpu.memory_space<hbm>>)
        tpu.yield
      }) : () -> ()
    }
    %scan3A_13 = arith.constant 20 : i32
    return
  }
}

#map = affine_map<(d0, d1) -> (0, 0)>
module attributes {stable_mosaic.version = 14 : i64} {
  func.func @gk(%arg0: i32, %arg1: i32, %arg2: memref<1280x128xi32, #tpu.memory_space<hbm>>, %arg3: memref<10000x128xf32, #tpu.memory_space<hbm>>, %arg4: memref<163840x128xf32, #tpu.memory_space<hbm>>, %arg5: memref<40x128xi32, #tpu.memory_space<vmem>>, %arg6: memref<128x128xf32, #tpu.memory_space<vmem>>, %arg7: memref<128x128xf32, #tpu.memory_space<vmem>>, %arg8: memref<!tpu.dma_semaphore, #tpu.memory_space<semaphore_mem>>, %arg9: memref<!tpu.dma_semaphore, #tpu.memory_space<semaphore_mem>>) attributes {dimension_semantics = [#tpu.dimension_semantics<core_parallel>, #tpu.dimension_semantics<subcore_parallel>], iteration_bounds = array<i64: 2, 16>, scalar_prefetch = 0 : i64, scratch_operands = 5 : i64, tpu.core_type = #tpu.core_type<sc_vector_subcore>, window_params = [{transform_indices = #map}, {transform_indices = #map}, {transform_indices = #map}]} {
    %mul3A = arith.constant 2 : i32
    %mul3A_0 = arith.muli %arg1, %mul3A : i32
    %add3A = arith.addi %mul3A_0, %arg0 : i32
    %mul3A_1 = arith.constant 40 : i32
    %mul3A_2 = arith.muli %add3A, %mul3A_1 : i32
    %multiple_of3A = tpu.assume_multiple %mul3A_2, 8 : i32
    "tpu.region"() ({
      %run_scoped3A = tpu.sem_alloc : memref<!tpu.dma_semaphore, #tpu.memory_space<semaphore_mem>>
      %dma_start3A_14 = arith.constant 0 : i32
      %dma_start3A_15 = tpu.memref_slice %arg2[%multiple_of3A, %dma_start3A_14] : memref<1280x128xi32, #tpu.memory_space<hbm>> -> memref<40x128xi32, #tpu.memory_space<hbm>>
      %dma_start3A_16 = arith.constant 0 : i32
      %dma_start3A_17 = tpu.memref_slice %arg2[%multiple_of3A, %dma_start3A_16] : memref<1280x128xi32, #tpu.memory_space<hbm>> -> memref<40x128xi32, #tpu.memory_space<hbm>>
      tpu.enqueue_dma source(%dma_start3A_17 : memref<40x128xi32, #tpu.memory_space<hbm>>) target(%arg5 : memref<40x128xi32, #tpu.memory_space<vmem>>) target_semaphore(%run_scoped3A : memref<!tpu.dma_semaphore, #tpu.memory_space<semaphore_mem>>)
      %dma_wait3A = arith.constant 0 : i32
      %dma_wait3A_18 = tpu.memref_slice %arg2[%multiple_of3A, %dma_wait3A] : memref<1280x128xi32, #tpu.memory_space<hbm>> -> memref<40x128xi32, #tpu.memory_space<hbm>>
      %dma_wait3A_19 = arith.constant 0 : i32
      %dma_wait3A_20 = tpu.memref_slice %arg2[%multiple_of3A, %dma_wait3A_19] : memref<1280x128xi32, #tpu.memory_space<hbm>> -> memref<40x128xi32, #tpu.memory_space<hbm>>
      tpu.wait_dma2 semaphore(%run_scoped3A : memref<!tpu.dma_semaphore, #tpu.memory_space<semaphore_mem>>) src(%dma_wait3A_20 : memref<40x128xi32, #tpu.memory_space<hbm>>) dst(%arg5 : memref<40x128xi32, #tpu.memory_space<vmem>>)
      tpu.yield
    }) : () -> ()
    %dma_start3A = arith.constant 0 : i32
    %dma_start3A_3 = arith.constant 0 : i32
    %dma_start3A_4 = tpu.memref_slice %arg5[%dma_start3A, %dma_start3A_3] : memref<40x128xi32, #tpu.memory_space<vmem>> -> memref<1x128xi32, #tpu.memory_space<vmem>>
    %dma_start3A_5 = tpu.memref_squeeze %dma_start3A_4 : memref<1x128xi32, #tpu.memory_space<vmem>> -> memref<128xi32, #tpu.memory_space<vmem>>
    %dma_start3A_6 = arith.constant 0 : i32
    %dma_start3A_7 = arith.constant 0 : i32
    %dma_start3A_8 = tpu.memref_slice %arg3[%dma_start3A_6, %dma_start3A_7] : memref<10000x128xf32, #tpu.memory_space<hbm>> -> memref<10000x128xf32, #tpu.memory_space<hbm>>
    tpu.enqueue_indirect_dma source(%dma_start3A_8 : memref<10000x128xf32, #tpu.memory_space<hbm>>) target(%arg6 : memref<128x128xf32, #tpu.memory_space<vmem>>) offsets(%dma_start3A_5 : memref<128xi32, #tpu.memory_space<vmem>>) semaphore(%arg8 : memref<!tpu.dma_semaphore, #tpu.memory_space<semaphore_mem>>)
    %scan3A = arith.constant 0 : i32
    %scan3A_9 = arith.constant 0 : i32
    %scan3A_10 = arith.constant 20 : i32
    %scan3A_11 = arith.addi %scan3A_9, %scan3A_10 : i32
    %scan3A_12 = arith.constant 1 : i32
    scf.for %scan3A_14 = %scan3A_9 to %scan3A_11 step %scan3A_12  : i32 {
      %mul3A_15 = arith.constant 2 : i32
      %mul3A_16 = arith.muli %mul3A_15, %scan3A_14 : i32
      %add3A_17 = arith.constant 1 : i32
      %add3A_18 = arith.addi %mul3A_16, %add3A_17 : i32
      %dma_start3A_19 = arith.constant 0 : i32
      %dma_start3A_20 = tpu.memref_slice %arg5[%add3A_18, %dma_start3A_19] : memref<40x128xi32, #tpu.memory_space<vmem>> -> memref<1x128xi32, #tpu.memory_space<vmem>>
      %dma_start3A_21 = tpu.memref_squeeze %dma_start3A_20 : memref<1x128xi32, #tpu.memory_space<vmem>> -> memref<128xi32, #tpu.memory_space<vmem>>
      %dma_start3A_22 = arith.constant 0 : i32
      %dma_start3A_23 = arith.constant 0 : i32
      %dma_start3A_24 = tpu.memref_slice %arg3[%dma_start3A_22, %dma_start3A_23] : memref<10000x128xf32, #tpu.memory_space<hbm>> -> memref<10000x128xf32, #tpu.memory_space<hbm>>
      tpu.enqueue_indirect_dma source(%dma_start3A_24 : memref<10000x128xf32, #tpu.memory_space<hbm>>) target(%arg7 : memref<128x128xf32, #tpu.memory_space<vmem>>) offsets(%dma_start3A_21 : memref<128xi32, #tpu.memory_space<vmem>>) semaphore(%arg9 : memref<!tpu.dma_semaphore, #tpu.memory_space<semaphore_mem>>)
      %dma_wait3A = arith.constant 0 : i32
      %dma_wait3A_25 = tpu.memref_slice %arg5[%mul3A_16, %dma_wait3A] : memref<40x128xi32, #tpu.memory_space<vmem>> -> memref<1x128xi32, #tpu.memory_space<vmem>>
      %dma_wait3A_26 = tpu.memref_squeeze %dma_wait3A_25 : memref<1x128xi32, #tpu.memory_space<vmem>> -> memref<128xi32, #tpu.memory_space<vmem>>
      %dma_wait3A_27 = arith.constant 0 : i32
      %dma_wait3A_28 = arith.constant 0 : i32
      %dma_wait3A_29 = tpu.memref_slice %arg3[%dma_wait3A_27, %dma_wait3A_28] : memref<10000x128xf32, #tpu.memory_space<hbm>> -> memref<10000x128xf32, #tpu.memory_space<hbm>>
      tpu.wait_indirect_dma semaphore(%arg8 : memref<!tpu.dma_semaphore, #tpu.memory_space<semaphore_mem>>) src(%dma_wait3A_29 : memref<10000x128xf32, #tpu.memory_space<hbm>>) dst(%arg6 : memref<128x128xf32, #tpu.memory_space<vmem>>)
      %add3A_30 = arith.addi %multiple_of3A, %mul3A_16 : i32
      %mul3A_31 = arith.constant 128 : i32
      %mul3A_32 = arith.muli %add3A_30, %mul3A_31 : i32
      "tpu.region"() ({
        %run_scoped3A = tpu.sem_alloc : memref<!tpu.dma_semaphore, #tpu.memory_space<semaphore_mem>>
        %dma_start3A_50 = arith.constant 0 : i32
        %dma_start3A_51 = tpu.memref_slice %arg4[%mul3A_32, %dma_start3A_50] : memref<163840x128xf32, #tpu.memory_space<hbm>> -> memref<128x128xf32, #tpu.memory_space<hbm>>
        %dma_start3A_52 = arith.constant 0 : i32
        %dma_start3A_53 = tpu.memref_slice %arg4[%mul3A_32, %dma_start3A_52] : memref<163840x128xf32, #tpu.memory_space<hbm>> -> memref<128x128xf32, #tpu.memory_space<hbm>>
        tpu.enqueue_dma source(%arg6 : memref<128x128xf32, #tpu.memory_space<vmem>>) target(%dma_start3A_53 : memref<128x128xf32, #tpu.memory_space<hbm>>) target_semaphore(%run_scoped3A : memref<!tpu.dma_semaphore, #tpu.memory_space<semaphore_mem>>)
        %dma_wait3A_54 = arith.constant 0 : i32
        %dma_wait3A_55 = tpu.memref_slice %arg4[%mul3A_32, %dma_wait3A_54] : memref<163840x128xf32, #tpu.memory_space<hbm>> -> memref<128x128xf32, #tpu.memory_space<hbm>>
        %dma_wait3A_56 = arith.constant 0 : i32
        %dma_wait3A_57 = tpu.memref_slice %arg4[%mul3A_32, %dma_wait3A_56] : memref<163840x128xf32, #tpu.memory_space<hbm>> -> memref<128x128xf32, #tpu.memory_space<hbm>>
        tpu.wait_dma2 semaphore(%run_scoped3A : memref<!tpu.dma_semaphore, #tpu.memory_space<semaphore_mem>>) src(%arg6 : memref<128x128xf32, #tpu.memory_space<vmem>>) dst(%dma_wait3A_57 : memref<128x128xf32, #tpu.memory_space<hbm>>)
        tpu.yield
      }) : () -> ()
      %add3A_33 = arith.constant 2 : i32
      %add3A_34 = arith.addi %mul3A_16, %add3A_33 : i32
      %lt3A = arith.constant 40 : i32
      %lt3A_35 = arith.cmpi slt, %add3A_34, %lt3A : i32
      %convert_element_type3A = arith.extui %lt3A_35 : i1 to i32
      %cond3A = arith.constant 0 : i32
      %cond3A_36 = arith.cmpi ne, %convert_element_type3A, %cond3A : i32
      scf.if %cond3A_36 {
        %add3A_50 = arith.constant 2 : i32
        %add3A_51 = arith.addi %mul3A_16, %add3A_50 : i32
        %dma_start3A_52 = arith.constant 0 : i32
        %dma_start3A_53 = tpu.memref_slice %arg5[%add3A_51, %dma_start3A_52] : memref<40x128xi32, #tpu.memory_space<vmem>> -> memref<1x128xi32, #tpu.memory_space<vmem>>
        %dma_start3A_54 = tpu.memref_squeeze %dma_start3A_53 : memref<1x128xi32, #tpu.memory_space<vmem>> -> memref<128xi32, #tpu.memory_space<vmem>>
        %dma_start3A_55 = arith.constant 0 : i32
        %dma_start3A_56 = arith.constant 0 : i32
        %dma_start3A_57 = tpu.memref_slice %arg3[%dma_start3A_55, %dma_start3A_56] : memref<10000x128xf32, #tpu.memory_space<hbm>> -> memref<10000x128xf32, #tpu.memory_space<hbm>>
        tpu.enqueue_indirect_dma source(%dma_start3A_57 : memref<10000x128xf32, #tpu.memory_space<hbm>>) target(%arg6 : memref<128x128xf32, #tpu.memory_space<vmem>>) offsets(%dma_start3A_54 : memref<128xi32, #tpu.memory_space<vmem>>) semaphore(%arg8 : memref<!tpu.dma_semaphore, #tpu.memory_space<semaphore_mem>>)
      } else {
      }
      %add3A_37 = arith.constant 1 : i32
      %add3A_38 = arith.addi %mul3A_16, %add3A_37 : i32
      %dma_wait3A_39 = arith.constant 0 : i32
      %dma_wait3A_40 = tpu.memref_slice %arg5[%add3A_38, %dma_wait3A_39] : memref<40x128xi32, #tpu.memory_space<vmem>> -> memref<1x128xi32, #tpu.memory_space<vmem>>
      %dma_wait3A_41 = tpu.memref_squeeze %dma_wait3A_40 : memref<1x128xi32, #tpu.memory_space<vmem>> -> memref<128xi32, #tpu.memory_space<vmem>>
      %dma_wait3A_42 = arith.constant 0 : i32
      %dma_wait3A_43 = arith.constant 0 : i32
      %dma_wait3A_44 = tpu.memref_slice %arg3[%dma_wait3A_42, %dma_wait3A_43] : memref<10000x128xf32, #tpu.memory_space<hbm>> -> memref<10000x128xf32, #tpu.memory_space<hbm>>
      tpu.wait_indirect_dma semaphore(%arg9 : memref<!tpu.dma_semaphore, #tpu.memory_space<semaphore_mem>>) src(%dma_wait3A_44 : memref<10000x128xf32, #tpu.memory_space<hbm>>) dst(%arg7 : memref<128x128xf32, #tpu.memory_space<vmem>>)
      %add3A_45 = arith.constant 1 : i32
      %add3A_46 = arith.addi %mul3A_16, %add3A_45 : i32
      %add3A_47 = arith.addi %multiple_of3A, %add3A_46 : i32
      %mul3A_48 = arith.constant 128 : i32
      %mul3A_49 = arith.muli %add3A_47, %mul3A_48 : i32
      "tpu.region"() ({
        %run_scoped3A = tpu.sem_alloc : memref<!tpu.dma_semaphore, #tpu.memory_space<semaphore_mem>>
        %dma_start3A_50 = arith.constant 0 : i32
        %dma_start3A_51 = tpu.memref_slice %arg4[%mul3A_49, %dma_start3A_50] : memref<163840x128xf32, #tpu.memory_space<hbm>> -> memref<128x128xf32, #tpu.memory_space<hbm>>
        %dma_start3A_52 = arith.constant 0 : i32
        %dma_start3A_53 = tpu.memref_slice %arg4[%mul3A_49, %dma_start3A_52] : memref<163840x128xf32, #tpu.memory_space<hbm>> -> memref<128x128xf32, #tpu.memory_space<hbm>>
        tpu.enqueue_dma source(%arg7 : memref<128x128xf32, #tpu.memory_space<vmem>>) target(%dma_start3A_53 : memref<128x128xf32, #tpu.memory_space<hbm>>) target_semaphore(%run_scoped3A : memref<!tpu.dma_semaphore, #tpu.memory_space<semaphore_mem>>)
        %dma_wait3A_54 = arith.constant 0 : i32
        %dma_wait3A_55 = tpu.memref_slice %arg4[%mul3A_49, %dma_wait3A_54] : memref<163840x128xf32, #tpu.memory_space<hbm>> -> memref<128x128xf32, #tpu.memory_space<hbm>>
        %dma_wait3A_56 = arith.constant 0 : i32
        %dma_wait3A_57 = tpu.memref_slice %arg4[%mul3A_49, %dma_wait3A_56] : memref<163840x128xf32, #tpu.memory_space<hbm>> -> memref<128x128xf32, #tpu.memory_space<hbm>>
        tpu.wait_dma2 semaphore(%run_scoped3A : memref<!tpu.dma_semaphore, #tpu.memory_space<semaphore_mem>>) src(%arg7 : memref<128x128xf32, #tpu.memory_space<vmem>>) dst(%dma_wait3A_57 : memref<128x128xf32, #tpu.memory_space<hbm>>)
        tpu.yield
      }) : () -> ()
    }
    %scan3A_13 = arith.constant 20 : i32
    return
  }
}

module attributes {stable_mosaic.version = 14 : i64} {
  func.func @_knn_a_body(%arg0: i32, %arg1: memref<256x3xf32, #tpu.memory_space<vmem>>, %arg2: memref<3x10240xf32, #tpu.memory_space<vmem>>, %arg3: memref<20480x128xf32, #tpu.memory_space<vmem>>, %arg4: memref<256x16xi32, #tpu.memory_space<vmem>>, %arg5: memref<256x16xi32, #tpu.memory_space<vmem>>) attributes {dimension_semantics = [#tpu.dimension_semantics<arbitrary>], iteration_bounds = array<i64: 40>, scalar_prefetch = 0 : i64, scratch_operands = 0 : i64, tpu.core_type = #tpu.core_type<tc>, window_params = [{transform_indices = @transform_0, window_bounds = array<i64: 256, 3>}, {pipeline_mode = #tpu.pipeline_mode<synchronous>, transform_indices = @transform_1, window_bounds = array<i64: 3, 10240>}, {transform_indices = @transform_2, window_bounds = array<i64: 20480, 128>}, {transform_indices = @transform_3, window_bounds = array<i64: 256, 16>}, {transform_indices = @transform_4, window_bounds = array<i64: 256, 16>}]} {
    %get3A = arith.constant 0 : index
    %get3A_0 = arith.constant 0 : index
    %get3A_1 = vector.load %arg1[%get3A, %get3A_0] : memref<256x3xf32, #tpu.memory_space<vmem>>, vector<256x3xf32>
    %get3A_2 = arith.constant 0 : index
    %get3A_3 = arith.constant 0 : index
    %get3A_4 = vector.load %arg2[%get3A_2, %get3A_3] : memref<3x10240xf32, #tpu.memory_space<vmem>>, vector<3x10240xf32>
    %dot_general3A = arith.constant dense<0.000000e+00> : vector<256x10240xf32>
    %dot_general3A_5 = tpu.matmul %get3A_1, %get3A_4, %dot_general3A {dimension_numbers = #tpu.dot_dimension_numbers<[1], [0], [0], [1], [0, 0, 1, 1], [], []>, transpose_lhs_hint = false} : vector<256x3xf32>, vector<3x10240xf32>, vector<256x10240xf32> -> vector<256x10240xf32>
    %mul3A = arith.mulf %get3A_4, %get3A_4 : vector<3x10240xf32>
    %reduce_sum3A = arith.constant dense<0.000000e+00> : vector<10240xf32>
    %reduce_sum3A_6 = vector.multi_reduction <add>, %mul3A, %reduce_sum3A [0] : vector<3x10240xf32> to vector<10240xf32>
    %broadcast_in_dim3A = vector.shape_cast %reduce_sum3A_6 : vector<10240xf32> to vector<1x10240xf32>
    %mul3A_7 = arith.constant 2.000000e+00 : f32
    %mul3A_8 = vector.broadcast %mul3A_7 : f32 to vector<256x10240xf32>
    %mul3A_9 = arith.mulf %mul3A_8, %dot_general3A_5 : vector<256x10240xf32>
    %sub3A = vector.broadcast %broadcast_in_dim3A : vector<1x10240xf32> to vector<256x10240xf32>
    %sub3A_10 = arith.subf %sub3A, %mul3A_9 : vector<256x10240xf32>
    %slice3A = vector.extract_strided_slice %sub3A_10 {offsets = [0, 0], sizes = [256, 128], strides = [1, 1]} : vector<256x10240xf32> to vector<256x128xf32>
    %swap3A = arith.constant 0 : index
    %swap3A_11 = arith.constant 0 : index
    %swap3A_12 = vector.load %arg3[%swap3A, %swap3A_11] : memref<20480x128xf32, #tpu.memory_space<vmem>>, vector<256x128xf32>
    tpu.vector_store %arg3[%swap3A, %swap3A_11], %slice3A {strides = array<i32>} : memref<20480x128xf32, #tpu.memory_space<vmem>>, vector<256x128xf32>,
    %reduce_min3A = arith.constant dense<0x7F800000> : vector<256xf32>
    %reduce_min3A_13 = vector.multi_reduction <minimumf>, %slice3A, %reduce_min3A [1] : vector<256x128xf32> to vector<256xf32>
    %broadcast_in_dim3A_14 = vector.shape_cast %reduce_min3A_13 : vector<256xf32> to vector<256x1xf32>
    %slice3A_15 = vector.extract_strided_slice %sub3A_10 {offsets = [0, 128], sizes = [256, 128], strides = [1, 1]} : vector<256x10240xf32> to vector<256x128xf32>
    %swap3A_16 = arith.constant 256 : index
    %swap3A_17 = arith.constant 0 : index
    %swap3A_18 = vector.load %arg3[%swap3A_16, %swap3A_17] : memref<20480x128xf32, #tpu.memory_space<vmem>>, vector<256x128xf32>
    tpu.vector_store %arg3[%swap3A_16, %swap3A_17], %slice3A_15 {strides = array<i32>} : memref<20480x128xf32, #tpu.memory_space<vmem>>, vector<256x128xf32>,
    %reduce_min3A_19 = arith.constant dense<0x7F800000> : vector<256xf32>
    %reduce_min3A_20 = vector.multi_reduction <minimumf>, %slice3A_15, %reduce_min3A_19 [1] : vector<256x128xf32> to vector<256xf32>
    %broadcast_in_dim3A_21 = vector.shape_cast %reduce_min3A_20 : vector<256xf32> to vector<256x1xf32>
    %slice3A_22 = vector.extract_strided_slice %sub3A_10 {offsets = [0, 256], sizes = [256, 128], strides = [1, 1]} : vector<256x10240xf32> to vector<256x128xf32>
    %swap3A_23 = arith.constant 512 : index
    %swap3A_24 = arith.constant 0 : index
    %swap3A_25 = vector.load %arg3[%swap3A_23, %swap3A_24] : memref<20480x128xf32, #tpu.memory_space<vmem>>, vector<256x128xf32>
    tpu.vector_store %arg3[%swap3A_23, %swap3A_24], %slice3A_22 {strides = array<i32>} : memref<20480x128xf32, #tpu.memory_space<vmem>>, vector<256x128xf32>,
    %reduce_min3A_26 = arith.constant dense<0x7F800000> : vector<256xf32>
    %reduce_min3A_27 = vector.multi_reduction <minimumf>, %slice3A_22, %reduce_min3A_26 [1] : vector<256x128xf32> to vector<256xf32>
    %broadcast_in_dim3A_28 = vector.shape_cast %reduce_min3A_27 : vector<256xf32> to vector<256x1xf32>
    %slice3A_29 = vector.extract_strided_slice %sub3A_10 {offsets = [0, 384], sizes = [256, 128], strides = [1, 1]} : vector<256x10240xf32> to vector<256x128xf32>
    %swap3A_30 = arith.constant 768 : index
    %swap3A_31 = arith.constant 0 : index
    %swap3A_32 = vector.load %arg3[%swap3A_30, %swap3A_31] : memref<20480x128xf32, #tpu.memory_space<vmem>>, vector<256x128xf32>
    tpu.vector_store %arg3[%swap3A_30, %swap3A_31], %slice3A_29 {strides = array<i32>} : memref<20480x128xf32, #tpu.memory_space<vmem>>, vector<256x128xf32>,
    %reduce_min3A_33 = arith.constant dense<0x7F800000> : vector<256xf32>
    %reduce_min3A_34 = vector.multi_reduction <minimumf>, %slice3A_29, %reduce_min3A_33 [1] : vector<256x128xf32> to vector<256xf32>
    %broadcast_in_dim3A_35 = vector.shape_cast %reduce_min3A_34 : vector<256xf32> to vector<256x1xf32>
    %slice3A_36 = vector.extract_strided_slice %sub3A_10 {offsets = [0, 512], sizes = [256, 128], strides = [1, 1]} : vector<256x10240xf32> to vector<256x128xf32>
    %swap3A_37 = arith.constant 1024 : index
    %swap3A_38 = arith.constant 0 : index
    %swap3A_39 = vector.load %arg3[%swap3A_37, %swap3A_38] : memref<20480x128xf32, #tpu.memory_space<vmem>>, vector<256x128xf32>
    tpu.vector_store %arg3[%swap3A_37, %swap3A_38], %slice3A_36 {strides = array<i32>} : memref<20480x128xf32, #tpu.memory_space<vmem>>, vector<256x128xf32>,
    %reduce_min3A_40 = arith.constant dense<0x7F800000> : vector<256xf32>
    %reduce_min3A_41 = vector.multi_reduction <minimumf>, %slice3A_36, %reduce_min3A_40 [1] : vector<256x128xf32> to vector<256xf32>
    %broadcast_in_dim3A_42 = vector.shape_cast %reduce_min3A_41 : vector<256xf32> to vector<256x1xf32>
    %slice3A_43 = vector.extract_strided_slice %sub3A_10 {offsets = [0, 640], sizes = [256, 128], strides = [1, 1]} : vector<256x10240xf32> to vector<256x128xf32>
    %swap3A_44 = arith.constant 1280 : index
    %swap3A_45 = arith.constant 0 : index
    %swap3A_46 = vector.load %arg3[%swap3A_44, %swap3A_45] : memref<20480x128xf32, #tpu.memory_space<vmem>>, vector<256x128xf32>
    tpu.vector_store %arg3[%swap3A_44, %swap3A_45], %slice3A_43 {strides = array<i32>} : memref<20480x128xf32, #tpu.memory_space<vmem>>, vector<256x128xf32>,
    %reduce_min3A_47 = arith.constant dense<0x7F800000> : vector<256xf32>
    %reduce_min3A_48 = vector.multi_reduction <minimumf>, %slice3A_43, %reduce_min3A_47 [1] : vector<256x128xf32> to vector<256xf32>
    %broadcast_in_dim3A_49 = vector.shape_cast %reduce_min3A_48 : vector<256xf32> to vector<256x1xf32>
    %slice3A_50 = vector.extract_strided_slice %sub3A_10 {offsets = [0, 768], sizes = [256, 128], strides = [1, 1]} : vector<256x10240xf32> to vector<256x128xf32>
    %swap3A_51 = arith.constant 1536 : index
    %swap3A_52 = arith.constant 0 : index
    %swap3A_53 = vector.load %arg3[%swap3A_51, %swap3A_52] : memref<20480x128xf32, #tpu.memory_space<vmem>>, vector<256x128xf32>
    tpu.vector_store %arg3[%swap3A_51, %swap3A_52], %slice3A_50 {strides = array<i32>} : memref<20480x128xf32, #tpu.memory_space<vmem>>, vector<256x128xf32>,
    %reduce_min3A_54 = arith.constant dense<0x7F800000> : vector<256xf32>
    %reduce_min3A_55 = vector.multi_reduction <minimumf>, %slice3A_50, %reduce_min3A_54 [1] : vector<256x128xf32> to vector<256xf32>
    %broadcast_in_dim3A_56 = vector.shape_cast %reduce_min3A_55 : vector<256xf32> to vector<256x1xf32>
    %slice3A_57 = vector.extract_strided_slice %sub3A_10 {offsets = [0, 896], sizes = [256, 128], strides = [1, 1]} : vector<256x10240xf32> to vector<256x128xf32>
    %swap3A_58 = arith.constant 1792 : index
    %swap3A_59 = arith.constant 0 : index
    %swap3A_60 = vector.load %arg3[%swap3A_58, %swap3A_59] : memref<20480x128xf32, #tpu.memory_space<vmem>>, vector<256x128xf32>
    tpu.vector_store %arg3[%swap3A_58, %swap3A_59], %slice3A_57 {strides = array<i32>} : memref<20480x128xf32, #tpu.memory_space<vmem>>, vector<256x128xf32>,
    %reduce_min3A_61 = arith.constant dense<0x7F800000> : vector<256xf32>
    %reduce_min3A_62 = vector.multi_reduction <minimumf>, %slice3A_57, %reduce_min3A_61 [1] : vector<256x128xf32> to vector<256xf32>
    %broadcast_in_dim3A_63 = vector.shape_cast %reduce_min3A_62 : vector<256xf32> to vector<256x1xf32>
    %slice3A_64 = vector.extract_strided_slice %sub3A_10 {offsets = [0, 1024], sizes = [256, 128], strides = [1, 1]} : vector<256x10240xf32> to vector<256x128xf32>
    %swap3A_65 = arith.constant 2048 : index
    %swap3A_66 = arith.constant 0 : index
    %swap3A_67 = vector.load %arg3[%swap3A_65, %swap3A_66] : memref<20480x128xf32, #tpu.memory_space<vmem>>, vector<256x128xf32>
    tpu.vector_store %arg3[%swap3A_65, %swap3A_66], %slice3A_64 {strides = array<i32>} : memref<20480x128xf32, #tpu.memory_space<vmem>>, vector<256x128xf32>,
    %reduce_min3A_68 = arith.constant dense<0x7F800000> : vector<256xf32>
    %reduce_min3A_69 = vector.multi_reduction <minimumf>, %slice3A_64, %reduce_min3A_68 [1] : vector<256x128xf32> to vector<256xf32>
    %broadcast_in_dim3A_70 = vector.shape_cast %reduce_min3A_69 : vector<256xf32> to vector<256x1xf32>
    %slice3A_71 = vector.extract_strided_slice %sub3A_10 {offsets = [0, 1152], sizes = [256, 128], strides = [1, 1]} : vector<256x10240xf32> to vector<256x128xf32>
    %swap3A_72 = arith.constant 2304 : index
    %swap3A_73 = arith.constant 0 : index
    %swap3A_74 = vector.load %arg3[%swap3A_72, %swap3A_73] : memref<20480x128xf32, #tpu.memory_space<vmem>>, vector<256x128xf32>
    tpu.vector_store %arg3[%swap3A_72, %swap3A_73], %slice3A_71 {strides = array<i32>} : memref<20480x128xf32, #tpu.memory_space<vmem>>, vector<256x128xf32>,
    %reduce_min3A_75 = arith.constant dense<0x7F800000> : vector<256xf32>
    %reduce_min3A_76 = vector.multi_reduction <minimumf>, %slice3A_71, %reduce_min3A_75 [1] : vector<256x128xf32> to vector<256xf32>
    %broadcast_in_dim3A_77 = vector.shape_cast %reduce_min3A_76 : vector<256xf32> to vector<256x1xf32>
    %slice3A_78 = vector.extract_strided_slice %sub3A_10 {offsets = [0, 1280], sizes = [256, 128], strides = [1, 1]} : vector<256x10240xf32> to vector<256x128xf32>
    %swap3A_79 = arith.constant 2560 : index
    %swap3A_80 = arith.constant 0 : index
    %swap3A_81 = vector.load %arg3[%swap3A_79, %swap3A_80] : memref<20480x128xf32, #tpu.memory_space<vmem>>, vector<256x128xf32>
    tpu.vector_store %arg3[%swap3A_79, %swap3A_80], %slice3A_78 {strides = array<i32>} : memref<20480x128xf32, #tpu.memory_space<vmem>>, vector<256x128xf32>,
    %reduce_min3A_82 = arith.constant dense<0x7F800000> : vector<256xf32>
    %reduce_min3A_83 = vector.multi_reduction <minimumf>, %slice3A_78, %reduce_min3A_82 [1] : vector<256x128xf32> to vector<256xf32>
    %broadcast_in_dim3A_84 = vector.shape_cast %reduce_min3A_83 : vector<256xf32> to vector<256x1xf32>
    %slice3A_85 = vector.extract_strided_slice %sub3A_10 {offsets = [0, 1408], sizes = [256, 128], strides = [1, 1]} : vector<256x10240xf32> to vector<256x128xf32>
    %swap3A_86 = arith.constant 2816 : index
    %swap3A_87 = arith.constant 0 : index
    %swap3A_88 = vector.load %arg3[%swap3A_86, %swap3A_87] : memref<20480x128xf32, #tpu.memory_space<vmem>>, vector<256x128xf32>
    tpu.vector_store %arg3[%swap3A_86, %swap3A_87], %slice3A_85 {strides = array<i32>} : memref<20480x128xf32, #tpu.memory_space<vmem>>, vector<256x128xf32>,
    %reduce_min3A_89 = arith.constant dense<0x7F800000> : vector<256xf32>
    %reduce_min3A_90 = vector.multi_reduction <minimumf>, %slice3A_85, %reduce_min3A_89 [1] : vector<256x128xf32> to vector<256xf32>
    %broadcast_in_dim3A_91 = vector.shape_cast %reduce_min3A_90 : vector<256xf32> to vector<256x1xf32>
    %slice3A_92 = vector.extract_strided_slice %sub3A_10 {offsets = [0, 1536], sizes = [256, 128], strides = [1, 1]} : vector<256x10240xf32> to vector<256x128xf32>
    %swap3A_93 = arith.constant 3072 : index
    %swap3A_94 = arith.constant 0 : index
    %swap3A_95 = vector.load %arg3[%swap3A_93, %swap3A_94] : memref<20480x128xf32, #tpu.memory_space<vmem>>, vector<256x128xf32>
    tpu.vector_store %arg3[%swap3A_93, %swap3A_94], %slice3A_92 {strides = array<i32>} : memref<20480x128xf32, #tpu.memory_space<vmem>>, vector<256x128xf32>,
    %reduce_min3A_96 = arith.constant dense<0x7F800000> : vector<256xf32>
    %reduce_min3A_97 = vector.multi_reduction <minimumf>, %slice3A_92, %reduce_min3A_96 [1] : vector<256x128xf32> to vector<256xf32>
    %broadcast_in_dim3A_98 = vector.shape_cast %reduce_min3A_97 : vector<256xf32> to vector<256x1xf32>
    %slice3A_99 = vector.extract_strided_slice %sub3A_10 {offsets = [0, 1664], sizes = [256, 128], strides = [1, 1]} : vector<256x10240xf32> to vector<256x128xf32>
    %swap3A_100 = arith.constant 3328 : index
    %swap3A_101 = arith.constant 0 : index
    %swap3A_102 = vector.load %arg3[%swap3A_100, %swap3A_101] : memref<20480x128xf32, #tpu.memory_space<vmem>>, vector<256x128xf32>
    tpu.vector_store %arg3[%swap3A_100, %swap3A_101], %slice3A_99 {strides = array<i32>} : memref<20480x128xf32, #tpu.memory_space<vmem>>, vector<256x128xf32>,
    %reduce_min3A_103 = arith.constant dense<0x7F800000> : vector<256xf32>
    %reduce_min3A_104 = vector.multi_reduction <minimumf>, %slice3A_99, %reduce_min3A_103 [1] : vector<256x128xf32> to vector<256xf32>
    %broadcast_in_dim3A_105 = vector.shape_cast %reduce_min3A_104 : vector<256xf32> to vector<256x1xf32>
    %slice3A_106 = vector.extract_strided_slice %sub3A_10 {offsets = [0, 1792], sizes = [256, 128], strides = [1, 1]} : vector<256x10240xf32> to vector<256x128xf32>
    %swap3A_107 = arith.constant 3584 : index
    %swap3A_108 = arith.constant 0 : index
    %swap3A_109 = vector.load %arg3[%swap3A_107, %swap3A_108] : memref<20480x128xf32, #tpu.memory_space<vmem>>, vector<256x128xf32>
    tpu.vector_store %arg3[%swap3A_107, %swap3A_108], %slice3A_106 {strides = array<i32>} : memref<20480x128xf32, #tpu.memory_space<vmem>>, vector<256x128xf32>,
    %reduce_min3A_110 = arith.constant dense<0x7F800000> : vector<256xf32>
    %reduce_min3A_111 = vector.multi_reduction <minimumf>, %slice3A_106, %reduce_min3A_110 [1] : vector<256x128xf32> to vector<256xf32>
    %broadcast_in_dim3A_112 = vector.shape_cast %reduce_min3A_111 : vector<256xf32> to vector<256x1xf32>
    %slice3A_113 = vector.extract_strided_slice %sub3A_10 {offsets = [0, 1920], sizes = [256, 128], strides = [1, 1]} : vector<256x10240xf32> to vector<256x128xf32>
    %swap3A_114 = arith.constant 3840 : index
    %swap3A_115 = arith.constant 0 : index
    %swap3A_116 = vector.load %arg3[%swap3A_114, %swap3A_115] : memref<20480x128xf32, #tpu.memory_space<vmem>>, vector<256x128xf32>
    tpu.vector_store %arg3[%swap3A_114, %swap3A_115], %slice3A_113 {strides = array<i32>} : memref<20480x128xf32, #tpu.memory_space<vmem>>, vector<256x128xf32>,
    %reduce_min3A_117 = arith.constant dense<0x7F800000> : vector<256xf32>
    %reduce_min3A_118 = vector.multi_reduction <minimumf>, %slice3A_113, %reduce_min3A_117 [1] : vector<256x128xf32> to vector<256xf32>
    %broadcast_in_dim3A_119 = vector.shape_cast %reduce_min3A_118 : vector<256xf32> to vector<256x1xf32>
    %slice3A_120 = vector.extract_strided_slice %sub3A_10 {offsets = [0, 2048], sizes = [256, 128], strides = [1, 1]} : vector<256x10240xf32> to vector<256x128xf32>
    %swap3A_121 = arith.constant 4096 : index
    %swap3A_122 = arith.constant 0 : index
    %swap3A_123 = vector.load %arg3[%swap3A_121, %swap3A_122] : memref<20480x128xf32, #tpu.memory_space<vmem>>, vector<256x128xf32>
    tpu.vector_store %arg3[%swap3A_121, %swap3A_122], %slice3A_120 {strides = array<i32>} : memref<20480x128xf32, #tpu.memory_space<vmem>>, vector<256x128xf32>,
    %reduce_min3A_124 = arith.constant dense<0x7F800000> : vector<256xf32>
    %reduce_min3A_125 = vector.multi_reduction <minimumf>, %slice3A_120, %reduce_min3A_124 [1] : vector<256x128xf32> to vector<256xf32>
    %broadcast_in_dim3A_126 = vector.shape_cast %reduce_min3A_125 : vector<256xf32> to vector<256x1xf32>
    %slice3A_127 = vector.extract_strided_slice %sub3A_10 {offsets = [0, 2176], sizes = [256, 128], strides = [1, 1]} : vector<256x10240xf32> to vector<256x128xf32>
    %swap3A_128 = arith.constant 4352 : index
    %swap3A_129 = arith.constant 0 : index
    %swap3A_130 = vector.load %arg3[%swap3A_128, %swap3A_129] : memref<20480x128xf32, #tpu.memory_space<vmem>>, vector<256x128xf32>
    tpu.vector_store %arg3[%swap3A_128, %swap3A_129], %slice3A_127 {strides = array<i32>} : memref<20480x128xf32, #tpu.memory_space<vmem>>, vector<256x128xf32>,
    %reduce_min3A_131 = arith.constant dense<0x7F800000> : vector<256xf32>
    %reduce_min3A_132 = vector.multi_reduction <minimumf>, %slice3A_127, %reduce_min3A_131 [1] : vector<256x128xf32> to vector<256xf32>
    %broadcast_in_dim3A_133 = vector.shape_cast %reduce_min3A_132 : vector<256xf32> to vector<256x1xf32>
    %slice3A_134 = vector.extract_strided_slice %sub3A_10 {offsets = [0, 2304], sizes = [256, 128], strides = [1, 1]} : vector<256x10240xf32> to vector<256x128xf32>
    %swap3A_135 = arith.constant 4608 : index
    %swap3A_136 = arith.constant 0 : index
    %swap3A_137 = vector.load %arg3[%swap3A_135, %swap3A_136] : memref<20480x128xf32, #tpu.memory_space<vmem>>, vector<256x128xf32>
    tpu.vector_store %arg3[%swap3A_135, %swap3A_136], %slice3A_134 {strides = array<i32>} : memref<20480x128xf32, #tpu.memory_space<vmem>>, vector<256x128xf32>,
    %reduce_min3A_138 = arith.constant dense<0x7F800000> : vector<256xf32>
    %reduce_min3A_139 = vector.multi_reduction <minimumf>, %slice3A_134, %reduce_min3A_138 [1] : vector<256x128xf32> to vector<256xf32>
    %broadcast_in_dim3A_140 = vector.shape_cast %reduce_min3A_139 : vector<256xf32> to vector<256x1xf32>
    %slice3A_141 = vector.extract_strided_slice %sub3A_10 {offsets = [0, 2432], sizes = [256, 128], strides = [1, 1]} : vector<256x10240xf32> to vector<256x128xf32>
    %swap3A_142 = arith.constant 4864 : index
    %swap3A_143 = arith.constant 0 : index
    %swap3A_144 = vector.load %arg3[%swap3A_142, %swap3A_143] : memref<20480x128xf32, #tpu.memory_space<vmem>>, vector<256x128xf32>
    tpu.vector_store %arg3[%swap3A_142, %swap3A_143], %slice3A_141 {strides = array<i32>} : memref<20480x128xf32, #tpu.memory_space<vmem>>, vector<256x128xf32>,
    %reduce_min3A_145 = arith.constant dense<0x7F800000> : vector<256xf32>
    %reduce_min3A_146 = vector.multi_reduction <minimumf>, %slice3A_141, %reduce_min3A_145 [1] : vector<256x128xf32> to vector<256xf32>
    %broadcast_in_dim3A_147 = vector.shape_cast %reduce_min3A_146 : vector<256xf32> to vector<256x1xf32>
    %slice3A_148 = vector.extract_strided_slice %sub3A_10 {offsets = [0, 2560], sizes = [256, 128], strides = [1, 1]} : vector<256x10240xf32> to vector<256x128xf32>
    %swap3A_149 = arith.constant 5120 : index
    %swap3A_150 = arith.constant 0 : index
    %swap3A_151 = vector.load %arg3[%swap3A_149, %swap3A_150] : memref<20480x128xf32, #tpu.memory_space<vmem>>, vector<256x128xf32>
    tpu.vector_store %arg3[%swap3A_149, %swap3A_150], %slice3A_148 {strides = array<i32>} : memref<20480x128xf32, #tpu.memory_space<vmem>>, vector<256x128xf32>,
    %reduce_min3A_152 = arith.constant dense<0x7F800000> : vector<256xf32>
    %reduce_min3A_153 = vector.multi_reduction <minimumf>, %slice3A_148, %reduce_min3A_152 [1] : vector<256x128xf32> to vector<256xf32>
    %broadcast_in_dim3A_154 = vector.shape_cast %reduce_min3A_153 : vector<256xf32> to vector<256x1xf32>
    %slice3A_155 = vector.extract_strided_slice %sub3A_10 {offsets = [0, 2688], sizes = [256, 128], strides = [1, 1]} : vector<256x10240xf32> to vector<256x128xf32>
    %swap3A_156 = arith.constant 5376 : index
    %swap3A_157 = arith.constant 0 : index
    %swap3A_158 = vector.load %arg3[%swap3A_156, %swap3A_157] : memref<20480x128xf32, #tpu.memory_space<vmem>>, vector<256x128xf32>
    tpu.vector_store %arg3[%swap3A_156, %swap3A_157], %slice3A_155 {strides = array<i32>} : memref<20480x128xf32, #tpu.memory_space<vmem>>, vector<256x128xf32>,
    %reduce_min3A_159 = arith.constant dense<0x7F800000> : vector<256xf32>
    %reduce_min3A_160 = vector.multi_reduction <minimumf>, %slice3A_155, %reduce_min3A_159 [1] : vector<256x128xf32> to vector<256xf32>
    %broadcast_in_dim3A_161 = vector.shape_cast %reduce_min3A_160 : vector<256xf32> to vector<256x1xf32>
    %slice3A_162 = vector.extract_strided_slice %sub3A_10 {offsets = [0, 2816], sizes = [256, 128], strides = [1, 1]} : vector<256x10240xf32> to vector<256x128xf32>
    %swap3A_163 = arith.constant 5632 : index
    %swap3A_164 = arith.constant 0 : index
    %swap3A_165 = vector.load %arg3[%swap3A_163, %swap3A_164] : memref<20480x128xf32, #tpu.memory_space<vmem>>, vector<256x128xf32>
    tpu.vector_store %arg3[%swap3A_163, %swap3A_164], %slice3A_162 {strides = array<i32>} : memref<20480x128xf32, #tpu.memory_space<vmem>>, vector<256x128xf32>,
    %reduce_min3A_166 = arith.constant dense<0x7F800000> : vector<256xf32>
    %reduce_min3A_167 = vector.multi_reduction <minimumf>, %slice3A_162, %reduce_min3A_166 [1] : vector<256x128xf32> to vector<256xf32>
    %broadcast_in_dim3A_168 = vector.shape_cast %reduce_min3A_167 : vector<256xf32> to vector<256x1xf32>
    %slice3A_169 = vector.extract_strided_slice %sub3A_10 {offsets = [0, 2944], sizes = [256, 128], strides = [1, 1]} : vector<256x10240xf32> to vector<256x128xf32>
    %swap3A_170 = arith.constant 5888 : index
    %swap3A_171 = arith.constant 0 : index
    %swap3A_172 = vector.load %arg3[%swap3A_170, %swap3A_171] : memref<20480x128xf32, #tpu.memory_space<vmem>>, vector<256x128xf32>
    tpu.vector_store %arg3[%swap3A_170, %swap3A_171], %slice3A_169 {strides = array<i32>} : memref<20480x128xf32, #tpu.memory_space<vmem>>, vector<256x128xf32>,
    %reduce_min3A_173 = arith.constant dense<0x7F800000> : vector<256xf32>
    %reduce_min3A_174 = vector.multi_reduction <minimumf>, %slice3A_169, %reduce_min3A_173 [1] : vector<256x128xf32> to vector<256xf32>
    %broadcast_in_dim3A_175 = vector.shape_cast %reduce_min3A_174 : vector<256xf32> to vector<256x1xf32>
    %slice3A_176 = vector.extract_strided_slice %sub3A_10 {offsets = [0, 3072], sizes = [256, 128], strides = [1, 1]} : vector<256x10240xf32> to vector<256x128xf32>
    %swap3A_177 = arith.constant 6144 : index
    %swap3A_178 = arith.constant 0 : index
    %swap3A_179 = vector.load %arg3[%swap3A_177, %swap3A_178] : memref<20480x128xf32, #tpu.memory_space<vmem>>, vector<256x128xf32>
    tpu.vector_store %arg3[%swap3A_177, %swap3A_178], %slice3A_176 {strides = array<i32>} : memref<20480x128xf32, #tpu.memory_space<vmem>>, vector<256x128xf32>,
    %reduce_min3A_180 = arith.constant dense<0x7F800000> : vector<256xf32>
    %reduce_min3A_181 = vector.multi_reduction <minimumf>, %slice3A_176, %reduce_min3A_180 [1] : vector<256x128xf32> to vector<256xf32>
    %broadcast_in_dim3A_182 = vector.shape_cast %reduce_min3A_181 : vector<256xf32> to vector<256x1xf32>
    %slice3A_183 = vector.extract_strided_slice %sub3A_10 {offsets = [0, 3200], sizes = [256, 128], strides = [1, 1]} : vector<256x10240xf32> to vector<256x128xf32>
    %swap3A_184 = arith.constant 6400 : index
    %swap3A_185 = arith.constant 0 : index
    %swap3A_186 = vector.load %arg3[%swap3A_184, %swap3A_185] : memref<20480x128xf32, #tpu.memory_space<vmem>>, vector<256x128xf32>
    tpu.vector_store %arg3[%swap3A_184, %swap3A_185], %slice3A_183 {strides = array<i32>} : memref<20480x128xf32, #tpu.memory_space<vmem>>, vector<256x128xf32>,
    %reduce_min3A_187 = arith.constant dense<0x7F800000> : vector<256xf32>
    %reduce_min3A_188 = vector.multi_reduction <minimumf>, %slice3A_183, %reduce_min3A_187 [1] : vector<256x128xf32> to vector<256xf32>
    %broadcast_in_dim3A_189 = vector.shape_cast %reduce_min3A_188 : vector<256xf32> to vector<256x1xf32>
    %slice3A_190 = vector.extract_strided_slice %sub3A_10 {offsets = [0, 3328], sizes = [256, 128], strides = [1, 1]} : vector<256x10240xf32> to vector<256x128xf32>
    %swap3A_191 = arith.constant 6656 : index
    %swap3A_192 = arith.constant 0 : index
    %swap3A_193 = vector.load %arg3[%swap3A_191, %swap3A_192] : memref<20480x128xf32, #tpu.memory_space<vmem>>, vector<256x128xf32>
    tpu.vector_store %arg3[%swap3A_191, %swap3A_192], %slice3A_190 {strides = array<i32>} : memref<20480x128xf32, #tpu.memory_space<vmem>>, vector<256x128xf32>,
    %reduce_min3A_194 = arith.constant dense<0x7F800000> : vector<256xf32>
    %reduce_min3A_195 = vector.multi_reduction <minimumf>, %slice3A_190, %reduce_min3A_194 [1] : vector<256x128xf32> to vector<256xf32>
    %broadcast_in_dim3A_196 = vector.shape_cast %reduce_min3A_195 : vector<256xf32> to vector<256x1xf32>
    %slice3A_197 = vector.extract_strided_slice %sub3A_10 {offsets = [0, 3456], sizes = [256, 128], strides = [1, 1]} : vector<256x10240xf32> to vector<256x128xf32>
    %swap3A_198 = arith.constant 6912 : index
    %swap3A_199 = arith.constant 0 : index
    %swap3A_200 = vector.load %arg3[%swap3A_198, %swap3A_199] : memref<20480x128xf32, #tpu.memory_space<vmem>>, vector<256x128xf32>
    tpu.vector_store %arg3[%swap3A_198, %swap3A_199], %slice3A_197 {strides = array<i32>} : memref<20480x128xf32, #tpu.memory_space<vmem>>, vector<256x128xf32>,
    %reduce_min3A_201 = arith.constant dense<0x7F800000> : vector<256xf32>
    %reduce_min3A_202 = vector.multi_reduction <minimumf>, %slice3A_197, %reduce_min3A_201 [1] : vector<256x128xf32> to vector<256xf32>
    %broadcast_in_dim3A_203 = vector.shape_cast %reduce_min3A_202 : vector<256xf32> to vector<256x1xf32>
    %slice3A_204 = vector.extract_strided_slice %sub3A_10 {offsets = [0, 3584], sizes = [256, 128], strides = [1, 1]} : vector<256x10240xf32> to vector<256x128xf32>
    %swap3A_205 = arith.constant 7168 : index
    %swap3A_206 = arith.constant 0 : index
    %swap3A_207 = vector.load %arg3[%swap3A_205, %swap3A_206] : memref<20480x128xf32, #tpu.memory_space<vmem>>, vector<256x128xf32>
    tpu.vector_store %arg3[%swap3A_205, %swap3A_206], %slice3A_204 {strides = array<i32>} : memref<20480x128xf32, #tpu.memory_space<vmem>>, vector<256x128xf32>,
    %reduce_min3A_208 = arith.constant dense<0x7F800000> : vector<256xf32>
    %reduce_min3A_209 = vector.multi_reduction <minimumf>, %slice3A_204, %reduce_min3A_208 [1] : vector<256x128xf32> to vector<256xf32>
    %broadcast_in_dim3A_210 = vector.shape_cast %reduce_min3A_209 : vector<256xf32> to vector<256x1xf32>
    %slice3A_211 = vector.extract_strided_slice %sub3A_10 {offsets = [0, 3712], sizes = [256, 128], strides = [1, 1]} : vector<256x10240xf32> to vector<256x128xf32>
    %swap3A_212 = arith.constant 7424 : index
    %swap3A_213 = arith.constant 0 : index
    %swap3A_214 = vector.load %arg3[%swap3A_212, %swap3A_213] : memref<20480x128xf32, #tpu.memory_space<vmem>>, vector<256x128xf32>
    tpu.vector_store %arg3[%swap3A_212, %swap3A_213], %slice3A_211 {strides = array<i32>} : memref<20480x128xf32, #tpu.memory_space<vmem>>, vector<256x128xf32>,
    %reduce_min3A_215 = arith.constant dense<0x7F800000> : vector<256xf32>
    %reduce_min3A_216 = vector.multi_reduction <minimumf>, %slice3A_211, %reduce_min3A_215 [1] : vector<256x128xf32> to vector<256xf32>
    %broadcast_in_dim3A_217 = vector.shape_cast %reduce_min3A_216 : vector<256xf32> to vector<256x1xf32>
    %slice3A_218 = vector.extract_strided_slice %sub3A_10 {offsets = [0, 3840], sizes = [256, 128], strides = [1, 1]} : vector<256x10240xf32> to vector<256x128xf32>
    %swap3A_219 = arith.constant 7680 : index
    %swap3A_220 = arith.constant 0 : index
    %swap3A_221 = vector.load %arg3[%swap3A_219, %swap3A_220] : memref<20480x128xf32, #tpu.memory_space<vmem>>, vector<256x128xf32>
    tpu.vector_store %arg3[%swap3A_219, %swap3A_220], %slice3A_218 {strides = array<i32>} : memref<20480x128xf32, #tpu.memory_space<vmem>>, vector<256x128xf32>,
    %reduce_min3A_222 = arith.constant dense<0x7F800000> : vector<256xf32>
    %reduce_min3A_223 = vector.multi_reduction <minimumf>, %slice3A_218, %reduce_min3A_222 [1] : vector<256x128xf32> to vector<256xf32>
    %broadcast_in_dim3A_224 = vector.shape_cast %reduce_min3A_223 : vector<256xf32> to vector<256x1xf32>
    %slice3A_225 = vector.extract_strided_slice %sub3A_10 {offsets = [0, 3968], sizes = [256, 128], strides = [1, 1]} : vector<256x10240xf32> to vector<256x128xf32>
    %swap3A_226 = arith.constant 7936 : index
    %swap3A_227 = arith.constant 0 : index
    %swap3A_228 = vector.load %arg3[%swap3A_226, %swap3A_227] : memref<20480x128xf32, #tpu.memory_space<vmem>>, vector<256x128xf32>
    tpu.vector_store %arg3[%swap3A_226, %swap3A_227], %slice3A_225 {strides = array<i32>} : memref<20480x128xf32, #tpu.memory_space<vmem>>, vector<256x128xf32>,
    %reduce_min3A_229 = arith.constant dense<0x7F800000> : vector<256xf32>
    %reduce_min3A_230 = vector.multi_reduction <minimumf>, %slice3A_225, %reduce_min3A_229 [1] : vector<256x128xf32> to vector<256xf32>
    %broadcast_in_dim3A_231 = vector.shape_cast %reduce_min3A_230 : vector<256xf32> to vector<256x1xf32>
    %slice3A_232 = vector.extract_strided_slice %sub3A_10 {offsets = [0, 4096], sizes = [256, 128], strides = [1, 1]} : vector<256x10240xf32> to vector<256x128xf32>
    %swap3A_233 = arith.constant 8192 : index
    %swap3A_234 = arith.constant 0 : index
    %swap3A_235 = vector.load %arg3[%swap3A_233, %swap3A_234] : memref<20480x128xf32, #tpu.memory_space<vmem>>, vector<256x128xf32>
    tpu.vector_store %arg3[%swap3A_233, %swap3A_234], %slice3A_232 {strides = array<i32>} : memref<20480x128xf32, #tpu.memory_space<vmem>>, vector<256x128xf32>,
    %reduce_min3A_236 = arith.constant dense<0x7F800000> : vector<256xf32>
    %reduce_min3A_237 = vector.multi_reduction <minimumf>, %slice3A_232, %reduce_min3A_236 [1] : vector<256x128xf32> to vector<256xf32>
    %broadcast_in_dim3A_238 = vector.shape_cast %reduce_min3A_237 : vector<256xf32> to vector<256x1xf32>
    %slice3A_239 = vector.extract_strided_slice %sub3A_10 {offsets = [0, 4224], sizes = [256, 128], strides = [1, 1]} : vector<256x10240xf32> to vector<256x128xf32>
    %swap3A_240 = arith.constant 8448 : index
    %swap3A_241 = arith.constant 0 : index
    %swap3A_242 = vector.load %arg3[%swap3A_240, %swap3A_241] : memref<20480x128xf32, #tpu.memory_space<vmem>>, vector<256x128xf32>
    tpu.vector_store %arg3[%swap3A_240, %swap3A_241], %slice3A_239 {strides = array<i32>} : memref<20480x128xf32, #tpu.memory_space<vmem>>, vector<256x128xf32>,
    %reduce_min3A_243 = arith.constant dense<0x7F800000> : vector<256xf32>
    %reduce_min3A_244 = vector.multi_reduction <minimumf>, %slice3A_239, %reduce_min3A_243 [1] : vector<256x128xf32> to vector<256xf32>
    %broadcast_in_dim3A_245 = vector.shape_cast %reduce_min3A_244 : vector<256xf32> to vector<256x1xf32>
    %slice3A_246 = vector.extract_strided_slice %sub3A_10 {offsets = [0, 4352], sizes = [256, 128], strides = [1, 1]} : vector<256x10240xf32> to vector<256x128xf32>
    %swap3A_247 = arith.constant 8704 : index
    %swap3A_248 = arith.constant 0 : index
    %swap3A_249 = vector.load %arg3[%swap3A_247, %swap3A_248] : memref<20480x128xf32, #tpu.memory_space<vmem>>, vector<256x128xf32>
    tpu.vector_store %arg3[%swap3A_247, %swap3A_248], %slice3A_246 {strides = array<i32>} : memref<20480x128xf32, #tpu.memory_space<vmem>>, vector<256x128xf32>,
    %reduce_min3A_250 = arith.constant dense<0x7F800000> : vector<256xf32>
    %reduce_min3A_251 = vector.multi_reduction <minimumf>, %slice3A_246, %reduce_min3A_250 [1] : vector<256x128xf32> to vector<256xf32>
    %broadcast_in_dim3A_252 = vector.shape_cast %reduce_min3A_251 : vector<256xf32> to vector<256x1xf32>
    %slice3A_253 = vector.extract_strided_slice %sub3A_10 {offsets = [0, 4480], sizes = [256, 128], strides = [1, 1]} : vector<256x10240xf32> to vector<256x128xf32>
    %swap3A_254 = arith.constant 8960 : index
    %swap3A_255 = arith.constant 0 : index
    %swap3A_256 = vector.load %arg3[%swap3A_254, %swap3A_255] : memref<20480x128xf32, #tpu.memory_space<vmem>>, vector<256x128xf32>
    tpu.vector_store %arg3[%swap3A_254, %swap3A_255], %slice3A_253 {strides = array<i32>} : memref<20480x128xf32, #tpu.memory_space<vmem>>, vector<256x128xf32>,
    %reduce_min3A_257 = arith.constant dense<0x7F800000> : vector<256xf32>
    %reduce_min3A_258 = vector.multi_reduction <minimumf>, %slice3A_253, %reduce_min3A_257 [1] : vector<256x128xf32> to vector<256xf32>
    %broadcast_in_dim3A_259 = vector.shape_cast %reduce_min3A_258 : vector<256xf32> to vector<256x1xf32>
    %slice3A_260 = vector.extract_strided_slice %sub3A_10 {offsets = [0, 4608], sizes = [256, 128], strides = [1, 1]} : vector<256x10240xf32> to vector<256x128xf32>
    %swap3A_261 = arith.constant 9216 : index
    %swap3A_262 = arith.constant 0 : index
    %swap3A_263 = vector.load %arg3[%swap3A_261, %swap3A_262] : memref<20480x128xf32, #tpu.memory_space<vmem>>, vector<256x128xf32>
    tpu.vector_store %arg3[%swap3A_261, %swap3A_262], %slice3A_260 {strides = array<i32>} : memref<20480x128xf32, #tpu.memory_space<vmem>>, vector<256x128xf32>,
    %reduce_min3A_264 = arith.constant dense<0x7F800000> : vector<256xf32>
    %reduce_min3A_265 = vector.multi_reduction <minimumf>, %slice3A_260, %reduce_min3A_264 [1] : vector<256x128xf32> to vector<256xf32>
    %broadcast_in_dim3A_266 = vector.shape_cast %reduce_min3A_265 : vector<256xf32> to vector<256x1xf32>
    %slice3A_267 = vector.extract_strided_slice %sub3A_10 {offsets = [0, 4736], sizes = [256, 128], strides = [1, 1]} : vector<256x10240xf32> to vector<256x128xf32>
    %swap3A_268 = arith.constant 9472 : index
    %swap3A_269 = arith.constant 0 : index
    %swap3A_270 = vector.load %arg3[%swap3A_268, %swap3A_269] : memref<20480x128xf32, #tpu.memory_space<vmem>>, vector<256x128xf32>
    tpu.vector_store %arg3[%swap3A_268, %swap3A_269], %slice3A_267 {strides = array<i32>} : memref<20480x128xf32, #tpu.memory_space<vmem>>, vector<256x128xf32>,
    %reduce_min3A_271 = arith.constant dense<0x7F800000> : vector<256xf32>
    %reduce_min3A_272 = vector.multi_reduction <minimumf>, %slice3A_267, %reduce_min3A_271 [1] : vector<256x128xf32> to vector<256xf32>
    %broadcast_in_dim3A_273 = vector.shape_cast %reduce_min3A_272 : vector<256xf32> to vector<256x1xf32>
    %slice3A_274 = vector.extract_strided_slice %sub3A_10 {offsets = [0, 4864], sizes = [256, 128], strides = [1, 1]} : vector<256x10240xf32> to vector<256x128xf32>
    %swap3A_275 = arith.constant 9728 : index
    %swap3A_276 = arith.constant 0 : index
    %swap3A_277 = vector.load %arg3[%swap3A_275, %swap3A_276] : memref<20480x128xf32, #tpu.memory_space<vmem>>, vector<256x128xf32>
    tpu.vector_store %arg3[%swap3A_275, %swap3A_276], %slice3A_274 {strides = array<i32>} : memref<20480x128xf32, #tpu.memory_space<vmem>>, vector<256x128xf32>,
    %reduce_min3A_278 = arith.constant dense<0x7F800000> : vector<256xf32>
    %reduce_min3A_279 = vector.multi_reduction <minimumf>, %slice3A_274, %reduce_min3A_278 [1] : vector<256x128xf32> to vector<256xf32>
    %broadcast_in_dim3A_280 = vector.shape_cast %reduce_min3A_279 : vector<256xf32> to vector<256x1xf32>
    %slice3A_281 = vector.extract_strided_slice %sub3A_10 {offsets = [0, 4992], sizes = [256, 128], strides = [1, 1]} : vector<256x10240xf32> to vector<256x128xf32>
    %swap3A_282 = arith.constant 9984 : index
    %swap3A_283 = arith.constant 0 : index
    %swap3A_284 = vector.load %arg3[%swap3A_282, %swap3A_283] : memref<20480x128xf32, #tpu.memory_space<vmem>>, vector<256x128xf32>
    tpu.vector_store %arg3[%swap3A_282, %swap3A_283], %slice3A_281 {strides = array<i32>} : memref<20480x128xf32, #tpu.memory_space<vmem>>, vector<256x128xf32>,
    %reduce_min3A_285 = arith.constant dense<0x7F800000> : vector<256xf32>
    %reduce_min3A_286 = vector.multi_reduction <minimumf>, %slice3A_281, %reduce_min3A_285 [1] : vector<256x128xf32> to vector<256xf32>
    %broadcast_in_dim3A_287 = vector.shape_cast %reduce_min3A_286 : vector<256xf32> to vector<256x1xf32>
    %slice3A_288 = vector.extract_strided_slice %sub3A_10 {offsets = [0, 5120], sizes = [256, 128], strides = [1, 1]} : vector<256x10240xf32> to vector<256x128xf32>
    %swap3A_289 = arith.constant 10240 : index
    %swap3A_290 = arith.constant 0 : index
    %swap3A_291 = vector.load %arg3[%swap3A_289, %swap3A_290] : memref<20480x128xf32, #tpu.memory_space<vmem>>, vector<256x128xf32>
    tpu.vector_store %arg3[%swap3A_289, %swap3A_290], %slice3A_288 {strides = array<i32>} : memref<20480x128xf32, #tpu.memory_space<vmem>>, vector<256x128xf32>,
    %reduce_min3A_292 = arith.constant dense<0x7F800000> : vector<256xf32>
    %reduce_min3A_293 = vector.multi_reduction <minimumf>, %slice3A_288, %reduce_min3A_292 [1] : vector<256x128xf32> to vector<256xf32>
    %broadcast_in_dim3A_294 = vector.shape_cast %reduce_min3A_293 : vector<256xf32> to vector<256x1xf32>
    %slice3A_295 = vector.extract_strided_slice %sub3A_10 {offsets = [0, 5248], sizes = [256, 128], strides = [1, 1]} : vector<256x10240xf32> to vector<256x128xf32>
    %swap3A_296 = arith.constant 10496 : index
    %swap3A_297 = arith.constant 0 : index
    %swap3A_298 = vector.load %arg3[%swap3A_296, %swap3A_297] : memref<20480x128xf32, #tpu.memory_space<vmem>>, vector<256x128xf32>
    tpu.vector_store %arg3[%swap3A_296, %swap3A_297], %slice3A_295 {strides = array<i32>} : memref<20480x128xf32, #tpu.memory_space<vmem>>, vector<256x128xf32>,
    %reduce_min3A_299 = arith.constant dense<0x7F800000> : vector<256xf32>
    %reduce_min3A_300 = vector.multi_reduction <minimumf>, %slice3A_295, %reduce_min3A_299 [1] : vector<256x128xf32> to vector<256xf32>
    %broadcast_in_dim3A_301 = vector.shape_cast %reduce_min3A_300 : vector<256xf32> to vector<256x1xf32>
    %slice3A_302 = vector.extract_strided_slice %sub3A_10 {offsets = [0, 5376], sizes = [256, 128], strides = [1, 1]} : vector<256x10240xf32> to vector<256x128xf32>
    %swap3A_303 = arith.constant 10752 : index
    %swap3A_304 = arith.constant 0 : index
    %swap3A_305 = vector.load %arg3[%swap3A_303, %swap3A_304] : memref<20480x128xf32, #tpu.memory_space<vmem>>, vector<256x128xf32>
    tpu.vector_store %arg3[%swap3A_303, %swap3A_304], %slice3A_302 {strides = array<i32>} : memref<20480x128xf32, #tpu.memory_space<vmem>>, vector<256x128xf32>,
    %reduce_min3A_306 = arith.constant dense<0x7F800000> : vector<256xf32>
    %reduce_min3A_307 = vector.multi_reduction <minimumf>, %slice3A_302, %reduce_min3A_306 [1] : vector<256x128xf32> to vector<256xf32>
    %broadcast_in_dim3A_308 = vector.shape_cast %reduce_min3A_307 : vector<256xf32> to vector<256x1xf32>
    %slice3A_309 = vector.extract_strided_slice %sub3A_10 {offsets = [0, 5504], sizes = [256, 128], strides = [1, 1]} : vector<256x10240xf32> to vector<256x128xf32>
    %swap3A_310 = arith.constant 11008 : index
    %swap3A_311 = arith.constant 0 : index
    %swap3A_312 = vector.load %arg3[%swap3A_310, %swap3A_311] : memref<20480x128xf32, #tpu.memory_space<vmem>>, vector<256x128xf32>
    tpu.vector_store %arg3[%swap3A_310, %swap3A_311], %slice3A_309 {strides = array<i32>} : memref<20480x128xf32, #tpu.memory_space<vmem>>, vector<256x128xf32>,
    %reduce_min3A_313 = arith.constant dense<0x7F800000> : vector<256xf32>
    %reduce_min3A_314 = vector.multi_reduction <minimumf>, %slice3A_309, %reduce_min3A_313 [1] : vector<256x128xf32> to vector<256xf32>
    %broadcast_in_dim3A_315 = vector.shape_cast %reduce_min3A_314 : vector<256xf32> to vector<256x1xf32>
    %slice3A_316 = vector.extract_strided_slice %sub3A_10 {offsets = [0, 5632], sizes = [256, 128], strides = [1, 1]} : vector<256x10240xf32> to vector<256x128xf32>
    %swap3A_317 = arith.constant 11264 : index
    %swap3A_318 = arith.constant 0 : index
    %swap3A_319 = vector.load %arg3[%swap3A_317, %swap3A_318] : memref<20480x128xf32, #tpu.memory_space<vmem>>, vector<256x128xf32>
    tpu.vector_store %arg3[%swap3A_317, %swap3A_318], %slice3A_316 {strides = array<i32>} : memref<20480x128xf32, #tpu.memory_space<vmem>>, vector<256x128xf32>,
    %reduce_min3A_320 = arith.constant dense<0x7F800000> : vector<256xf32>
    %reduce_min3A_321 = vector.multi_reduction <minimumf>, %slice3A_316, %reduce_min3A_320 [1] : vector<256x128xf32> to vector<256xf32>
    %broadcast_in_dim3A_322 = vector.shape_cast %reduce_min3A_321 : vector<256xf32> to vector<256x1xf32>
    %slice3A_323 = vector.extract_strided_slice %sub3A_10 {offsets = [0, 5760], sizes = [256, 128], strides = [1, 1]} : vector<256x10240xf32> to vector<256x128xf32>
    %swap3A_324 = arith.constant 11520 : index
    %swap3A_325 = arith.constant 0 : index
    %swap3A_326 = vector.load %arg3[%swap3A_324, %swap3A_325] : memref<20480x128xf32, #tpu.memory_space<vmem>>, vector<256x128xf32>
    tpu.vector_store %arg3[%swap3A_324, %swap3A_325], %slice3A_323 {strides = array<i32>} : memref<20480x128xf32, #tpu.memory_space<vmem>>, vector<256x128xf32>,
    %reduce_min3A_327 = arith.constant dense<0x7F800000> : vector<256xf32>
    %reduce_min3A_328 = vector.multi_reduction <minimumf>, %slice3A_323, %reduce_min3A_327 [1] : vector<256x128xf32> to vector<256xf32>
    %broadcast_in_dim3A_329 = vector.shape_cast %reduce_min3A_328 : vector<256xf32> to vector<256x1xf32>
    %slice3A_330 = vector.extract_strided_slice %sub3A_10 {offsets = [0, 5888], sizes = [256, 128], strides = [1, 1]} : vector<256x10240xf32> to vector<256x128xf32>
    %swap3A_331 = arith.constant 11776 : index
    %swap3A_332 = arith.constant 0 : index
    %swap3A_333 = vector.load %arg3[%swap3A_331, %swap3A_332] : memref<20480x128xf32, #tpu.memory_space<vmem>>, vector<256x128xf32>
    tpu.vector_store %arg3[%swap3A_331, %swap3A_332], %slice3A_330 {strides = array<i32>} : memref<20480x128xf32, #tpu.memory_space<vmem>>, vector<256x128xf32>,
    %reduce_min3A_334 = arith.constant dense<0x7F800000> : vector<256xf32>
    %reduce_min3A_335 = vector.multi_reduction <minimumf>, %slice3A_330, %reduce_min3A_334 [1] : vector<256x128xf32> to vector<256xf32>
    %broadcast_in_dim3A_336 = vector.shape_cast %reduce_min3A_335 : vector<256xf32> to vector<256x1xf32>
    %slice3A_337 = vector.extract_strided_slice %sub3A_10 {offsets = [0, 6016], sizes = [256, 128], strides = [1, 1]} : vector<256x10240xf32> to vector<256x128xf32>
    %swap3A_338 = arith.constant 12032 : index
    %swap3A_339 = arith.constant 0 : index
    %swap3A_340 = vector.load %arg3[%swap3A_338, %swap3A_339] : memref<20480x128xf32, #tpu.memory_space<vmem>>, vector<256x128xf32>
    tpu.vector_store %arg3[%swap3A_338, %swap3A_339], %slice3A_337 {strides = array<i32>} : memref<20480x128xf32, #tpu.memory_space<vmem>>, vector<256x128xf32>,
    %reduce_min3A_341 = arith.constant dense<0x7F800000> : vector<256xf32>
    %reduce_min3A_342 = vector.multi_reduction <minimumf>, %slice3A_337, %reduce_min3A_341 [1] : vector<256x128xf32> to vector<256xf32>
    %broadcast_in_dim3A_343 = vector.shape_cast %reduce_min3A_342 : vector<256xf32> to vector<256x1xf32>
    %slice3A_344 = vector.extract_strided_slice %sub3A_10 {offsets = [0, 6144], sizes = [256, 128], strides = [1, 1]} : vector<256x10240xf32> to vector<256x128xf32>
    %swap3A_345 = arith.constant 12288 : index
    %swap3A_346 = arith.constant 0 : index
    %swap3A_347 = vector.load %arg3[%swap3A_345, %swap3A_346] : memref<20480x128xf32, #tpu.memory_space<vmem>>, vector<256x128xf32>
    tpu.vector_store %arg3[%swap3A_345, %swap3A_346], %slice3A_344 {strides = array<i32>} : memref<20480x128xf32, #tpu.memory_space<vmem>>, vector<256x128xf32>,
    %reduce_min3A_348 = arith.constant dense<0x7F800000> : vector<256xf32>
    %reduce_min3A_349 = vector.multi_reduction <minimumf>, %slice3A_344, %reduce_min3A_348 [1] : vector<256x128xf32> to vector<256xf32>
    %broadcast_in_dim3A_350 = vector.shape_cast %reduce_min3A_349 : vector<256xf32> to vector<256x1xf32>
    %slice3A_351 = vector.extract_strided_slice %sub3A_10 {offsets = [0, 6272], sizes = [256, 128], strides = [1, 1]} : vector<256x10240xf32> to vector<256x128xf32>
    %swap3A_352 = arith.constant 12544 : index
    %swap3A_353 = arith.constant 0 : index
    %swap3A_354 = vector.load %arg3[%swap3A_352, %swap3A_353] : memref<20480x128xf32, #tpu.memory_space<vmem>>, vector<256x128xf32>
    tpu.vector_store %arg3[%swap3A_352, %swap3A_353], %slice3A_351 {strides = array<i32>} : memref<20480x128xf32, #tpu.memory_space<vmem>>, vector<256x128xf32>,
    %reduce_min3A_355 = arith.constant dense<0x7F800000> : vector<256xf32>
    %reduce_min3A_356 = vector.multi_reduction <minimumf>, %slice3A_351, %reduce_min3A_355 [1] : vector<256x128xf32> to vector<256xf32>
    %broadcast_in_dim3A_357 = vector.shape_cast %reduce_min3A_356 : vector<256xf32> to vector<256x1xf32>
    %slice3A_358 = vector.extract_strided_slice %sub3A_10 {offsets = [0, 6400], sizes = [256, 128], strides = [1, 1]} : vector<256x10240xf32> to vector<256x128xf32>
    %swap3A_359 = arith.constant 12800 : index
    %swap3A_360 = arith.constant 0 : index
    %swap3A_361 = vector.load %arg3[%swap3A_359, %swap3A_360] : memref<20480x128xf32, #tpu.memory_space<vmem>>, vector<256x128xf32>
    tpu.vector_store %arg3[%swap3A_359, %swap3A_360], %slice3A_358 {strides = array<i32>} : memref<20480x128xf32, #tpu.memory_space<vmem>>, vector<256x128xf32>,
    %reduce_min3A_362 = arith.constant dense<0x7F800000> : vector<256xf32>
    %reduce_min3A_363 = vector.multi_reduction <minimumf>, %slice3A_358, %reduce_min3A_362 [1] : vector<256x128xf32> to vector<256xf32>
    %broadcast_in_dim3A_364 = vector.shape_cast %reduce_min3A_363 : vector<256xf32> to vector<256x1xf32>
    %slice3A_365 = vector.extract_strided_slice %sub3A_10 {offsets = [0, 6528], sizes = [256, 128], strides = [1, 1]} : vector<256x10240xf32> to vector<256x128xf32>
    %swap3A_366 = arith.constant 13056 : index
    %swap3A_367 = arith.constant 0 : index
    %swap3A_368 = vector.load %arg3[%swap3A_366, %swap3A_367] : memref<20480x128xf32, #tpu.memory_space<vmem>>, vector<256x128xf32>
    tpu.vector_store %arg3[%swap3A_366, %swap3A_367], %slice3A_365 {strides = array<i32>} : memref<20480x128xf32, #tpu.memory_space<vmem>>, vector<256x128xf32>,
    %reduce_min3A_369 = arith.constant dense<0x7F800000> : vector<256xf32>
    %reduce_min3A_370 = vector.multi_reduction <minimumf>, %slice3A_365, %reduce_min3A_369 [1] : vector<256x128xf32> to vector<256xf32>
    %broadcast_in_dim3A_371 = vector.shape_cast %reduce_min3A_370 : vector<256xf32> to vector<256x1xf32>
    %slice3A_372 = vector.extract_strided_slice %sub3A_10 {offsets = [0, 6656], sizes = [256, 128], strides = [1, 1]} : vector<256x10240xf32> to vector<256x128xf32>
    %swap3A_373 = arith.constant 13312 : index
    %swap3A_374 = arith.constant 0 : index
    %swap3A_375 = vector.load %arg3[%swap3A_373, %swap3A_374] : memref<20480x128xf32, #tpu.memory_space<vmem>>, vector<256x128xf32>
    tpu.vector_store %arg3[%swap3A_373, %swap3A_374], %slice3A_372 {strides = array<i32>} : memref<20480x128xf32, #tpu.memory_space<vmem>>, vector<256x128xf32>,
    %reduce_min3A_376 = arith.constant dense<0x7F800000> : vector<256xf32>
    %reduce_min3A_377 = vector.multi_reduction <minimumf>, %slice3A_372, %reduce_min3A_376 [1] : vector<256x128xf32> to vector<256xf32>
    %broadcast_in_dim3A_378 = vector.shape_cast %reduce_min3A_377 : vector<256xf32> to vector<256x1xf32>
    %slice3A_379 = vector.extract_strided_slice %sub3A_10 {offsets = [0, 6784], sizes = [256, 128], strides = [1, 1]} : vector<256x10240xf32> to vector<256x128xf32>
    %swap3A_380 = arith.constant 13568 : index
    %swap3A_381 = arith.constant 0 : index
    %swap3A_382 = vector.load %arg3[%swap3A_380, %swap3A_381] : memref<20480x128xf32, #tpu.memory_space<vmem>>, vector<256x128xf32>
    tpu.vector_store %arg3[%swap3A_380, %swap3A_381], %slice3A_379 {strides = array<i32>} : memref<20480x128xf32, #tpu.memory_space<vmem>>, vector<256x128xf32>,
    %reduce_min3A_383 = arith.constant dense<0x7F800000> : vector<256xf32>
    %reduce_min3A_384 = vector.multi_reduction <minimumf>, %slice3A_379, %reduce_min3A_383 [1] : vector<256x128xf32> to vector<256xf32>
    %broadcast_in_dim3A_385 = vector.shape_cast %reduce_min3A_384 : vector<256xf32> to vector<256x1xf32>
    %slice3A_386 = vector.extract_strided_slice %sub3A_10 {offsets = [0, 6912], sizes = [256, 128], strides = [1, 1]} : vector<256x10240xf32> to vector<256x128xf32>
    %swap3A_387 = arith.constant 13824 : index
    %swap3A_388 = arith.constant 0 : index
    %swap3A_389 = vector.load %arg3[%swap3A_387, %swap3A_388] : memref<20480x128xf32, #tpu.memory_space<vmem>>, vector<256x128xf32>
    tpu.vector_store %arg3[%swap3A_387, %swap3A_388], %slice3A_386 {strides = array<i32>} : memref<20480x128xf32, #tpu.memory_space<vmem>>, vector<256x128xf32>,
    %reduce_min3A_390 = arith.constant dense<0x7F800000> : vector<256xf32>
    %reduce_min3A_391 = vector.multi_reduction <minimumf>, %slice3A_386, %reduce_min3A_390 [1] : vector<256x128xf32> to vector<256xf32>
    %broadcast_in_dim3A_392 = vector.shape_cast %reduce_min3A_391 : vector<256xf32> to vector<256x1xf32>
    %slice3A_393 = vector.extract_strided_slice %sub3A_10 {offsets = [0, 7040], sizes = [256, 128], strides = [1, 1]} : vector<256x10240xf32> to vector<256x128xf32>
    %swap3A_394 = arith.constant 14080 : index
    %swap3A_395 = arith.constant 0 : index
    %swap3A_396 = vector.load %arg3[%swap3A_394, %swap3A_395] : memref<20480x128xf32, #tpu.memory_space<vmem>>, vector<256x128xf32>
    tpu.vector_store %arg3[%swap3A_394, %swap3A_395], %slice3A_393 {strides = array<i32>} : memref<20480x128xf32, #tpu.memory_space<vmem>>, vector<256x128xf32>,
    %reduce_min3A_397 = arith.constant dense<0x7F800000> : vector<256xf32>
    %reduce_min3A_398 = vector.multi_reduction <minimumf>, %slice3A_393, %reduce_min3A_397 [1] : vector<256x128xf32> to vector<256xf32>
    %broadcast_in_dim3A_399 = vector.shape_cast %reduce_min3A_398 : vector<256xf32> to vector<256x1xf32>
    %slice3A_400 = vector.extract_strided_slice %sub3A_10 {offsets = [0, 7168], sizes = [256, 128], strides = [1, 1]} : vector<256x10240xf32> to vector<256x128xf32>
    %swap3A_401 = arith.constant 14336 : index
    %swap3A_402 = arith.constant 0 : index
    %swap3A_403 = vector.load %arg3[%swap3A_401, %swap3A_402] : memref<20480x128xf32, #tpu.memory_space<vmem>>, vector<256x128xf32>
    tpu.vector_store %arg3[%swap3A_401, %swap3A_402], %slice3A_400 {strides = array<i32>} : memref<20480x128xf32, #tpu.memory_space<vmem>>, vector<256x128xf32>,
    %reduce_min3A_404 = arith.constant dense<0x7F800000> : vector<256xf32>
    %reduce_min3A_405 = vector.multi_reduction <minimumf>, %slice3A_400, %reduce_min3A_404 [1] : vector<256x128xf32> to vector<256xf32>
    %broadcast_in_dim3A_406 = vector.shape_cast %reduce_min3A_405 : vector<256xf32> to vector<256x1xf32>
    %slice3A_407 = vector.extract_strided_slice %sub3A_10 {offsets = [0, 7296], sizes = [256, 128], strides = [1, 1]} : vector<256x10240xf32> to vector<256x128xf32>
    %swap3A_408 = arith.constant 14592 : index
    %swap3A_409 = arith.constant 0 : index
    %swap3A_410 = vector.load %arg3[%swap3A_408, %swap3A_409] : memref<20480x128xf32, #tpu.memory_space<vmem>>, vector<256x128xf32>
    tpu.vector_store %arg3[%swap3A_408, %swap3A_409], %slice3A_407 {strides = array<i32>} : memref<20480x128xf32, #tpu.memory_space<vmem>>, vector<256x128xf32>,
    %reduce_min3A_411 = arith.constant dense<0x7F800000> : vector<256xf32>
    %reduce_min3A_412 = vector.multi_reduction <minimumf>, %slice3A_407, %reduce_min3A_411 [1] : vector<256x128xf32> to vector<256xf32>
    %broadcast_in_dim3A_413 = vector.shape_cast %reduce_min3A_412 : vector<256xf32> to vector<256x1xf32>
    %slice3A_414 = vector.extract_strided_slice %sub3A_10 {offsets = [0, 7424], sizes = [256, 128], strides = [1, 1]} : vector<256x10240xf32> to vector<256x128xf32>
    %swap3A_415 = arith.constant 14848 : index
    %swap3A_416 = arith.constant 0 : index
    %swap3A_417 = vector.load %arg3[%swap3A_415, %swap3A_416] : memref<20480x128xf32, #tpu.memory_space<vmem>>, vector<256x128xf32>
    tpu.vector_store %arg3[%swap3A_415, %swap3A_416], %slice3A_414 {strides = array<i32>} : memref<20480x128xf32, #tpu.memory_space<vmem>>, vector<256x128xf32>,
    %reduce_min3A_418 = arith.constant dense<0x7F800000> : vector<256xf32>
    %reduce_min3A_419 = vector.multi_reduction <minimumf>, %slice3A_414, %reduce_min3A_418 [1] : vector<256x128xf32> to vector<256xf32>
    %broadcast_in_dim3A_420 = vector.shape_cast %reduce_min3A_419 : vector<256xf32> to vector<256x1xf32>
    %slice3A_421 = vector.extract_strided_slice %sub3A_10 {offsets = [0, 7552], sizes = [256, 128], strides = [1, 1]} : vector<256x10240xf32> to vector<256x128xf32>
    %swap3A_422 = arith.constant 15104 : index
    %swap3A_423 = arith.constant 0 : index
    %swap3A_424 = vector.load %arg3[%swap3A_422, %swap3A_423] : memref<20480x128xf32, #tpu.memory_space<vmem>>, vector<256x128xf32>
    tpu.vector_store %arg3[%swap3A_422, %swap3A_423], %slice3A_421 {strides = array<i32>} : memref<20480x128xf32, #tpu.memory_space<vmem>>, vector<256x128xf32>,
    %reduce_min3A_425 = arith.constant dense<0x7F800000> : vector<256xf32>
    %reduce_min3A_426 = vector.multi_reduction <minimumf>, %slice3A_421, %reduce_min3A_425 [1] : vector<256x128xf32> to vector<256xf32>
    %broadcast_in_dim3A_427 = vector.shape_cast %reduce_min3A_426 : vector<256xf32> to vector<256x1xf32>
    %slice3A_428 = vector.extract_strided_slice %sub3A_10 {offsets = [0, 7680], sizes = [256, 128], strides = [1, 1]} : vector<256x10240xf32> to vector<256x128xf32>
    %swap3A_429 = arith.constant 15360 : index
    %swap3A_430 = arith.constant 0 : index
    %swap3A_431 = vector.load %arg3[%swap3A_429, %swap3A_430] : memref<20480x128xf32, #tpu.memory_space<vmem>>, vector<256x128xf32>
    tpu.vector_store %arg3[%swap3A_429, %swap3A_430], %slice3A_428 {strides = array<i32>} : memref<20480x128xf32, #tpu.memory_space<vmem>>, vector<256x128xf32>,
    %reduce_min3A_432 = arith.constant dense<0x7F800000> : vector<256xf32>
    %reduce_min3A_433 = vector.multi_reduction <minimumf>, %slice3A_428, %reduce_min3A_432 [1] : vector<256x128xf32> to vector<256xf32>
    %broadcast_in_dim3A_434 = vector.shape_cast %reduce_min3A_433 : vector<256xf32> to vector<256x1xf32>
    %slice3A_435 = vector.extract_strided_slice %sub3A_10 {offsets = [0, 7808], sizes = [256, 128], strides = [1, 1]} : vector<256x10240xf32> to vector<256x128xf32>
    %swap3A_436 = arith.constant 15616 : index
    %swap3A_437 = arith.constant 0 : index
    %swap3A_438 = vector.load %arg3[%swap3A_436, %swap3A_437] : memref<20480x128xf32, #tpu.memory_space<vmem>>, vector<256x128xf32>
    tpu.vector_store %arg3[%swap3A_436, %swap3A_437], %slice3A_435 {strides = array<i32>} : memref<20480x128xf32, #tpu.memory_space<vmem>>, vector<256x128xf32>,
    %reduce_min3A_439 = arith.constant dense<0x7F800000> : vector<256xf32>
    %reduce_min3A_440 = vector.multi_reduction <minimumf>, %slice3A_435, %reduce_min3A_439 [1] : vector<256x128xf32> to vector<256xf32>
    %broadcast_in_dim3A_441 = vector.shape_cast %reduce_min3A_440 : vector<256xf32> to vector<256x1xf32>
    %slice3A_442 = vector.extract_strided_slice %sub3A_10 {offsets = [0, 7936], sizes = [256, 128], strides = [1, 1]} : vector<256x10240xf32> to vector<256x128xf32>
    %swap3A_443 = arith.constant 15872 : index
    %swap3A_444 = arith.constant 0 : index
    %swap3A_445 = vector.load %arg3[%swap3A_443, %swap3A_444] : memref<20480x128xf32, #tpu.memory_space<vmem>>, vector<256x128xf32>
    tpu.vector_store %arg3[%swap3A_443, %swap3A_444], %slice3A_442 {strides = array<i32>} : memref<20480x128xf32, #tpu.memory_space<vmem>>, vector<256x128xf32>,
    %reduce_min3A_446 = arith.constant dense<0x7F800000> : vector<256xf32>
    %reduce_min3A_447 = vector.multi_reduction <minimumf>, %slice3A_442, %reduce_min3A_446 [1] : vector<256x128xf32> to vector<256xf32>
    %broadcast_in_dim3A_448 = vector.shape_cast %reduce_min3A_447 : vector<256xf32> to vector<256x1xf32>
    %slice3A_449 = vector.extract_strided_slice %sub3A_10 {offsets = [0, 8064], sizes = [256, 128], strides = [1, 1]} : vector<256x10240xf32> to vector<256x128xf32>
    %swap3A_450 = arith.constant 16128 : index
    %swap3A_451 = arith.constant 0 : index
    %swap3A_452 = vector.load %arg3[%swap3A_450, %swap3A_451] : memref<20480x128xf32, #tpu.memory_space<vmem>>, vector<256x128xf32>
    tpu.vector_store %arg3[%swap3A_450, %swap3A_451], %slice3A_449 {strides = array<i32>} : memref<20480x128xf32, #tpu.memory_space<vmem>>, vector<256x128xf32>,
    %reduce_min3A_453 = arith.constant dense<0x7F800000> : vector<256xf32>
    %reduce_min3A_454 = vector.multi_reduction <minimumf>, %slice3A_449, %reduce_min3A_453 [1] : vector<256x128xf32> to vector<256xf32>
    %broadcast_in_dim3A_455 = vector.shape_cast %reduce_min3A_454 : vector<256xf32> to vector<256x1xf32>
    %slice3A_456 = vector.extract_strided_slice %sub3A_10 {offsets = [0, 8192], sizes = [256, 128], strides = [1, 1]} : vector<256x10240xf32> to vector<256x128xf32>
    %swap3A_457 = arith.constant 16384 : index
    %swap3A_458 = arith.constant 0 : index
    %swap3A_459 = vector.load %arg3[%swap3A_457, %swap3A_458] : memref<20480x128xf32, #tpu.memory_space<vmem>>, vector<256x128xf32>
    tpu.vector_store %arg3[%swap3A_457, %swap3A_458], %slice3A_456 {strides = array<i32>} : memref<20480x128xf32, #tpu.memory_space<vmem>>, vector<256x128xf32>,
    %reduce_min3A_460 = arith.constant dense<0x7F800000> : vector<256xf32>
    %reduce_min3A_461 = vector.multi_reduction <minimumf>, %slice3A_456, %reduce_min3A_460 [1] : vector<256x128xf32> to vector<256xf32>
    %broadcast_in_dim3A_462 = vector.shape_cast %reduce_min3A_461 : vector<256xf32> to vector<256x1xf32>
    %slice3A_463 = vector.extract_strided_slice %sub3A_10 {offsets = [0, 8320], sizes = [256, 128], strides = [1, 1]} : vector<256x10240xf32> to vector<256x128xf32>
    %swap3A_464 = arith.constant 16640 : index
    %swap3A_465 = arith.constant 0 : index
    %swap3A_466 = vector.load %arg3[%swap3A_464, %swap3A_465] : memref<20480x128xf32, #tpu.memory_space<vmem>>, vector<256x128xf32>
    tpu.vector_store %arg3[%swap3A_464, %swap3A_465], %slice3A_463 {strides = array<i32>} : memref<20480x128xf32, #tpu.memory_space<vmem>>, vector<256x128xf32>,
    %reduce_min3A_467 = arith.constant dense<0x7F800000> : vector<256xf32>
    %reduce_min3A_468 = vector.multi_reduction <minimumf>, %slice3A_463, %reduce_min3A_467 [1] : vector<256x128xf32> to vector<256xf32>
    %broadcast_in_dim3A_469 = vector.shape_cast %reduce_min3A_468 : vector<256xf32> to vector<256x1xf32>
    %slice3A_470 = vector.extract_strided_slice %sub3A_10 {offsets = [0, 8448], sizes = [256, 128], strides = [1, 1]} : vector<256x10240xf32> to vector<256x128xf32>
    %swap3A_471 = arith.constant 16896 : index
    %swap3A_472 = arith.constant 0 : index
    %swap3A_473 = vector.load %arg3[%swap3A_471, %swap3A_472] : memref<20480x128xf32, #tpu.memory_space<vmem>>, vector<256x128xf32>
    tpu.vector_store %arg3[%swap3A_471, %swap3A_472], %slice3A_470 {strides = array<i32>} : memref<20480x128xf32, #tpu.memory_space<vmem>>, vector<256x128xf32>,
    %reduce_min3A_474 = arith.constant dense<0x7F800000> : vector<256xf32>
    %reduce_min3A_475 = vector.multi_reduction <minimumf>, %slice3A_470, %reduce_min3A_474 [1] : vector<256x128xf32> to vector<256xf32>
    %broadcast_in_dim3A_476 = vector.shape_cast %reduce_min3A_475 : vector<256xf32> to vector<256x1xf32>
    %slice3A_477 = vector.extract_strided_slice %sub3A_10 {offsets = [0, 8576], sizes = [256, 128], strides = [1, 1]} : vector<256x10240xf32> to vector<256x128xf32>
    %swap3A_478 = arith.constant 17152 : index
    %swap3A_479 = arith.constant 0 : index
    %swap3A_480 = vector.load %arg3[%swap3A_478, %swap3A_479] : memref<20480x128xf32, #tpu.memory_space<vmem>>, vector<256x128xf32>
    tpu.vector_store %arg3[%swap3A_478, %swap3A_479], %slice3A_477 {strides = array<i32>} : memref<20480x128xf32, #tpu.memory_space<vmem>>, vector<256x128xf32>,
    %reduce_min3A_481 = arith.constant dense<0x7F800000> : vector<256xf32>
    %reduce_min3A_482 = vector.multi_reduction <minimumf>, %slice3A_477, %reduce_min3A_481 [1] : vector<256x128xf32> to vector<256xf32>
    %broadcast_in_dim3A_483 = vector.shape_cast %reduce_min3A_482 : vector<256xf32> to vector<256x1xf32>
    %slice3A_484 = vector.extract_strided_slice %sub3A_10 {offsets = [0, 8704], sizes = [256, 128], strides = [1, 1]} : vector<256x10240xf32> to vector<256x128xf32>
    %swap3A_485 = arith.constant 17408 : index
    %swap3A_486 = arith.constant 0 : index
    %swap3A_487 = vector.load %arg3[%swap3A_485, %swap3A_486] : memref<20480x128xf32, #tpu.memory_space<vmem>>, vector<256x128xf32>
    tpu.vector_store %arg3[%swap3A_485, %swap3A_486], %slice3A_484 {strides = array<i32>} : memref<20480x128xf32, #tpu.memory_space<vmem>>, vector<256x128xf32>,
    %reduce_min3A_488 = arith.constant dense<0x7F800000> : vector<256xf32>
    %reduce_min3A_489 = vector.multi_reduction <minimumf>, %slice3A_484, %reduce_min3A_488 [1] : vector<256x128xf32> to vector<256xf32>
    %broadcast_in_dim3A_490 = vector.shape_cast %reduce_min3A_489 : vector<256xf32> to vector<256x1xf32>
    %slice3A_491 = vector.extract_strided_slice %sub3A_10 {offsets = [0, 8832], sizes = [256, 128], strides = [1, 1]} : vector<256x10240xf32> to vector<256x128xf32>
    %swap3A_492 = arith.constant 17664 : index
    %swap3A_493 = arith.constant 0 : index
    %swap3A_494 = vector.load %arg3[%swap3A_492, %swap3A_493] : memref<20480x128xf32, #tpu.memory_space<vmem>>, vector<256x128xf32>
    tpu.vector_store %arg3[%swap3A_492, %swap3A_493], %slice3A_491 {strides = array<i32>} : memref<20480x128xf32, #tpu.memory_space<vmem>>, vector<256x128xf32>,
    %reduce_min3A_495 = arith.constant dense<0x7F800000> : vector<256xf32>
    %reduce_min3A_496 = vector.multi_reduction <minimumf>, %slice3A_491, %reduce_min3A_495 [1] : vector<256x128xf32> to vector<256xf32>
    %broadcast_in_dim3A_497 = vector.shape_cast %reduce_min3A_496 : vector<256xf32> to vector<256x1xf32>
    %slice3A_498 = vector.extract_strided_slice %sub3A_10 {offsets = [0, 8960], sizes = [256, 128], strides = [1, 1]} : vector<256x10240xf32> to vector<256x128xf32>
    %swap3A_499 = arith.constant 17920 : index
    %swap3A_500 = arith.constant 0 : index
    %swap3A_501 = vector.load %arg3[%swap3A_499, %swap3A_500] : memref<20480x128xf32, #tpu.memory_space<vmem>>, vector<256x128xf32>
    tpu.vector_store %arg3[%swap3A_499, %swap3A_500], %slice3A_498 {strides = array<i32>} : memref<20480x128xf32, #tpu.memory_space<vmem>>, vector<256x128xf32>,
    %reduce_min3A_502 = arith.constant dense<0x7F800000> : vector<256xf32>
    %reduce_min3A_503 = vector.multi_reduction <minimumf>, %slice3A_498, %reduce_min3A_502 [1] : vector<256x128xf32> to vector<256xf32>
    %broadcast_in_dim3A_504 = vector.shape_cast %reduce_min3A_503 : vector<256xf32> to vector<256x1xf32>
    %slice3A_505 = vector.extract_strided_slice %sub3A_10 {offsets = [0, 9088], sizes = [256, 128], strides = [1, 1]} : vector<256x10240xf32> to vector<256x128xf32>
    %swap3A_506 = arith.constant 18176 : index
    %swap3A_507 = arith.constant 0 : index
    %swap3A_508 = vector.load %arg3[%swap3A_506, %swap3A_507] : memref<20480x128xf32, #tpu.memory_space<vmem>>, vector<256x128xf32>
    tpu.vector_store %arg3[%swap3A_506, %swap3A_507], %slice3A_505 {strides = array<i32>} : memref<20480x128xf32, #tpu.memory_space<vmem>>, vector<256x128xf32>,
    %reduce_min3A_509 = arith.constant dense<0x7F800000> : vector<256xf32>
    %reduce_min3A_510 = vector.multi_reduction <minimumf>, %slice3A_505, %reduce_min3A_509 [1] : vector<256x128xf32> to vector<256xf32>
    %broadcast_in_dim3A_511 = vector.shape_cast %reduce_min3A_510 : vector<256xf32> to vector<256x1xf32>
    %slice3A_512 = vector.extract_strided_slice %sub3A_10 {offsets = [0, 9216], sizes = [256, 128], strides = [1, 1]} : vector<256x10240xf32> to vector<256x128xf32>
    %swap3A_513 = arith.constant 18432 : index
    %swap3A_514 = arith.constant 0 : index
    %swap3A_515 = vector.load %arg3[%swap3A_513, %swap3A_514] : memref<20480x128xf32, #tpu.memory_space<vmem>>, vector<256x128xf32>
    tpu.vector_store %arg3[%swap3A_513, %swap3A_514], %slice3A_512 {strides = array<i32>} : memref<20480x128xf32, #tpu.memory_space<vmem>>, vector<256x128xf32>,
    %reduce_min3A_516 = arith.constant dense<0x7F800000> : vector<256xf32>
    %reduce_min3A_517 = vector.multi_reduction <minimumf>, %slice3A_512, %reduce_min3A_516 [1] : vector<256x128xf32> to vector<256xf32>
    %broadcast_in_dim3A_518 = vector.shape_cast %reduce_min3A_517 : vector<256xf32> to vector<256x1xf32>
    %slice3A_519 = vector.extract_strided_slice %sub3A_10 {offsets = [0, 9344], sizes = [256, 128], strides = [1, 1]} : vector<256x10240xf32> to vector<256x128xf32>
    %swap3A_520 = arith.constant 18688 : index
    %swap3A_521 = arith.constant 0 : index
    %swap3A_522 = vector.load %arg3[%swap3A_520, %swap3A_521] : memref<20480x128xf32, #tpu.memory_space<vmem>>, vector<256x128xf32>
    tpu.vector_store %arg3[%swap3A_520, %swap3A_521], %slice3A_519 {strides = array<i32>} : memref<20480x128xf32, #tpu.memory_space<vmem>>, vector<256x128xf32>,
    %reduce_min3A_523 = arith.constant dense<0x7F800000> : vector<256xf32>
    %reduce_min3A_524 = vector.multi_reduction <minimumf>, %slice3A_519, %reduce_min3A_523 [1] : vector<256x128xf32> to vector<256xf32>
    %broadcast_in_dim3A_525 = vector.shape_cast %reduce_min3A_524 : vector<256xf32> to vector<256x1xf32>
    %slice3A_526 = vector.extract_strided_slice %sub3A_10 {offsets = [0, 9472], sizes = [256, 128], strides = [1, 1]} : vector<256x10240xf32> to vector<256x128xf32>
    %swap3A_527 = arith.constant 18944 : index
    %swap3A_528 = arith.constant 0 : index
    %swap3A_529 = vector.load %arg3[%swap3A_527, %swap3A_528] : memref<20480x128xf32, #tpu.memory_space<vmem>>, vector<256x128xf32>
    tpu.vector_store %arg3[%swap3A_527, %swap3A_528], %slice3A_526 {strides = array<i32>} : memref<20480x128xf32, #tpu.memory_space<vmem>>, vector<256x128xf32>,
    %reduce_min3A_530 = arith.constant dense<0x7F800000> : vector<256xf32>
    %reduce_min3A_531 = vector.multi_reduction <minimumf>, %slice3A_526, %reduce_min3A_530 [1] : vector<256x128xf32> to vector<256xf32>
    %broadcast_in_dim3A_532 = vector.shape_cast %reduce_min3A_531 : vector<256xf32> to vector<256x1xf32>
    %slice3A_533 = vector.extract_strided_slice %sub3A_10 {offsets = [0, 9600], sizes = [256, 128], strides = [1, 1]} : vector<256x10240xf32> to vector<256x128xf32>
    %swap3A_534 = arith.constant 19200 : index
    %swap3A_535 = arith.constant 0 : index
    %swap3A_536 = vector.load %arg3[%swap3A_534, %swap3A_535] : memref<20480x128xf32, #tpu.memory_space<vmem>>, vector<256x128xf32>
    tpu.vector_store %arg3[%swap3A_534, %swap3A_535], %slice3A_533 {strides = array<i32>} : memref<20480x128xf32, #tpu.memory_space<vmem>>, vector<256x128xf32>,
    %reduce_min3A_537 = arith.constant dense<0x7F800000> : vector<256xf32>
    %reduce_min3A_538 = vector.multi_reduction <minimumf>, %slice3A_533, %reduce_min3A_537 [1] : vector<256x128xf32> to vector<256xf32>
    %broadcast_in_dim3A_539 = vector.shape_cast %reduce_min3A_538 : vector<256xf32> to vector<256x1xf32>
    %slice3A_540 = vector.extract_strided_slice %sub3A_10 {offsets = [0, 9728], sizes = [256, 128], strides = [1, 1]} : vector<256x10240xf32> to vector<256x128xf32>
    %swap3A_541 = arith.constant 19456 : index
    %swap3A_542 = arith.constant 0 : index
    %swap3A_543 = vector.load %arg3[%swap3A_541, %swap3A_542] : memref<20480x128xf32, #tpu.memory_space<vmem>>, vector<256x128xf32>
    tpu.vector_store %arg3[%swap3A_541, %swap3A_542], %slice3A_540 {strides = array<i32>} : memref<20480x128xf32, #tpu.memory_space<vmem>>, vector<256x128xf32>,
    %reduce_min3A_544 = arith.constant dense<0x7F800000> : vector<256xf32>
    %reduce_min3A_545 = vector.multi_reduction <minimumf>, %slice3A_540, %reduce_min3A_544 [1] : vector<256x128xf32> to vector<256xf32>
    %broadcast_in_dim3A_546 = vector.shape_cast %reduce_min3A_545 : vector<256xf32> to vector<256x1xf32>
    %slice3A_547 = vector.extract_strided_slice %sub3A_10 {offsets = [0, 9856], sizes = [256, 128], strides = [1, 1]} : vector<256x10240xf32> to vector<256x128xf32>
    %swap3A_548 = arith.constant 19712 : index
    %swap3A_549 = arith.constant 0 : index
    %swap3A_550 = vector.load %arg3[%swap3A_548, %swap3A_549] : memref<20480x128xf32, #tpu.memory_space<vmem>>, vector<256x128xf32>
    tpu.vector_store %arg3[%swap3A_548, %swap3A_549], %slice3A_547 {strides = array<i32>} : memref<20480x128xf32, #tpu.memory_space<vmem>>, vector<256x128xf32>,
    %reduce_min3A_551 = arith.constant dense<0x7F800000> : vector<256xf32>
    %reduce_min3A_552 = vector.multi_reduction <minimumf>, %slice3A_547, %reduce_min3A_551 [1] : vector<256x128xf32> to vector<256xf32>
    %broadcast_in_dim3A_553 = vector.shape_cast %reduce_min3A_552 : vector<256xf32> to vector<256x1xf32>
    %slice3A_554 = vector.extract_strided_slice %sub3A_10 {offsets = [0, 9984], sizes = [256, 128], strides = [1, 1]} : vector<256x10240xf32> to vector<256x128xf32>
    %swap3A_555 = arith.constant 19968 : index
    %swap3A_556 = arith.constant 0 : index
    %swap3A_557 = vector.load %arg3[%swap3A_555, %swap3A_556] : memref<20480x128xf32, #tpu.memory_space<vmem>>, vector<256x128xf32>
    tpu.vector_store %arg3[%swap3A_555, %swap3A_556], %slice3A_554 {strides = array<i32>} : memref<20480x128xf32, #tpu.memory_space<vmem>>, vector<256x128xf32>,
    %reduce_min3A_558 = arith.constant dense<0x7F800000> : vector<256xf32>
    %reduce_min3A_559 = vector.multi_reduction <minimumf>, %slice3A_554, %reduce_min3A_558 [1] : vector<256x128xf32> to vector<256xf32>
    %broadcast_in_dim3A_560 = vector.shape_cast %reduce_min3A_559 : vector<256xf32> to vector<256x1xf32>
    %slice3A_561 = vector.extract_strided_slice %sub3A_10 {offsets = [0, 10112], sizes = [256, 128], strides = [1, 1]} : vector<256x10240xf32> to vector<256x128xf32>
    %swap3A_562 = arith.constant 20224 : index
    %swap3A_563 = arith.constant 0 : index
    %swap3A_564 = vector.load %arg3[%swap3A_562, %swap3A_563] : memref<20480x128xf32, #tpu.memory_space<vmem>>, vector<256x128xf32>
    tpu.vector_store %arg3[%swap3A_562, %swap3A_563], %slice3A_561 {strides = array<i32>} : memref<20480x128xf32, #tpu.memory_space<vmem>>, vector<256x128xf32>,
    %reduce_min3A_565 = arith.constant dense<0x7F800000> : vector<256xf32>
    %reduce_min3A_566 = vector.multi_reduction <minimumf>, %slice3A_561, %reduce_min3A_565 [1] : vector<256x128xf32> to vector<256xf32>
    %broadcast_in_dim3A_567 = vector.shape_cast %reduce_min3A_566 : vector<256xf32> to vector<256x1xf32>
    %concatenate3A = tpu.concatenate %broadcast_in_dim3A_14, %broadcast_in_dim3A_21, %broadcast_in_dim3A_28, %broadcast_in_dim3A_35, %broadcast_in_dim3A_42, %broadcast_in_dim3A_49, %broadcast_in_dim3A_56, %broadcast_in_dim3A_63, %broadcast_in_dim3A_70, %broadcast_in_dim3A_77, %broadcast_in_dim3A_84, %broadcast_in_dim3A_91, %broadcast_in_dim3A_98, %broadcast_in_dim3A_105, %broadcast_in_dim3A_112, %broadcast_in_dim3A_119, %broadcast_in_dim3A_126, %broadcast_in_dim3A_133, %broadcast_in_dim3A_140, %broadcast_in_dim3A_147, %broadcast_in_dim3A_154, %broadcast_in_dim3A_161, %broadcast_in_dim3A_168, %broadcast_in_dim3A_175, %broadcast_in_dim3A_182, %broadcast_in_dim3A_189, %broadcast_in_dim3A_196, %broadcast_in_dim3A_203, %broadcast_in_dim3A_210, %broadcast_in_dim3A_217, %broadcast_in_dim3A_224, %broadcast_in_dim3A_231, %broadcast_in_dim3A_238, %broadcast_in_dim3A_245, %broadcast_in_dim3A_252, %broadcast_in_dim3A_259, %broadcast_in_dim3A_266, %broadcast_in_dim3A_273, %broadcast_in_dim3A_280, %broadcast_in_dim3A_287, %broadcast_in_dim3A_294, %broadcast_in_dim3A_301, %broadcast_in_dim3A_308, %broadcast_in_dim3A_315, %broadcast_in_dim3A_322, %broadcast_in_dim3A_329, %broadcast_in_dim3A_336, %broadcast_in_dim3A_343, %broadcast_in_dim3A_350, %broadcast_in_dim3A_357, %broadcast_in_dim3A_364, %broadcast_in_dim3A_371, %broadcast_in_dim3A_378, %broadcast_in_dim3A_385, %broadcast_in_dim3A_392, %broadcast_in_dim3A_399, %broadcast_in_dim3A_406, %broadcast_in_dim3A_413, %broadcast_in_dim3A_420, %broadcast_in_dim3A_427, %broadcast_in_dim3A_434, %broadcast_in_dim3A_441, %broadcast_in_dim3A_448, %broadcast_in_dim3A_455, %broadcast_in_dim3A_462, %broadcast_in_dim3A_469, %broadcast_in_dim3A_476, %broadcast_in_dim3A_483, %broadcast_in_dim3A_490, %broadcast_in_dim3A_497, %broadcast_in_dim3A_504, %broadcast_in_dim3A_511, %broadcast_in_dim3A_518, %broadcast_in_dim3A_525, %broadcast_in_dim3A_532, %broadcast_in_dim3A_539, %broadcast_in_dim3A_546, %broadcast_in_dim3A_553, %broadcast_in_dim3A_560, %broadcast_in_dim3A_567 in 1 : vector<256x1xf32>, vector<256x1xf32>, vector<256x1xf32>, vector<256x1xf32>, vector<256x1xf32>, vector<256x1xf32>, vector<256x1xf32>, vector<256x1xf32>, vector<256x1xf32>, vector<256x1xf32>, vector<256x1xf32>, vector<256x1xf32>, vector<256x1xf32>, vector<256x1xf32>, vector<256x1xf32>, vector<256x1xf32>, vector<256x1xf32>, vector<256x1xf32>, vector<256x1xf32>, vector<256x1xf32>, vector<256x1xf32>, vector<256x1xf32>, vector<256x1xf32>, vector<256x1xf32>, vector<256x1xf32>, vector<256x1xf32>, vector<256x1xf32>, vector<256x1xf32>, vector<256x1xf32>, vector<256x1xf32>, vector<256x1xf32>, vector<256x1xf32>, vector<256x1xf32>, vector<256x1xf32>, vector<256x1xf32>, vector<256x1xf32>, vector<256x1xf32>, vector<256x1xf32>, vector<256x1xf32>, vector<256x1xf32>, vector<256x1xf32>, vector<256x1xf32>, vector<256x1xf32>, vector<256x1xf32>, vector<256x1xf32>, vector<256x1xf32>, vector<256x1xf32>, vector<256x1xf32>, vector<256x1xf32>, vector<256x1xf32>, vector<256x1xf32>, vector<256x1xf32>, vector<256x1xf32>, vector<256x1xf32>, vector<256x1xf32>, vector<256x1xf32>, vector<256x1xf32>, vector<256x1xf32>, vector<256x1xf32>, vector<256x1xf32>, vector<256x1xf32>, vector<256x1xf32>, vector<256x1xf32>, vector<256x1xf32>, vector<256x1xf32>, vector<256x1xf32>, vector<256x1xf32>, vector<256x1xf32>, vector<256x1xf32>, vector<256x1xf32>, vector<256x1xf32>, vector<256x1xf32>, vector<256x1xf32>, vector<256x1xf32>, vector<256x1xf32>, vector<256x1xf32>, vector<256x1xf32>, vector<256x1xf32>, vector<256x1xf32>, vector<256x1xf32> -> vector<256x80xf32>
    %iota3A = tpu.iota {dimensions = array<i32: 1>} : vector<256x80xi32>
    %convert_element_type3A = arith.sitofp %iota3A : vector<256x80xi32> to vector<256x80xf32>
    %iota3A_568 = tpu.iota {dimensions = array<i32: 0>} : vector<256x1xi32>
    %reduce_min3A_569 = arith.constant dense<0x7F800000> : vector<256xf32>
    %reduce_min3A_570 = vector.multi_reduction <minimumf>, %concatenate3A, %reduce_min3A_569 [1] : vector<256x80xf32> to vector<256xf32>
    %broadcast_in_dim3A_571 = vector.shape_cast %reduce_min3A_570 : vector<256xf32> to vector<256x1xf32>
    %eq3A = vector.broadcast %broadcast_in_dim3A_571 : vector<256x1xf32> to vector<256x80xf32>
    %eq3A_572 = arith.cmpf oeq, %concatenate3A, %eq3A : vector<256x80xf32>
    %jit3A = arith.constant 1.000000e+09 : f32
    %broadcast_in_dim3A_573 = vector.broadcast %jit3A : f32 to vector<256x80xf32>
    %select_n3A = arith.select %eq3A_572, %convert_element_type3A, %broadcast_in_dim3A_573 : vector<256x80xi1>, vector<256x80xf32>
    %reduce_min3A_574 = arith.constant dense<0x7F800000> : vector<256xf32>
    %reduce_min3A_575 = vector.multi_reduction <minimumf>, %select_n3A, %reduce_min3A_574 [1] : vector<256x80xf32> to vector<256xf32>
    %broadcast_in_dim3A_576 = vector.shape_cast %reduce_min3A_575 : vector<256xf32> to vector<256x1xf32>
    %eq3A_577 = vector.broadcast %broadcast_in_dim3A_576 : vector<256x1xf32> to vector<256x80xf32>
    %eq3A_578 = arith.cmpf oeq, %select_n3A, %eq3A_577 : vector<256x80xf32>
    %jit3A_579 = arith.constant 0x7F800000 : f32
    %broadcast_in_dim3A_580 = vector.broadcast %jit3A_579 : f32 to vector<256x80xf32>
    %select_n3A_581 = arith.select %eq3A_578, %broadcast_in_dim3A_580, %concatenate3A : vector<256x80xi1>, vector<256x80xf32>
    %convert_element_type3A_582 = arith.fptosi %broadcast_in_dim3A_576 : vector<256x1xf32> to vector<256x1xi32>
    %reduce_min3A_583 = arith.constant dense<0x7F800000> : vector<256xf32>
    %reduce_min3A_584 = vector.multi_reduction <minimumf>, %select_n3A_581, %reduce_min3A_583 [1] : vector<256x80xf32> to vector<256xf32>
    %broadcast_in_dim3A_585 = vector.shape_cast %reduce_min3A_584 : vector<256xf32> to vector<256x1xf32>
    %eq3A_586 = vector.broadcast %broadcast_in_dim3A_585 : vector<256x1xf32> to vector<256x80xf32>
    %eq3A_587 = arith.cmpf oeq, %select_n3A_581, %eq3A_586 : vector<256x80xf32>
    %jit3A_588 = arith.constant 1.000000e+09 : f32
    %broadcast_in_dim3A_589 = vector.broadcast %jit3A_588 : f32 to vector<256x80xf32>
    %select_n3A_590 = arith.select %eq3A_587, %convert_element_type3A, %broadcast_in_dim3A_589 : vector<256x80xi1>, vector<256x80xf32>
    %reduce_min3A_591 = arith.constant dense<0x7F800000> : vector<256xf32>
    %reduce_min3A_592 = vector.multi_reduction <minimumf>, %select_n3A_590, %reduce_min3A_591 [1] : vector<256x80xf32> to vector<256xf32>
    %broadcast_in_dim3A_593 = vector.shape_cast %reduce_min3A_592 : vector<256xf32> to vector<256x1xf32>
    %eq3A_594 = vector.broadcast %broadcast_in_dim3A_593 : vector<256x1xf32> to vector<256x80xf32>
    %eq3A_595 = arith.cmpf oeq, %select_n3A_590, %eq3A_594 : vector<256x80xf32>
    %jit3A_596 = arith.constant 0x7F800000 : f32
    %broadcast_in_dim3A_597 = vector.broadcast %jit3A_596 : f32 to vector<256x80xf32>
    %select_n3A_598 = arith.select %eq3A_595, %broadcast_in_dim3A_597, %select_n3A_581 : vector<256x80xi1>, vector<256x80xf32>
    %convert_element_type3A_599 = arith.fptosi %broadcast_in_dim3A_593 : vector<256x1xf32> to vector<256x1xi32>
    %reduce_min3A_600 = arith.constant dense<0x7F800000> : vector<256xf32>
    %reduce_min3A_601 = vector.multi_reduction <minimumf>, %select_n3A_598, %reduce_min3A_600 [1] : vector<256x80xf32> to vector<256xf32>
    %broadcast_in_dim3A_602 = vector.shape_cast %reduce_min3A_601 : vector<256xf32> to vector<256x1xf32>
    %eq3A_603 = vector.broadcast %broadcast_in_dim3A_602 : vector<256x1xf32> to vector<256x80xf32>
    %eq3A_604 = arith.cmpf oeq, %select_n3A_598, %eq3A_603 : vector<256x80xf32>
    %jit3A_605 = arith.constant 1.000000e+09 : f32
    %broadcast_in_dim3A_606 = vector.broadcast %jit3A_605 : f32 to vector<256x80xf32>
    %select_n3A_607 = arith.select %eq3A_604, %convert_element_type3A, %broadcast_in_dim3A_606 : vector<256x80xi1>, vector<256x80xf32>
    %reduce_min3A_608 = arith.constant dense<0x7F800000> : vector<256xf32>
    %reduce_min3A_609 = vector.multi_reduction <minimumf>, %select_n3A_607, %reduce_min3A_608 [1] : vector<256x80xf32> to vector<256xf32>
    %broadcast_in_dim3A_610 = vector.shape_cast %reduce_min3A_609 : vector<256xf32> to vector<256x1xf32>
    %eq3A_611 = vector.broadcast %broadcast_in_dim3A_610 : vector<256x1xf32> to vector<256x80xf32>
    %eq3A_612 = arith.cmpf oeq, %select_n3A_607, %eq3A_611 : vector<256x80xf32>
    %jit3A_613 = arith.constant 0x7F800000 : f32
    %broadcast_in_dim3A_614 = vector.broadcast %jit3A_613 : f32 to vector<256x80xf32>
    %select_n3A_615 = arith.select %eq3A_612, %broadcast_in_dim3A_614, %select_n3A_598 : vector<256x80xi1>, vector<256x80xf32>
    %convert_element_type3A_616 = arith.fptosi %broadcast_in_dim3A_610 : vector<256x1xf32> to vector<256x1xi32>
    %reduce_min3A_617 = arith.constant dense<0x7F800000> : vector<256xf32>
    %reduce_min3A_618 = vector.multi_reduction <minimumf>, %select_n3A_615, %reduce_min3A_617 [1] : vector<256x80xf32> to vector<256xf32>
    %broadcast_in_dim3A_619 = vector.shape_cast %reduce_min3A_618 : vector<256xf32> to vector<256x1xf32>
    %eq3A_620 = vector.broadcast %broadcast_in_dim3A_619 : vector<256x1xf32> to vector<256x80xf32>
    %eq3A_621 = arith.cmpf oeq, %select_n3A_615, %eq3A_620 : vector<256x80xf32>
    %jit3A_622 = arith.constant 1.000000e+09 : f32
    %broadcast_in_dim3A_623 = vector.broadcast %jit3A_622 : f32 to vector<256x80xf32>
    %select_n3A_624 = arith.select %eq3A_621, %convert_element_type3A, %broadcast_in_dim3A_623 : vector<256x80xi1>, vector<256x80xf32>
    %reduce_min3A_625 = arith.constant dense<0x7F800000> : vector<256xf32>
    %reduce_min3A_626 = vector.multi_reduction <minimumf>, %select_n3A_624, %reduce_min3A_625 [1] : vector<256x80xf32> to vector<256xf32>
    %broadcast_in_dim3A_627 = vector.shape_cast %reduce_min3A_626 : vector<256xf32> to vector<256x1xf32>
    %eq3A_628 = vector.broadcast %broadcast_in_dim3A_627 : vector<256x1xf32> to vector<256x80xf32>
    %eq3A_629 = arith.cmpf oeq, %select_n3A_624, %eq3A_628 : vector<256x80xf32>
    %jit3A_630 = arith.constant 0x7F800000 : f32
    %broadcast_in_dim3A_631 = vector.broadcast %jit3A_630 : f32 to vector<256x80xf32>
    %select_n3A_632 = arith.select %eq3A_629, %broadcast_in_dim3A_631, %select_n3A_615 : vector<256x80xi1>, vector<256x80xf32>
    %convert_element_type3A_633 = arith.fptosi %broadcast_in_dim3A_627 : vector<256x1xf32> to vector<256x1xi32>
    %reduce_min3A_634 = arith.constant dense<0x7F800000> : vector<256xf32>
    %reduce_min3A_635 = vector.multi_reduction <minimumf>, %select_n3A_632, %reduce_min3A_634 [1] : vector<256x80xf32> to vector<256xf32>
    %broadcast_in_dim3A_636 = vector.shape_cast %reduce_min3A_635 : vector<256xf32> to vector<256x1xf32>
    %eq3A_637 = vector.broadcast %broadcast_in_dim3A_636 : vector<256x1xf32> to vector<256x80xf32>
    %eq3A_638 = arith.cmpf oeq, %select_n3A_632, %eq3A_637 : vector<256x80xf32>
    %jit3A_639 = arith.constant 1.000000e+09 : f32
    %broadcast_in_dim3A_640 = vector.broadcast %jit3A_639 : f32 to vector<256x80xf32>
    %select_n3A_641 = arith.select %eq3A_638, %convert_element_type3A, %broadcast_in_dim3A_640 : vector<256x80xi1>, vector<256x80xf32>
    %reduce_min3A_642 = arith.constant dense<0x7F800000> : vector<256xf32>
    %reduce_min3A_643 = vector.multi_reduction <minimumf>, %select_n3A_641, %reduce_min3A_642 [1] : vector<256x80xf32> to vector<256xf32>
    %broadcast_in_dim3A_644 = vector.shape_cast %reduce_min3A_643 : vector<256xf32> to vector<256x1xf32>
    %eq3A_645 = vector.broadcast %broadcast_in_dim3A_644 : vector<256x1xf32> to vector<256x80xf32>
    %eq3A_646 = arith.cmpf oeq, %select_n3A_641, %eq3A_645 : vector<256x80xf32>
    %jit3A_647 = arith.constant 0x7F800000 : f32
    %broadcast_in_dim3A_648 = vector.broadcast %jit3A_647 : f32 to vector<256x80xf32>
    %select_n3A_649 = arith.select %eq3A_646, %broadcast_in_dim3A_648, %select_n3A_632 : vector<256x80xi1>, vector<256x80xf32>
    %convert_element_type3A_650 = arith.fptosi %broadcast_in_dim3A_644 : vector<256x1xf32> to vector<256x1xi32>
    %reduce_min3A_651 = arith.constant dense<0x7F800000> : vector<256xf32>
    %reduce_min3A_652 = vector.multi_reduction <minimumf>, %select_n3A_649, %reduce_min3A_651 [1] : vector<256x80xf32> to vector<256xf32>
    %broadcast_in_dim3A_653 = vector.shape_cast %reduce_min3A_652 : vector<256xf32> to vector<256x1xf32>
    %eq3A_654 = vector.broadcast %broadcast_in_dim3A_653 : vector<256x1xf32> to vector<256x80xf32>
    %eq3A_655 = arith.cmpf oeq, %select_n3A_649, %eq3A_654 : vector<256x80xf32>
    %jit3A_656 = arith.constant 1.000000e+09 : f32
    %broadcast_in_dim3A_657 = vector.broadcast %jit3A_656 : f32 to vector<256x80xf32>
    %select_n3A_658 = arith.select %eq3A_655, %convert_element_type3A, %broadcast_in_dim3A_657 : vector<256x80xi1>, vector<256x80xf32>
    %reduce_min3A_659 = arith.constant dense<0x7F800000> : vector<256xf32>
    %reduce_min3A_660 = vector.multi_reduction <minimumf>, %select_n3A_658, %reduce_min3A_659 [1] : vector<256x80xf32> to vector<256xf32>
    %broadcast_in_dim3A_661 = vector.shape_cast %reduce_min3A_660 : vector<256xf32> to vector<256x1xf32>
    %eq3A_662 = vector.broadcast %broadcast_in_dim3A_661 : vector<256x1xf32> to vector<256x80xf32>
    %eq3A_663 = arith.cmpf oeq, %select_n3A_658, %eq3A_662 : vector<256x80xf32>
    %jit3A_664 = arith.constant 0x7F800000 : f32
    %broadcast_in_dim3A_665 = vector.broadcast %jit3A_664 : f32 to vector<256x80xf32>
    %select_n3A_666 = arith.select %eq3A_663, %broadcast_in_dim3A_665, %select_n3A_649 : vector<256x80xi1>, vector<256x80xf32>
    %convert_element_type3A_667 = arith.fptosi %broadcast_in_dim3A_661 : vector<256x1xf32> to vector<256x1xi32>
    %reduce_min3A_668 = arith.constant dense<0x7F800000> : vector<256xf32>
    %reduce_min3A_669 = vector.multi_reduction <minimumf>, %select_n3A_666, %reduce_min3A_668 [1] : vector<256x80xf32> to vector<256xf32>
    %broadcast_in_dim3A_670 = vector.shape_cast %reduce_min3A_669 : vector<256xf32> to vector<256x1xf32>
    %eq3A_671 = vector.broadcast %broadcast_in_dim3A_670 : vector<256x1xf32> to vector<256x80xf32>
    %eq3A_672 = arith.cmpf oeq, %select_n3A_666, %eq3A_671 : vector<256x80xf32>
    %jit3A_673 = arith.constant 1.000000e+09 : f32
    %broadcast_in_dim3A_674 = vector.broadcast %jit3A_673 : f32 to vector<256x80xf32>
    %select_n3A_675 = arith.select %eq3A_672, %convert_element_type3A, %broadcast_in_dim3A_674 : vector<256x80xi1>, vector<256x80xf32>
    %reduce_min3A_676 = arith.constant dense<0x7F800000> : vector<256xf32>
    %reduce_min3A_677 = vector.multi_reduction <minimumf>, %select_n3A_675, %reduce_min3A_676 [1] : vector<256x80xf32> to vector<256xf32>
    %broadcast_in_dim3A_678 = vector.shape_cast %reduce_min3A_677 : vector<256xf32> to vector<256x1xf32>
    %eq3A_679 = vector.broadcast %broadcast_in_dim3A_678 : vector<256x1xf32> to vector<256x80xf32>
    %eq3A_680 = arith.cmpf oeq, %select_n3A_675, %eq3A_679 : vector<256x80xf32>
    %jit3A_681 = arith.constant 0x7F800000 : f32
    %broadcast_in_dim3A_682 = vector.broadcast %jit3A_681 : f32 to vector<256x80xf32>
    %select_n3A_683 = arith.select %eq3A_680, %broadcast_in_dim3A_682, %select_n3A_666 : vector<256x80xi1>, vector<256x80xf32>
    %convert_element_type3A_684 = arith.fptosi %broadcast_in_dim3A_678 : vector<256x1xf32> to vector<256x1xi32>
    %reduce_min3A_685 = arith.constant dense<0x7F800000> : vector<256xf32>
    %reduce_min3A_686 = vector.multi_reduction <minimumf>, %select_n3A_683, %reduce_min3A_685 [1] : vector<256x80xf32> to vector<256xf32>
    %broadcast_in_dim3A_687 = vector.shape_cast %reduce_min3A_686 : vector<256xf32> to vector<256x1xf32>
    %eq3A_688 = vector.broadcast %broadcast_in_dim3A_687 : vector<256x1xf32> to vector<256x80xf32>
    %eq3A_689 = arith.cmpf oeq, %select_n3A_683, %eq3A_688 : vector<256x80xf32>
    %jit3A_690 = arith.constant 1.000000e+09 : f32
    %broadcast_in_dim3A_691 = vector.broadcast %jit3A_690 : f32 to vector<256x80xf32>
    %select_n3A_692 = arith.select %eq3A_689, %convert_element_type3A, %broadcast_in_dim3A_691 : vector<256x80xi1>, vector<256x80xf32>
    %reduce_min3A_693 = arith.constant dense<0x7F800000> : vector<256xf32>
    %reduce_min3A_694 = vector.multi_reduction <minimumf>, %select_n3A_692, %reduce_min3A_693 [1] : vector<256x80xf32> to vector<256xf32>
    %broadcast_in_dim3A_695 = vector.shape_cast %reduce_min3A_694 : vector<256xf32> to vector<256x1xf32>
    %eq3A_696 = vector.broadcast %broadcast_in_dim3A_695 : vector<256x1xf32> to vector<256x80xf32>
    %eq3A_697 = arith.cmpf oeq, %select_n3A_692, %eq3A_696 : vector<256x80xf32>
    %jit3A_698 = arith.constant 0x7F800000 : f32
    %broadcast_in_dim3A_699 = vector.broadcast %jit3A_698 : f32 to vector<256x80xf32>
    %select_n3A_700 = arith.select %eq3A_697, %broadcast_in_dim3A_699, %select_n3A_683 : vector<256x80xi1>, vector<256x80xf32>
    %convert_element_type3A_701 = arith.fptosi %broadcast_in_dim3A_695 : vector<256x1xf32> to vector<256x1xi32>
    %reduce_min3A_702 = arith.constant dense<0x7F800000> : vector<256xf32>
    %reduce_min3A_703 = vector.multi_reduction <minimumf>, %select_n3A_700, %reduce_min3A_702 [1] : vector<256x80xf32> to vector<256xf32>
    %broadcast_in_dim3A_704 = vector.shape_cast %reduce_min3A_703 : vector<256xf32> to vector<256x1xf32>
    %eq3A_705 = vector.broadcast %broadcast_in_dim3A_704 : vector<256x1xf32> to vector<256x80xf32>
    %eq3A_706 = arith.cmpf oeq, %select_n3A_700, %eq3A_705 : vector<256x80xf32>
    %jit3A_707 = arith.constant 1.000000e+09 : f32
    %broadcast_in_dim3A_708 = vector.broadcast %jit3A_707 : f32 to vector<256x80xf32>
    %select_n3A_709 = arith.select %eq3A_706, %convert_element_type3A, %broadcast_in_dim3A_708 : vector<256x80xi1>, vector<256x80xf32>
    %reduce_min3A_710 = arith.constant dense<0x7F800000> : vector<256xf32>
    %reduce_min3A_711 = vector.multi_reduction <minimumf>, %select_n3A_709, %reduce_min3A_710 [1] : vector<256x80xf32> to vector<256xf32>
    %broadcast_in_dim3A_712 = vector.shape_cast %reduce_min3A_711 : vector<256xf32> to vector<256x1xf32>
    %eq3A_713 = vector.broadcast %broadcast_in_dim3A_712 : vector<256x1xf32> to vector<256x80xf32>
    %eq3A_714 = arith.cmpf oeq, %select_n3A_709, %eq3A_713 : vector<256x80xf32>
    %jit3A_715 = arith.constant 0x7F800000 : f32
    %broadcast_in_dim3A_716 = vector.broadcast %jit3A_715 : f32 to vector<256x80xf32>
    %select_n3A_717 = arith.select %eq3A_714, %broadcast_in_dim3A_716, %select_n3A_700 : vector<256x80xi1>, vector<256x80xf32>
    %convert_element_type3A_718 = arith.fptosi %broadcast_in_dim3A_712 : vector<256x1xf32> to vector<256x1xi32>
    %reduce_min3A_719 = arith.constant dense<0x7F800000> : vector<256xf32>
    %reduce_min3A_720 = vector.multi_reduction <minimumf>, %select_n3A_717, %reduce_min3A_719 [1] : vector<256x80xf32> to vector<256xf32>
    %broadcast_in_dim3A_721 = vector.shape_cast %reduce_min3A_720 : vector<256xf32> to vector<256x1xf32>
    %eq3A_722 = vector.broadcast %broadcast_in_dim3A_721 : vector<256x1xf32> to vector<256x80xf32>
    %eq3A_723 = arith.cmpf oeq, %select_n3A_717, %eq3A_722 : vector<256x80xf32>
    %jit3A_724 = arith.constant 1.000000e+09 : f32
    %broadcast_in_dim3A_725 = vector.broadcast %jit3A_724 : f32 to vector<256x80xf32>
    %select_n3A_726 = arith.select %eq3A_723, %convert_element_type3A, %broadcast_in_dim3A_725 : vector<256x80xi1>, vector<256x80xf32>
    %reduce_min3A_727 = arith.constant dense<0x7F800000> : vector<256xf32>
    %reduce_min3A_728 = vector.multi_reduction <minimumf>, %select_n3A_726, %reduce_min3A_727 [1] : vector<256x80xf32> to vector<256xf32>
    %broadcast_in_dim3A_729 = vector.shape_cast %reduce_min3A_728 : vector<256xf32> to vector<256x1xf32>
    %eq3A_730 = vector.broadcast %broadcast_in_dim3A_729 : vector<256x1xf32> to vector<256x80xf32>
    %eq3A_731 = arith.cmpf oeq, %select_n3A_726, %eq3A_730 : vector<256x80xf32>
    %jit3A_732 = arith.constant 0x7F800000 : f32
    %broadcast_in_dim3A_733 = vector.broadcast %jit3A_732 : f32 to vector<256x80xf32>
    %select_n3A_734 = arith.select %eq3A_731, %broadcast_in_dim3A_733, %select_n3A_717 : vector<256x80xi1>, vector<256x80xf32>
    %convert_element_type3A_735 = arith.fptosi %broadcast_in_dim3A_729 : vector<256x1xf32> to vector<256x1xi32>
    %reduce_min3A_736 = arith.constant dense<0x7F800000> : vector<256xf32>
    %reduce_min3A_737 = vector.multi_reduction <minimumf>, %select_n3A_734, %reduce_min3A_736 [1] : vector<256x80xf32> to vector<256xf32>
    %broadcast_in_dim3A_738 = vector.shape_cast %reduce_min3A_737 : vector<256xf32> to vector<256x1xf32>
    %eq3A_739 = vector.broadcast %broadcast_in_dim3A_738 : vector<256x1xf32> to vector<256x80xf32>
    %eq3A_740 = arith.cmpf oeq, %select_n3A_734, %eq3A_739 : vector<256x80xf32>
    %jit3A_741 = arith.constant 1.000000e+09 : f32
    %broadcast_in_dim3A_742 = vector.broadcast %jit3A_741 : f32 to vector<256x80xf32>
    %select_n3A_743 = arith.select %eq3A_740, %convert_element_type3A, %broadcast_in_dim3A_742 : vector<256x80xi1>, vector<256x80xf32>
    %reduce_min3A_744 = arith.constant dense<0x7F800000> : vector<256xf32>
    %reduce_min3A_745 = vector.multi_reduction <minimumf>, %select_n3A_743, %reduce_min3A_744 [1] : vector<256x80xf32> to vector<256xf32>
    %broadcast_in_dim3A_746 = vector.shape_cast %reduce_min3A_745 : vector<256xf32> to vector<256x1xf32>
    %eq3A_747 = vector.broadcast %broadcast_in_dim3A_746 : vector<256x1xf32> to vector<256x80xf32>
    %eq3A_748 = arith.cmpf oeq, %select_n3A_743, %eq3A_747 : vector<256x80xf32>
    %jit3A_749 = arith.constant 0x7F800000 : f32
    %broadcast_in_dim3A_750 = vector.broadcast %jit3A_749 : f32 to vector<256x80xf32>
    %select_n3A_751 = arith.select %eq3A_748, %broadcast_in_dim3A_750, %select_n3A_734 : vector<256x80xi1>, vector<256x80xf32>
    %convert_element_type3A_752 = arith.fptosi %broadcast_in_dim3A_746 : vector<256x1xf32> to vector<256x1xi32>
    %reduce_min3A_753 = arith.constant dense<0x7F800000> : vector<256xf32>
    %reduce_min3A_754 = vector.multi_reduction <minimumf>, %select_n3A_751, %reduce_min3A_753 [1] : vector<256x80xf32> to vector<256xf32>
    %broadcast_in_dim3A_755 = vector.shape_cast %reduce_min3A_754 : vector<256xf32> to vector<256x1xf32>
    %eq3A_756 = vector.broadcast %broadcast_in_dim3A_755 : vector<256x1xf32> to vector<256x80xf32>
    %eq3A_757 = arith.cmpf oeq, %select_n3A_751, %eq3A_756 : vector<256x80xf32>
    %jit3A_758 = arith.constant 1.000000e+09 : f32
    %broadcast_in_dim3A_759 = vector.broadcast %jit3A_758 : f32 to vector<256x80xf32>
    %select_n3A_760 = arith.select %eq3A_757, %convert_element_type3A, %broadcast_in_dim3A_759 : vector<256x80xi1>, vector<256x80xf32>
    %reduce_min3A_761 = arith.constant dense<0x7F800000> : vector<256xf32>
    %reduce_min3A_762 = vector.multi_reduction <minimumf>, %select_n3A_760, %reduce_min3A_761 [1] : vector<256x80xf32> to vector<256xf32>
    %broadcast_in_dim3A_763 = vector.shape_cast %reduce_min3A_762 : vector<256xf32> to vector<256x1xf32>
    %eq3A_764 = vector.broadcast %broadcast_in_dim3A_763 : vector<256x1xf32> to vector<256x80xf32>
    %eq3A_765 = arith.cmpf oeq, %select_n3A_760, %eq3A_764 : vector<256x80xf32>
    %jit3A_766 = arith.constant 0x7F800000 : f32
    %broadcast_in_dim3A_767 = vector.broadcast %jit3A_766 : f32 to vector<256x80xf32>
    %select_n3A_768 = arith.select %eq3A_765, %broadcast_in_dim3A_767, %select_n3A_751 : vector<256x80xi1>, vector<256x80xf32>
    %convert_element_type3A_769 = arith.fptosi %broadcast_in_dim3A_763 : vector<256x1xf32> to vector<256x1xi32>
    %reduce_min3A_770 = arith.constant dense<0x7F800000> : vector<256xf32>
    %reduce_min3A_771 = vector.multi_reduction <minimumf>, %select_n3A_768, %reduce_min3A_770 [1] : vector<256x80xf32> to vector<256xf32>
    %broadcast_in_dim3A_772 = vector.shape_cast %reduce_min3A_771 : vector<256xf32> to vector<256x1xf32>
    %eq3A_773 = vector.broadcast %broadcast_in_dim3A_772 : vector<256x1xf32> to vector<256x80xf32>
    %eq3A_774 = arith.cmpf oeq, %select_n3A_768, %eq3A_773 : vector<256x80xf32>
    %jit3A_775 = arith.constant 1.000000e+09 : f32
    %broadcast_in_dim3A_776 = vector.broadcast %jit3A_775 : f32 to vector<256x80xf32>
    %select_n3A_777 = arith.select %eq3A_774, %convert_element_type3A, %broadcast_in_dim3A_776 : vector<256x80xi1>, vector<256x80xf32>
    %reduce_min3A_778 = arith.constant dense<0x7F800000> : vector<256xf32>
    %reduce_min3A_779 = vector.multi_reduction <minimumf>, %select_n3A_777, %reduce_min3A_778 [1] : vector<256x80xf32> to vector<256xf32>
    %broadcast_in_dim3A_780 = vector.shape_cast %reduce_min3A_779 : vector<256xf32> to vector<256x1xf32>
    %eq3A_781 = vector.broadcast %broadcast_in_dim3A_780 : vector<256x1xf32> to vector<256x80xf32>
    %eq3A_782 = arith.cmpf oeq, %select_n3A_777, %eq3A_781 : vector<256x80xf32>
    %jit3A_783 = arith.constant 0x7F800000 : f32
    %broadcast_in_dim3A_784 = vector.broadcast %jit3A_783 : f32 to vector<256x80xf32>
    %select_n3A_785 = arith.select %eq3A_782, %broadcast_in_dim3A_784, %select_n3A_768 : vector<256x80xi1>, vector<256x80xf32>
    %convert_element_type3A_786 = arith.fptosi %broadcast_in_dim3A_780 : vector<256x1xf32> to vector<256x1xi32>
    %reduce_min3A_787 = arith.constant dense<0x7F800000> : vector<256xf32>
    %reduce_min3A_788 = vector.multi_reduction <minimumf>, %select_n3A_785, %reduce_min3A_787 [1] : vector<256x80xf32> to vector<256xf32>
    %broadcast_in_dim3A_789 = vector.shape_cast %reduce_min3A_788 : vector<256xf32> to vector<256x1xf32>
    %eq3A_790 = vector.broadcast %broadcast_in_dim3A_789 : vector<256x1xf32> to vector<256x80xf32>
    %eq3A_791 = arith.cmpf oeq, %select_n3A_785, %eq3A_790 : vector<256x80xf32>
    %jit3A_792 = arith.constant 1.000000e+09 : f32
    %broadcast_in_dim3A_793 = vector.broadcast %jit3A_792 : f32 to vector<256x80xf32>
    %select_n3A_794 = arith.select %eq3A_791, %convert_element_type3A, %broadcast_in_dim3A_793 : vector<256x80xi1>, vector<256x80xf32>
    %reduce_min3A_795 = arith.constant dense<0x7F800000> : vector<256xf32>
    %reduce_min3A_796 = vector.multi_reduction <minimumf>, %select_n3A_794, %reduce_min3A_795 [1] : vector<256x80xf32> to vector<256xf32>
    %broadcast_in_dim3A_797 = vector.shape_cast %reduce_min3A_796 : vector<256xf32> to vector<256x1xf32>
    %eq3A_798 = vector.broadcast %broadcast_in_dim3A_797 : vector<256x1xf32> to vector<256x80xf32>
    %eq3A_799 = arith.cmpf oeq, %select_n3A_794, %eq3A_798 : vector<256x80xf32>
    %jit3A_800 = arith.constant 0x7F800000 : f32
    %broadcast_in_dim3A_801 = vector.broadcast %jit3A_800 : f32 to vector<256x80xf32>
    %select_n3A_802 = arith.select %eq3A_799, %broadcast_in_dim3A_801, %select_n3A_785 : vector<256x80xi1>, vector<256x80xf32>
    %convert_element_type3A_803 = arith.fptosi %broadcast_in_dim3A_797 : vector<256x1xf32> to vector<256x1xi32>
    %reduce_min3A_804 = arith.constant dense<0x7F800000> : vector<256xf32>
    %reduce_min3A_805 = vector.multi_reduction <minimumf>, %select_n3A_802, %reduce_min3A_804 [1] : vector<256x80xf32> to vector<256xf32>
    %broadcast_in_dim3A_806 = vector.shape_cast %reduce_min3A_805 : vector<256xf32> to vector<256x1xf32>
    %eq3A_807 = vector.broadcast %broadcast_in_dim3A_806 : vector<256x1xf32> to vector<256x80xf32>
    %eq3A_808 = arith.cmpf oeq, %select_n3A_802, %eq3A_807 : vector<256x80xf32>
    %jit3A_809 = arith.constant 1.000000e+09 : f32
    %broadcast_in_dim3A_810 = vector.broadcast %jit3A_809 : f32 to vector<256x80xf32>
    %select_n3A_811 = arith.select %eq3A_808, %convert_element_type3A, %broadcast_in_dim3A_810 : vector<256x80xi1>, vector<256x80xf32>
    %reduce_min3A_812 = arith.constant dense<0x7F800000> : vector<256xf32>
    %reduce_min3A_813 = vector.multi_reduction <minimumf>, %select_n3A_811, %reduce_min3A_812 [1] : vector<256x80xf32> to vector<256xf32>
    %broadcast_in_dim3A_814 = vector.shape_cast %reduce_min3A_813 : vector<256xf32> to vector<256x1xf32>
    %eq3A_815 = vector.broadcast %broadcast_in_dim3A_814 : vector<256x1xf32> to vector<256x80xf32>
    %eq3A_816 = arith.cmpf oeq, %select_n3A_811, %eq3A_815 : vector<256x80xf32>
    %jit3A_817 = arith.constant 0x7F800000 : f32
    %broadcast_in_dim3A_818 = vector.broadcast %jit3A_817 : f32 to vector<256x80xf32>
    %select_n3A_819 = arith.select %eq3A_816, %broadcast_in_dim3A_818, %select_n3A_802 : vector<256x80xi1>, vector<256x80xf32>
    %convert_element_type3A_820 = arith.fptosi %broadcast_in_dim3A_814 : vector<256x1xf32> to vector<256x1xi32>
    %reduce_min3A_821 = arith.constant dense<0x7F800000> : vector<256xf32>
    %reduce_min3A_822 = vector.multi_reduction <minimumf>, %select_n3A_819, %reduce_min3A_821 [1] : vector<256x80xf32> to vector<256xf32>
    %broadcast_in_dim3A_823 = vector.shape_cast %reduce_min3A_822 : vector<256xf32> to vector<256x1xf32>
    %eq3A_824 = vector.broadcast %broadcast_in_dim3A_823 : vector<256x1xf32> to vector<256x80xf32>
    %eq3A_825 = arith.cmpf oeq, %select_n3A_819, %eq3A_824 : vector<256x80xf32>
    %jit3A_826 = arith.constant 1.000000e+09 : f32
    %broadcast_in_dim3A_827 = vector.broadcast %jit3A_826 : f32 to vector<256x80xf32>
    %select_n3A_828 = arith.select %eq3A_825, %convert_element_type3A, %broadcast_in_dim3A_827 : vector<256x80xi1>, vector<256x80xf32>
    %reduce_min3A_829 = arith.constant dense<0x7F800000> : vector<256xf32>
    %reduce_min3A_830 = vector.multi_reduction <minimumf>, %select_n3A_828, %reduce_min3A_829 [1] : vector<256x80xf32> to vector<256xf32>
    %broadcast_in_dim3A_831 = vector.shape_cast %reduce_min3A_830 : vector<256xf32> to vector<256x1xf32>
    %convert_element_type3A_832 = arith.fptosi %broadcast_in_dim3A_831 : vector<256x1xf32> to vector<256x1xi32>
    %concatenate3A_833 = tpu.concatenate %convert_element_type3A_582, %convert_element_type3A_599, %convert_element_type3A_616, %convert_element_type3A_633, %convert_element_type3A_650, %convert_element_type3A_667, %convert_element_type3A_684, %convert_element_type3A_701, %convert_element_type3A_718, %convert_element_type3A_735, %convert_element_type3A_752, %convert_element_type3A_769, %convert_element_type3A_786, %convert_element_type3A_803, %convert_element_type3A_820, %convert_element_type3A_832 in 1 : vector<256x1xi32>, vector<256x1xi32>, vector<256x1xi32>, vector<256x1xi32>, vector<256x1xi32>, vector<256x1xi32>, vector<256x1xi32>, vector<256x1xi32>, vector<256x1xi32>, vector<256x1xi32>, vector<256x1xi32>, vector<256x1xi32>, vector<256x1xi32>, vector<256x1xi32>, vector<256x1xi32>, vector<256x1xi32> -> vector<256x16xi32>
    %swap3A_834 = arith.constant 0 : index
    %swap3A_835 = arith.constant 0 : index
    %swap3A_836 = vector.load %arg5[%swap3A_834, %swap3A_835] : memref<256x16xi32, #tpu.memory_space<vmem>>, vector<256x16xi32>
    tpu.vector_store %arg5[%swap3A_834, %swap3A_835], %concatenate3A_833 {strides = array<i32>} : memref<256x16xi32, #tpu.memory_space<vmem>>, vector<256x16xi32>,
    %mul3A_837 = arith.constant 20480 : i32
    %mul3A_838 = arith.muli %arg0, %mul3A_837 : i32
    %mul3A_839 = arith.constant 256 : i32
    %mul3A_840 = vector.broadcast %mul3A_839 : i32 to vector<256x16xi32>
    %mul3A_841 = arith.muli %concatenate3A_833, %mul3A_840 : vector<256x16xi32>
    %add3A = vector.broadcast %mul3A_838 : i32 to vector<256x16xi32>
    %add3A_842 = arith.addi %add3A, %mul3A_841 : vector<256x16xi32>
    %add3A_843 = vector.broadcast %iota3A_568 : vector<256x1xi32> to vector<256x16xi32>
    %add3A_844 = arith.addi %add3A_842, %add3A_843 : vector<256x16xi32>
    %swap3A_845 = arith.constant 0 : index
    %swap3A_846 = arith.constant 0 : index
    %swap3A_847 = vector.load %arg4[%swap3A_845, %swap3A_846] : memref<256x16xi32, #tpu.memory_space<vmem>>, vector<256x16xi32>
    tpu.vector_store %arg4[%swap3A_845, %swap3A_846], %add3A_844 {strides = array<i32>} : memref<256x16xi32, #tpu.memory_space<vmem>>, vector<256x16xi32>,
    return
  }
  func.func @transform_0(%arg0: i32) -> (i32, i32) {
    %c0_i32 = arith.constant 0 : i32
    %c0_i32_0 = arith.constant 0 : i32
    return %arg0, %c0_i32 : i32, i32
  }
  func.func @transform_1(%arg0: i32) -> (i32, i32) {
    %c0_i32 = arith.constant 0 : i32
    %c0_i32_0 = arith.constant 0 : i32
    %c0_i32_1 = arith.constant 0 : i32
    return %c0_i32, %c0_i32_0 : i32, i32
  }
  func.func @transform_2(%arg0: i32) -> (i32, i32) {
    %c0_i32 = arith.constant 0 : i32
    %c0_i32_0 = arith.constant 0 : i32
    return %arg0, %c0_i32 : i32, i32
  }
  func.func @transform_3(%arg0: i32) -> (i32, i32) {
    %c0_i32 = arith.constant 0 : i32
    %c0_i32_0 = arith.constant 0 : i32
    return %arg0, %c0_i32 : i32, i32
  }
  func.func @transform_4(%arg0: i32) -> (i32, i32) {
    %c0_i32 = arith.constant 0 : i32
    %c0_i32_0 = arith.constant 0 : i32
    return %arg0, %c0_i32 : i32, i32
  }
}

module attributes {stable_mosaic.version = 14 : i64} {
  func.func @_ab_body(%arg0: memref<10000x6xf32, #tpu.memory_space<vmem>>, %arg1: memref<10000x3xf32, #tpu.memory_space<vmem>>, %arg2: memref<6x64xf32, #tpu.memory_space<vmem>>, %arg3: memref<3x64xf32, #tpu.memory_space<vmem>>, %arg4: memref<10000x64xf32, #tpu.memory_space<vmem>>, %arg5: memref<10000x64xf32, #tpu.memory_space<vmem>>) attributes {dimension_semantics = [], scalar_prefetch = 0 : i64, scratch_operands = 0 : i64, tpu.core_type = #tpu.core_type<tc>} {
    %get3A = arith.constant 0 : index
    %get3A_0 = arith.constant 0 : index
    %get3A_1 = vector.load %arg1[%get3A, %get3A_0] : memref<10000x3xf32, #tpu.memory_space<vmem>>, vector<10000x3xf32>
    %get3A_2 = arith.constant 0 : index
    %get3A_3 = arith.constant 0 : index
    %get3A_4 = vector.load %arg3[%get3A_2, %get3A_3] : memref<3x64xf32, #tpu.memory_space<vmem>>, vector<3x64xf32>
    %dot_general3A = arith.constant dense<0.000000e+00> : vector<10000x64xf32>
    %dot_general3A_5 = tpu.matmul %get3A_1, %get3A_4, %dot_general3A {dimension_numbers = #tpu.dot_dimension_numbers<[1], [0], [0], [1], [0, 0, 1, 1], [], []>, transpose_lhs_hint = false} : vector<10000x3xf32>, vector<3x64xf32>, vector<10000x64xf32> -> vector<10000x64xf32>
    %get3A_6 = arith.constant 0 : index
    %get3A_7 = arith.constant 0 : index
    %get3A_8 = vector.load %arg0[%get3A_6, %get3A_7] : memref<10000x6xf32, #tpu.memory_space<vmem>>, vector<10000x6xf32>
    %get3A_9 = arith.constant 0 : index
    %get3A_10 = arith.constant 0 : index
    %get3A_11 = vector.load %arg2[%get3A_9, %get3A_10] : memref<6x64xf32, #tpu.memory_space<vmem>>, vector<6x64xf32>
    %dot_general3A_12 = arith.constant dense<0.000000e+00> : vector<10000x64xf32>
    %dot_general3A_13 = tpu.matmul %get3A_8, %get3A_11, %dot_general3A_12 {dimension_numbers = #tpu.dot_dimension_numbers<[1], [0], [0], [1], [0, 0, 1, 1], [], []>, transpose_lhs_hint = false} : vector<10000x6xf32>, vector<6x64xf32>, vector<10000x64xf32> -> vector<10000x64xf32>
    %add3A = arith.addf %dot_general3A_13, %dot_general3A_5 : vector<10000x64xf32>
    %swap3A = arith.constant 0 : index
    %swap3A_14 = arith.constant 0 : index
    %swap3A_15 = vector.load %arg4[%swap3A, %swap3A_14] : memref<10000x64xf32, #tpu.memory_space<vmem>>, vector<10000x64xf32>
    tpu.vector_store %arg4[%swap3A, %swap3A_14], %add3A {strides = array<i32>} : memref<10000x64xf32, #tpu.memory_space<vmem>>, vector<10000x64xf32>,
    %swap3A_16 = arith.constant 0 : index
    %swap3A_17 = arith.constant 0 : index
    %swap3A_18 = vector.load %arg5[%swap3A_16, %swap3A_17] : memref<10000x64xf32, #tpu.memory_space<vmem>>, vector<10000x64xf32>
    tpu.vector_store %arg5[%swap3A_16, %swap3A_17], %dot_general3A_5 {strides = array<i32>} : memref<10000x64xf32, #tpu.memory_space<vmem>>, vector<10000x64xf32>,
    return
  }
}

module attributes {stable_mosaic.version = 14 : i64} {
  func.func @_knn_b_body(%arg0: i32, %arg1: memref<400x2048xf32, #tpu.memory_space<vmem>>, %arg2: memref<400x16xi32, #tpu.memory_space<vmem>>, %arg3: memref<400x16xi32, #tpu.memory_space<vmem>>) attributes {dimension_semantics = [#tpu.dimension_semantics<arbitrary>], iteration_bounds = array<i64: 25>, scalar_prefetch = 0 : i64, scratch_operands = 0 : i64, tpu.core_type = #tpu.core_type<tc>, window_params = [{transform_indices = @transform_0, window_bounds = array<i64: 400, 2048>}, {transform_indices = @transform_1, window_bounds = array<i64: 400, 16>}, {transform_indices = @transform_2, window_bounds = array<i64: 400, 16>}]} {
    %get3A = arith.constant 0 : index
    %get3A_0 = arith.constant 0 : index
    %get3A_1 = vector.load %arg1[%get3A, %get3A_0] : memref<400x2048xf32, #tpu.memory_space<vmem>>, vector<400x2048xf32>
    %get3A_2 = arith.constant 0 : index
    %get3A_3 = arith.constant 0 : index
    %get3A_4 = vector.load %arg2[%get3A_2, %get3A_3] : memref<400x16xi32, #tpu.memory_space<vmem>>, vector<400x16xi32>
    %convert_element_type3A = arith.sitofp %get3A_4 : vector<400x16xi32> to vector<400x16xf32>
    %iota3A = tpu.iota {dimensions = array<i32: 1>} : vector<400x2048xi32>
    %convert_element_type3A_5 = arith.sitofp %iota3A : vector<400x2048xi32> to vector<400x2048xf32>
    %iota3A_6 = tpu.iota {dimensions = array<i32: 1>} : vector<400x16xi32>
    %convert_element_type3A_7 = arith.sitofp %iota3A_6 : vector<400x16xi32> to vector<400x16xf32>
    %reduce_min3A = arith.constant dense<0x7F800000> : vector<400xf32>
    %reduce_min3A_8 = vector.multi_reduction <minimumf>, %get3A_1, %reduce_min3A [1] : vector<400x2048xf32> to vector<400xf32>
    %broadcast_in_dim3A = vector.shape_cast %reduce_min3A_8 : vector<400xf32> to vector<400x1xf32>
    %eq3A = vector.broadcast %broadcast_in_dim3A : vector<400x1xf32> to vector<400x2048xf32>
    %eq3A_9 = arith.cmpf oeq, %get3A_1, %eq3A : vector<400x2048xf32>
    %jit3A = arith.constant 1.000000e+09 : f32
    %broadcast_in_dim3A_10 = vector.broadcast %jit3A : f32 to vector<400x2048xf32>
    %select_n3A = arith.select %eq3A_9, %convert_element_type3A_5, %broadcast_in_dim3A_10 : vector<400x2048xi1>, vector<400x2048xf32>
    %reduce_min3A_11 = arith.constant dense<0x7F800000> : vector<400xf32>
    %reduce_min3A_12 = vector.multi_reduction <minimumf>, %select_n3A, %reduce_min3A_11 [1] : vector<400x2048xf32> to vector<400xf32>
    %broadcast_in_dim3A_13 = vector.shape_cast %reduce_min3A_12 : vector<400xf32> to vector<400x1xf32>
    %eq3A_14 = vector.broadcast %broadcast_in_dim3A_13 : vector<400x1xf32> to vector<400x2048xf32>
    %eq3A_15 = arith.cmpf oeq, %select_n3A, %eq3A_14 : vector<400x2048xf32>
    %jit3A_16 = arith.constant 0x7F800000 : f32
    %broadcast_in_dim3A_17 = vector.broadcast %jit3A_16 : f32 to vector<400x2048xf32>
    %select_n3A_18 = arith.select %eq3A_15, %broadcast_in_dim3A_17, %get3A_1 : vector<400x2048xi1>, vector<400x2048xf32>
    %mul3A = arith.constant 7.812500e-03 : f32
    %mul3A_19 = vector.broadcast %mul3A : f32 to vector<400x1xf32>
    %mul3A_20 = arith.mulf %broadcast_in_dim3A_13, %mul3A_19 : vector<400x1xf32>
    %floor3A = math.floor %mul3A_20 : vector<400x1xf32>
    %mul3A_21 = arith.constant 1.280000e+02 : f32
    %mul3A_22 = vector.broadcast %mul3A_21 : f32 to vector<400x1xf32>
    %mul3A_23 = arith.mulf %floor3A, %mul3A_22 : vector<400x1xf32>
    %sub3A = arith.subf %broadcast_in_dim3A_13, %mul3A_23 : vector<400x1xf32>
    %eq3A_24 = vector.broadcast %floor3A : vector<400x1xf32> to vector<400x16xf32>
    %eq3A_25 = arith.cmpf oeq, %convert_element_type3A_7, %eq3A_24 : vector<400x16xf32>
    %jit3A_26 = arith.constant 0.000000e+00 : f32
    %broadcast_in_dim3A_27 = vector.broadcast %jit3A_26 : f32 to vector<400x16xf32>
    %select_n3A_28 = arith.select %eq3A_25, %convert_element_type3A, %broadcast_in_dim3A_27 : vector<400x16xi1>, vector<400x16xf32>
    %reduce_sum3A = arith.constant dense<0.000000e+00> : vector<400xf32>
    %reduce_sum3A_29 = vector.multi_reduction <add>, %select_n3A_28, %reduce_sum3A [1] : vector<400x16xf32> to vector<400xf32>
    %broadcast_in_dim3A_30 = vector.shape_cast %reduce_sum3A_29 : vector<400xf32> to vector<400x1xf32>
    %mul3A_31 = arith.constant 1.280000e+02 : f32
    %mul3A_32 = vector.broadcast %mul3A_31 : f32 to vector<400x1xf32>
    %mul3A_33 = arith.mulf %broadcast_in_dim3A_30, %mul3A_32 : vector<400x1xf32>
    %add3A = arith.addf %mul3A_33, %sub3A : vector<400x1xf32>
    %convert_element_type3A_34 = arith.fptosi %add3A : vector<400x1xf32> to vector<400x1xi32>
    %reduce_min3A_35 = arith.constant dense<0x7F800000> : vector<400xf32>
    %reduce_min3A_36 = vector.multi_reduction <minimumf>, %select_n3A_18, %reduce_min3A_35 [1] : vector<400x2048xf32> to vector<400xf32>
    %broadcast_in_dim3A_37 = vector.shape_cast %reduce_min3A_36 : vector<400xf32> to vector<400x1xf32>
    %eq3A_38 = vector.broadcast %broadcast_in_dim3A_37 : vector<400x1xf32> to vector<400x2048xf32>
    %eq3A_39 = arith.cmpf oeq, %select_n3A_18, %eq3A_38 : vector<400x2048xf32>
    %jit3A_40 = arith.constant 1.000000e+09 : f32
    %broadcast_in_dim3A_41 = vector.broadcast %jit3A_40 : f32 to vector<400x2048xf32>
    %select_n3A_42 = arith.select %eq3A_39, %convert_element_type3A_5, %broadcast_in_dim3A_41 : vector<400x2048xi1>, vector<400x2048xf32>
    %reduce_min3A_43 = arith.constant dense<0x7F800000> : vector<400xf32>
    %reduce_min3A_44 = vector.multi_reduction <minimumf>, %select_n3A_42, %reduce_min3A_43 [1] : vector<400x2048xf32> to vector<400xf32>
    %broadcast_in_dim3A_45 = vector.shape_cast %reduce_min3A_44 : vector<400xf32> to vector<400x1xf32>
    %eq3A_46 = vector.broadcast %broadcast_in_dim3A_45 : vector<400x1xf32> to vector<400x2048xf32>
    %eq3A_47 = arith.cmpf oeq, %select_n3A_42, %eq3A_46 : vector<400x2048xf32>
    %jit3A_48 = arith.constant 0x7F800000 : f32
    %broadcast_in_dim3A_49 = vector.broadcast %jit3A_48 : f32 to vector<400x2048xf32>
    %select_n3A_50 = arith.select %eq3A_47, %broadcast_in_dim3A_49, %select_n3A_18 : vector<400x2048xi1>, vector<400x2048xf32>
    %mul3A_51 = arith.constant 7.812500e-03 : f32
    %mul3A_52 = vector.broadcast %mul3A_51 : f32 to vector<400x1xf32>
    %mul3A_53 = arith.mulf %broadcast_in_dim3A_45, %mul3A_52 : vector<400x1xf32>
    %floor3A_54 = math.floor %mul3A_53 : vector<400x1xf32>
    %mul3A_55 = arith.constant 1.280000e+02 : f32
    %mul3A_56 = vector.broadcast %mul3A_55 : f32 to vector<400x1xf32>
    %mul3A_57 = arith.mulf %floor3A_54, %mul3A_56 : vector<400x1xf32>
    %sub3A_58 = arith.subf %broadcast_in_dim3A_45, %mul3A_57 : vector<400x1xf32>
    %eq3A_59 = vector.broadcast %floor3A_54 : vector<400x1xf32> to vector<400x16xf32>
    %eq3A_60 = arith.cmpf oeq, %convert_element_type3A_7, %eq3A_59 : vector<400x16xf32>
    %jit3A_61 = arith.constant 0.000000e+00 : f32
    %broadcast_in_dim3A_62 = vector.broadcast %jit3A_61 : f32 to vector<400x16xf32>
    %select_n3A_63 = arith.select %eq3A_60, %convert_element_type3A, %broadcast_in_dim3A_62 : vector<400x16xi1>, vector<400x16xf32>
    %reduce_sum3A_64 = arith.constant dense<0.000000e+00> : vector<400xf32>
    %reduce_sum3A_65 = vector.multi_reduction <add>, %select_n3A_63, %reduce_sum3A_64 [1] : vector<400x16xf32> to vector<400xf32>
    %broadcast_in_dim3A_66 = vector.shape_cast %reduce_sum3A_65 : vector<400xf32> to vector<400x1xf32>
    %mul3A_67 = arith.constant 1.280000e+02 : f32
    %mul3A_68 = vector.broadcast %mul3A_67 : f32 to vector<400x1xf32>
    %mul3A_69 = arith.mulf %broadcast_in_dim3A_66, %mul3A_68 : vector<400x1xf32>
    %add3A_70 = arith.addf %mul3A_69, %sub3A_58 : vector<400x1xf32>
    %convert_element_type3A_71 = arith.fptosi %add3A_70 : vector<400x1xf32> to vector<400x1xi32>
    %reduce_min3A_72 = arith.constant dense<0x7F800000> : vector<400xf32>
    %reduce_min3A_73 = vector.multi_reduction <minimumf>, %select_n3A_50, %reduce_min3A_72 [1] : vector<400x2048xf32> to vector<400xf32>
    %broadcast_in_dim3A_74 = vector.shape_cast %reduce_min3A_73 : vector<400xf32> to vector<400x1xf32>
    %eq3A_75 = vector.broadcast %broadcast_in_dim3A_74 : vector<400x1xf32> to vector<400x2048xf32>
    %eq3A_76 = arith.cmpf oeq, %select_n3A_50, %eq3A_75 : vector<400x2048xf32>
    %jit3A_77 = arith.constant 1.000000e+09 : f32
    %broadcast_in_dim3A_78 = vector.broadcast %jit3A_77 : f32 to vector<400x2048xf32>
    %select_n3A_79 = arith.select %eq3A_76, %convert_element_type3A_5, %broadcast_in_dim3A_78 : vector<400x2048xi1>, vector<400x2048xf32>
    %reduce_min3A_80 = arith.constant dense<0x7F800000> : vector<400xf32>
    %reduce_min3A_81 = vector.multi_reduction <minimumf>, %select_n3A_79, %reduce_min3A_80 [1] : vector<400x2048xf32> to vector<400xf32>
    %broadcast_in_dim3A_82 = vector.shape_cast %reduce_min3A_81 : vector<400xf32> to vector<400x1xf32>
    %eq3A_83 = vector.broadcast %broadcast_in_dim3A_82 : vector<400x1xf32> to vector<400x2048xf32>
    %eq3A_84 = arith.cmpf oeq, %select_n3A_79, %eq3A_83 : vector<400x2048xf32>
    %jit3A_85 = arith.constant 0x7F800000 : f32
    %broadcast_in_dim3A_86 = vector.broadcast %jit3A_85 : f32 to vector<400x2048xf32>
    %select_n3A_87 = arith.select %eq3A_84, %broadcast_in_dim3A_86, %select_n3A_50 : vector<400x2048xi1>, vector<400x2048xf32>
    %mul3A_88 = arith.constant 7.812500e-03 : f32
    %mul3A_89 = vector.broadcast %mul3A_88 : f32 to vector<400x1xf32>
    %mul3A_90 = arith.mulf %broadcast_in_dim3A_82, %mul3A_89 : vector<400x1xf32>
    %floor3A_91 = math.floor %mul3A_90 : vector<400x1xf32>
    %mul3A_92 = arith.constant 1.280000e+02 : f32
    %mul3A_93 = vector.broadcast %mul3A_92 : f32 to vector<400x1xf32>
    %mul3A_94 = arith.mulf %floor3A_91, %mul3A_93 : vector<400x1xf32>
    %sub3A_95 = arith.subf %broadcast_in_dim3A_82, %mul3A_94 : vector<400x1xf32>
    %eq3A_96 = vector.broadcast %floor3A_91 : vector<400x1xf32> to vector<400x16xf32>
    %eq3A_97 = arith.cmpf oeq, %convert_element_type3A_7, %eq3A_96 : vector<400x16xf32>
    %jit3A_98 = arith.constant 0.000000e+00 : f32
    %broadcast_in_dim3A_99 = vector.broadcast %jit3A_98 : f32 to vector<400x16xf32>
    %select_n3A_100 = arith.select %eq3A_97, %convert_element_type3A, %broadcast_in_dim3A_99 : vector<400x16xi1>, vector<400x16xf32>
    %reduce_sum3A_101 = arith.constant dense<0.000000e+00> : vector<400xf32>
    %reduce_sum3A_102 = vector.multi_reduction <add>, %select_n3A_100, %reduce_sum3A_101 [1] : vector<400x16xf32> to vector<400xf32>
    %broadcast_in_dim3A_103 = vector.shape_cast %reduce_sum3A_102 : vector<400xf32> to vector<400x1xf32>
    %mul3A_104 = arith.constant 1.280000e+02 : f32
    %mul3A_105 = vector.broadcast %mul3A_104 : f32 to vector<400x1xf32>
    %mul3A_106 = arith.mulf %broadcast_in_dim3A_103, %mul3A_105 : vector<400x1xf32>
    %add3A_107 = arith.addf %mul3A_106, %sub3A_95 : vector<400x1xf32>
    %convert_element_type3A_108 = arith.fptosi %add3A_107 : vector<400x1xf32> to vector<400x1xi32>
    %reduce_min3A_109 = arith.constant dense<0x7F800000> : vector<400xf32>
    %reduce_min3A_110 = vector.multi_reduction <minimumf>, %select_n3A_87, %reduce_min3A_109 [1] : vector<400x2048xf32> to vector<400xf32>
    %broadcast_in_dim3A_111 = vector.shape_cast %reduce_min3A_110 : vector<400xf32> to vector<400x1xf32>
    %eq3A_112 = vector.broadcast %broadcast_in_dim3A_111 : vector<400x1xf32> to vector<400x2048xf32>
    %eq3A_113 = arith.cmpf oeq, %select_n3A_87, %eq3A_112 : vector<400x2048xf32>
    %jit3A_114 = arith.constant 1.000000e+09 : f32
    %broadcast_in_dim3A_115 = vector.broadcast %jit3A_114 : f32 to vector<400x2048xf32>
    %select_n3A_116 = arith.select %eq3A_113, %convert_element_type3A_5, %broadcast_in_dim3A_115 : vector<400x2048xi1>, vector<400x2048xf32>
    %reduce_min3A_117 = arith.constant dense<0x7F800000> : vector<400xf32>
    %reduce_min3A_118 = vector.multi_reduction <minimumf>, %select_n3A_116, %reduce_min3A_117 [1] : vector<400x2048xf32> to vector<400xf32>
    %broadcast_in_dim3A_119 = vector.shape_cast %reduce_min3A_118 : vector<400xf32> to vector<400x1xf32>
    %eq3A_120 = vector.broadcast %broadcast_in_dim3A_119 : vector<400x1xf32> to vector<400x2048xf32>
    %eq3A_121 = arith.cmpf oeq, %select_n3A_116, %eq3A_120 : vector<400x2048xf32>
    %jit3A_122 = arith.constant 0x7F800000 : f32
    %broadcast_in_dim3A_123 = vector.broadcast %jit3A_122 : f32 to vector<400x2048xf32>
    %select_n3A_124 = arith.select %eq3A_121, %broadcast_in_dim3A_123, %select_n3A_87 : vector<400x2048xi1>, vector<400x2048xf32>
    %mul3A_125 = arith.constant 7.812500e-03 : f32
    %mul3A_126 = vector.broadcast %mul3A_125 : f32 to vector<400x1xf32>
    %mul3A_127 = arith.mulf %broadcast_in_dim3A_119, %mul3A_126 : vector<400x1xf32>
    %floor3A_128 = math.floor %mul3A_127 : vector<400x1xf32>
    %mul3A_129 = arith.constant 1.280000e+02 : f32
    %mul3A_130 = vector.broadcast %mul3A_129 : f32 to vector<400x1xf32>
    %mul3A_131 = arith.mulf %floor3A_128, %mul3A_130 : vector<400x1xf32>
    %sub3A_132 = arith.subf %broadcast_in_dim3A_119, %mul3A_131 : vector<400x1xf32>
    %eq3A_133 = vector.broadcast %floor3A_128 : vector<400x1xf32> to vector<400x16xf32>
    %eq3A_134 = arith.cmpf oeq, %convert_element_type3A_7, %eq3A_133 : vector<400x16xf32>
    %jit3A_135 = arith.constant 0.000000e+00 : f32
    %broadcast_in_dim3A_136 = vector.broadcast %jit3A_135 : f32 to vector<400x16xf32>
    %select_n3A_137 = arith.select %eq3A_134, %convert_element_type3A, %broadcast_in_dim3A_136 : vector<400x16xi1>, vector<400x16xf32>
    %reduce_sum3A_138 = arith.constant dense<0.000000e+00> : vector<400xf32>
    %reduce_sum3A_139 = vector.multi_reduction <add>, %select_n3A_137, %reduce_sum3A_138 [1] : vector<400x16xf32> to vector<400xf32>
    %broadcast_in_dim3A_140 = vector.shape_cast %reduce_sum3A_139 : vector<400xf32> to vector<400x1xf32>
    %mul3A_141 = arith.constant 1.280000e+02 : f32
    %mul3A_142 = vector.broadcast %mul3A_141 : f32 to vector<400x1xf32>
    %mul3A_143 = arith.mulf %broadcast_in_dim3A_140, %mul3A_142 : vector<400x1xf32>
    %add3A_144 = arith.addf %mul3A_143, %sub3A_132 : vector<400x1xf32>
    %convert_element_type3A_145 = arith.fptosi %add3A_144 : vector<400x1xf32> to vector<400x1xi32>
    %reduce_min3A_146 = arith.constant dense<0x7F800000> : vector<400xf32>
    %reduce_min3A_147 = vector.multi_reduction <minimumf>, %select_n3A_124, %reduce_min3A_146 [1] : vector<400x2048xf32> to vector<400xf32>
    %broadcast_in_dim3A_148 = vector.shape_cast %reduce_min3A_147 : vector<400xf32> to vector<400x1xf32>
    %eq3A_149 = vector.broadcast %broadcast_in_dim3A_148 : vector<400x1xf32> to vector<400x2048xf32>
    %eq3A_150 = arith.cmpf oeq, %select_n3A_124, %eq3A_149 : vector<400x2048xf32>
    %jit3A_151 = arith.constant 1.000000e+09 : f32
    %broadcast_in_dim3A_152 = vector.broadcast %jit3A_151 : f32 to vector<400x2048xf32>
    %select_n3A_153 = arith.select %eq3A_150, %convert_element_type3A_5, %broadcast_in_dim3A_152 : vector<400x2048xi1>, vector<400x2048xf32>
    %reduce_min3A_154 = arith.constant dense<0x7F800000> : vector<400xf32>
    %reduce_min3A_155 = vector.multi_reduction <minimumf>, %select_n3A_153, %reduce_min3A_154 [1] : vector<400x2048xf32> to vector<400xf32>
    %broadcast_in_dim3A_156 = vector.shape_cast %reduce_min3A_155 : vector<400xf32> to vector<400x1xf32>
    %eq3A_157 = vector.broadcast %broadcast_in_dim3A_156 : vector<400x1xf32> to vector<400x2048xf32>
    %eq3A_158 = arith.cmpf oeq, %select_n3A_153, %eq3A_157 : vector<400x2048xf32>
    %jit3A_159 = arith.constant 0x7F800000 : f32
    %broadcast_in_dim3A_160 = vector.broadcast %jit3A_159 : f32 to vector<400x2048xf32>
    %select_n3A_161 = arith.select %eq3A_158, %broadcast_in_dim3A_160, %select_n3A_124 : vector<400x2048xi1>, vector<400x2048xf32>
    %mul3A_162 = arith.constant 7.812500e-03 : f32
    %mul3A_163 = vector.broadcast %mul3A_162 : f32 to vector<400x1xf32>
    %mul3A_164 = arith.mulf %broadcast_in_dim3A_156, %mul3A_163 : vector<400x1xf32>
    %floor3A_165 = math.floor %mul3A_164 : vector<400x1xf32>
    %mul3A_166 = arith.constant 1.280000e+02 : f32
    %mul3A_167 = vector.broadcast %mul3A_166 : f32 to vector<400x1xf32>
    %mul3A_168 = arith.mulf %floor3A_165, %mul3A_167 : vector<400x1xf32>
    %sub3A_169 = arith.subf %broadcast_in_dim3A_156, %mul3A_168 : vector<400x1xf32>
    %eq3A_170 = vector.broadcast %floor3A_165 : vector<400x1xf32> to vector<400x16xf32>
    %eq3A_171 = arith.cmpf oeq, %convert_element_type3A_7, %eq3A_170 : vector<400x16xf32>
    %jit3A_172 = arith.constant 0.000000e+00 : f32
    %broadcast_in_dim3A_173 = vector.broadcast %jit3A_172 : f32 to vector<400x16xf32>
    %select_n3A_174 = arith.select %eq3A_171, %convert_element_type3A, %broadcast_in_dim3A_173 : vector<400x16xi1>, vector<400x16xf32>
    %reduce_sum3A_175 = arith.constant dense<0.000000e+00> : vector<400xf32>
    %reduce_sum3A_176 = vector.multi_reduction <add>, %select_n3A_174, %reduce_sum3A_175 [1] : vector<400x16xf32> to vector<400xf32>
    %broadcast_in_dim3A_177 = vector.shape_cast %reduce_sum3A_176 : vector<400xf32> to vector<400x1xf32>
    %mul3A_178 = arith.constant 1.280000e+02 : f32
    %mul3A_179 = vector.broadcast %mul3A_178 : f32 to vector<400x1xf32>
    %mul3A_180 = arith.mulf %broadcast_in_dim3A_177, %mul3A_179 : vector<400x1xf32>
    %add3A_181 = arith.addf %mul3A_180, %sub3A_169 : vector<400x1xf32>
    %convert_element_type3A_182 = arith.fptosi %add3A_181 : vector<400x1xf32> to vector<400x1xi32>
    %reduce_min3A_183 = arith.constant dense<0x7F800000> : vector<400xf32>
    %reduce_min3A_184 = vector.multi_reduction <minimumf>, %select_n3A_161, %reduce_min3A_183 [1] : vector<400x2048xf32> to vector<400xf32>
    %broadcast_in_dim3A_185 = vector.shape_cast %reduce_min3A_184 : vector<400xf32> to vector<400x1xf32>
    %eq3A_186 = vector.broadcast %broadcast_in_dim3A_185 : vector<400x1xf32> to vector<400x2048xf32>
    %eq3A_187 = arith.cmpf oeq, %select_n3A_161, %eq3A_186 : vector<400x2048xf32>
    %jit3A_188 = arith.constant 1.000000e+09 : f32
    %broadcast_in_dim3A_189 = vector.broadcast %jit3A_188 : f32 to vector<400x2048xf32>
    %select_n3A_190 = arith.select %eq3A_187, %convert_element_type3A_5, %broadcast_in_dim3A_189 : vector<400x2048xi1>, vector<400x2048xf32>
    %reduce_min3A_191 = arith.constant dense<0x7F800000> : vector<400xf32>
    %reduce_min3A_192 = vector.multi_reduction <minimumf>, %select_n3A_190, %reduce_min3A_191 [1] : vector<400x2048xf32> to vector<400xf32>
    %broadcast_in_dim3A_193 = vector.shape_cast %reduce_min3A_192 : vector<400xf32> to vector<400x1xf32>
    %eq3A_194 = vector.broadcast %broadcast_in_dim3A_193 : vector<400x1xf32> to vector<400x2048xf32>
    %eq3A_195 = arith.cmpf oeq, %select_n3A_190, %eq3A_194 : vector<400x2048xf32>
    %jit3A_196 = arith.constant 0x7F800000 : f32
    %broadcast_in_dim3A_197 = vector.broadcast %jit3A_196 : f32 to vector<400x2048xf32>
    %select_n3A_198 = arith.select %eq3A_195, %broadcast_in_dim3A_197, %select_n3A_161 : vector<400x2048xi1>, vector<400x2048xf32>
    %mul3A_199 = arith.constant 7.812500e-03 : f32
    %mul3A_200 = vector.broadcast %mul3A_199 : f32 to vector<400x1xf32>
    %mul3A_201 = arith.mulf %broadcast_in_dim3A_193, %mul3A_200 : vector<400x1xf32>
    %floor3A_202 = math.floor %mul3A_201 : vector<400x1xf32>
    %mul3A_203 = arith.constant 1.280000e+02 : f32
    %mul3A_204 = vector.broadcast %mul3A_203 : f32 to vector<400x1xf32>
    %mul3A_205 = arith.mulf %floor3A_202, %mul3A_204 : vector<400x1xf32>
    %sub3A_206 = arith.subf %broadcast_in_dim3A_193, %mul3A_205 : vector<400x1xf32>
    %eq3A_207 = vector.broadcast %floor3A_202 : vector<400x1xf32> to vector<400x16xf32>
    %eq3A_208 = arith.cmpf oeq, %convert_element_type3A_7, %eq3A_207 : vector<400x16xf32>
    %jit3A_209 = arith.constant 0.000000e+00 : f32
    %broadcast_in_dim3A_210 = vector.broadcast %jit3A_209 : f32 to vector<400x16xf32>
    %select_n3A_211 = arith.select %eq3A_208, %convert_element_type3A, %broadcast_in_dim3A_210 : vector<400x16xi1>, vector<400x16xf32>
    %reduce_sum3A_212 = arith.constant dense<0.000000e+00> : vector<400xf32>
    %reduce_sum3A_213 = vector.multi_reduction <add>, %select_n3A_211, %reduce_sum3A_212 [1] : vector<400x16xf32> to vector<400xf32>
    %broadcast_in_dim3A_214 = vector.shape_cast %reduce_sum3A_213 : vector<400xf32> to vector<400x1xf32>
    %mul3A_215 = arith.constant 1.280000e+02 : f32
    %mul3A_216 = vector.broadcast %mul3A_215 : f32 to vector<400x1xf32>
    %mul3A_217 = arith.mulf %broadcast_in_dim3A_214, %mul3A_216 : vector<400x1xf32>
    %add3A_218 = arith.addf %mul3A_217, %sub3A_206 : vector<400x1xf32>
    %convert_element_type3A_219 = arith.fptosi %add3A_218 : vector<400x1xf32> to vector<400x1xi32>
    %reduce_min3A_220 = arith.constant dense<0x7F800000> : vector<400xf32>
    %reduce_min3A_221 = vector.multi_reduction <minimumf>, %select_n3A_198, %reduce_min3A_220 [1] : vector<400x2048xf32> to vector<400xf32>
    %broadcast_in_dim3A_222 = vector.shape_cast %reduce_min3A_221 : vector<400xf32> to vector<400x1xf32>
    %eq3A_223 = vector.broadcast %broadcast_in_dim3A_222 : vector<400x1xf32> to vector<400x2048xf32>
    %eq3A_224 = arith.cmpf oeq, %select_n3A_198, %eq3A_223 : vector<400x2048xf32>
    %jit3A_225 = arith.constant 1.000000e+09 : f32
    %broadcast_in_dim3A_226 = vector.broadcast %jit3A_225 : f32 to vector<400x2048xf32>
    %select_n3A_227 = arith.select %eq3A_224, %convert_element_type3A_5, %broadcast_in_dim3A_226 : vector<400x2048xi1>, vector<400x2048xf32>
    %reduce_min3A_228 = arith.constant dense<0x7F800000> : vector<400xf32>
    %reduce_min3A_229 = vector.multi_reduction <minimumf>, %select_n3A_227, %reduce_min3A_228 [1] : vector<400x2048xf32> to vector<400xf32>
    %broadcast_in_dim3A_230 = vector.shape_cast %reduce_min3A_229 : vector<400xf32> to vector<400x1xf32>
    %eq3A_231 = vector.broadcast %broadcast_in_dim3A_230 : vector<400x1xf32> to vector<400x2048xf32>
    %eq3A_232 = arith.cmpf oeq, %select_n3A_227, %eq3A_231 : vector<400x2048xf32>
    %jit3A_233 = arith.constant 0x7F800000 : f32
    %broadcast_in_dim3A_234 = vector.broadcast %jit3A_233 : f32 to vector<400x2048xf32>
    %select_n3A_235 = arith.select %eq3A_232, %broadcast_in_dim3A_234, %select_n3A_198 : vector<400x2048xi1>, vector<400x2048xf32>
    %mul3A_236 = arith.constant 7.812500e-03 : f32
    %mul3A_237 = vector.broadcast %mul3A_236 : f32 to vector<400x1xf32>
    %mul3A_238 = arith.mulf %broadcast_in_dim3A_230, %mul3A_237 : vector<400x1xf32>
    %floor3A_239 = math.floor %mul3A_238 : vector<400x1xf32>
    %mul3A_240 = arith.constant 1.280000e+02 : f32
    %mul3A_241 = vector.broadcast %mul3A_240 : f32 to vector<400x1xf32>
    %mul3A_242 = arith.mulf %floor3A_239, %mul3A_241 : vector<400x1xf32>
    %sub3A_243 = arith.subf %broadcast_in_dim3A_230, %mul3A_242 : vector<400x1xf32>
    %eq3A_244 = vector.broadcast %floor3A_239 : vector<400x1xf32> to vector<400x16xf32>
    %eq3A_245 = arith.cmpf oeq, %convert_element_type3A_7, %eq3A_244 : vector<400x16xf32>
    %jit3A_246 = arith.constant 0.000000e+00 : f32
    %broadcast_in_dim3A_247 = vector.broadcast %jit3A_246 : f32 to vector<400x16xf32>
    %select_n3A_248 = arith.select %eq3A_245, %convert_element_type3A, %broadcast_in_dim3A_247 : vector<400x16xi1>, vector<400x16xf32>
    %reduce_sum3A_249 = arith.constant dense<0.000000e+00> : vector<400xf32>
    %reduce_sum3A_250 = vector.multi_reduction <add>, %select_n3A_248, %reduce_sum3A_249 [1] : vector<400x16xf32> to vector<400xf32>
    %broadcast_in_dim3A_251 = vector.shape_cast %reduce_sum3A_250 : vector<400xf32> to vector<400x1xf32>
    %mul3A_252 = arith.constant 1.280000e+02 : f32
    %mul3A_253 = vector.broadcast %mul3A_252 : f32 to vector<400x1xf32>
    %mul3A_254 = arith.mulf %broadcast_in_dim3A_251, %mul3A_253 : vector<400x1xf32>
    %add3A_255 = arith.addf %mul3A_254, %sub3A_243 : vector<400x1xf32>
    %convert_element_type3A_256 = arith.fptosi %add3A_255 : vector<400x1xf32> to vector<400x1xi32>
    %reduce_min3A_257 = arith.constant dense<0x7F800000> : vector<400xf32>
    %reduce_min3A_258 = vector.multi_reduction <minimumf>, %select_n3A_235, %reduce_min3A_257 [1] : vector<400x2048xf32> to vector<400xf32>
    %broadcast_in_dim3A_259 = vector.shape_cast %reduce_min3A_258 : vector<400xf32> to vector<400x1xf32>
    %eq3A_260 = vector.broadcast %broadcast_in_dim3A_259 : vector<400x1xf32> to vector<400x2048xf32>
    %eq3A_261 = arith.cmpf oeq, %select_n3A_235, %eq3A_260 : vector<400x2048xf32>
    %jit3A_262 = arith.constant 1.000000e+09 : f32
    %broadcast_in_dim3A_263 = vector.broadcast %jit3A_262 : f32 to vector<400x2048xf32>
    %select_n3A_264 = arith.select %eq3A_261, %convert_element_type3A_5, %broadcast_in_dim3A_263 : vector<400x2048xi1>, vector<400x2048xf32>
    %reduce_min3A_265 = arith.constant dense<0x7F800000> : vector<400xf32>
    %reduce_min3A_266 = vector.multi_reduction <minimumf>, %select_n3A_264, %reduce_min3A_265 [1] : vector<400x2048xf32> to vector<400xf32>
    %broadcast_in_dim3A_267 = vector.shape_cast %reduce_min3A_266 : vector<400xf32> to vector<400x1xf32>
    %eq3A_268 = vector.broadcast %broadcast_in_dim3A_267 : vector<400x1xf32> to vector<400x2048xf32>
    %eq3A_269 = arith.cmpf oeq, %select_n3A_264, %eq3A_268 : vector<400x2048xf32>
    %jit3A_270 = arith.constant 0x7F800000 : f32
    %broadcast_in_dim3A_271 = vector.broadcast %jit3A_270 : f32 to vector<400x2048xf32>
    %select_n3A_272 = arith.select %eq3A_269, %broadcast_in_dim3A_271, %select_n3A_235 : vector<400x2048xi1>, vector<400x2048xf32>
    %mul3A_273 = arith.constant 7.812500e-03 : f32
    %mul3A_274 = vector.broadcast %mul3A_273 : f32 to vector<400x1xf32>
    %mul3A_275 = arith.mulf %broadcast_in_dim3A_267, %mul3A_274 : vector<400x1xf32>
    %floor3A_276 = math.floor %mul3A_275 : vector<400x1xf32>
    %mul3A_277 = arith.constant 1.280000e+02 : f32
    %mul3A_278 = vector.broadcast %mul3A_277 : f32 to vector<400x1xf32>
    %mul3A_279 = arith.mulf %floor3A_276, %mul3A_278 : vector<400x1xf32>
    %sub3A_280 = arith.subf %broadcast_in_dim3A_267, %mul3A_279 : vector<400x1xf32>
    %eq3A_281 = vector.broadcast %floor3A_276 : vector<400x1xf32> to vector<400x16xf32>
    %eq3A_282 = arith.cmpf oeq, %convert_element_type3A_7, %eq3A_281 : vector<400x16xf32>
    %jit3A_283 = arith.constant 0.000000e+00 : f32
    %broadcast_in_dim3A_284 = vector.broadcast %jit3A_283 : f32 to vector<400x16xf32>
    %select_n3A_285 = arith.select %eq3A_282, %convert_element_type3A, %broadcast_in_dim3A_284 : vector<400x16xi1>, vector<400x16xf32>
    %reduce_sum3A_286 = arith.constant dense<0.000000e+00> : vector<400xf32>
    %reduce_sum3A_287 = vector.multi_reduction <add>, %select_n3A_285, %reduce_sum3A_286 [1] : vector<400x16xf32> to vector<400xf32>
    %broadcast_in_dim3A_288 = vector.shape_cast %reduce_sum3A_287 : vector<400xf32> to vector<400x1xf32>
    %mul3A_289 = arith.constant 1.280000e+02 : f32
    %mul3A_290 = vector.broadcast %mul3A_289 : f32 to vector<400x1xf32>
    %mul3A_291 = arith.mulf %broadcast_in_dim3A_288, %mul3A_290 : vector<400x1xf32>
    %add3A_292 = arith.addf %mul3A_291, %sub3A_280 : vector<400x1xf32>
    %convert_element_type3A_293 = arith.fptosi %add3A_292 : vector<400x1xf32> to vector<400x1xi32>
    %reduce_min3A_294 = arith.constant dense<0x7F800000> : vector<400xf32>
    %reduce_min3A_295 = vector.multi_reduction <minimumf>, %select_n3A_272, %reduce_min3A_294 [1] : vector<400x2048xf32> to vector<400xf32>
    %broadcast_in_dim3A_296 = vector.shape_cast %reduce_min3A_295 : vector<400xf32> to vector<400x1xf32>
    %eq3A_297 = vector.broadcast %broadcast_in_dim3A_296 : vector<400x1xf32> to vector<400x2048xf32>
    %eq3A_298 = arith.cmpf oeq, %select_n3A_272, %eq3A_297 : vector<400x2048xf32>
    %jit3A_299 = arith.constant 1.000000e+09 : f32
    %broadcast_in_dim3A_300 = vector.broadcast %jit3A_299 : f32 to vector<400x2048xf32>
    %select_n3A_301 = arith.select %eq3A_298, %convert_element_type3A_5, %broadcast_in_dim3A_300 : vector<400x2048xi1>, vector<400x2048xf32>
    %reduce_min3A_302 = arith.constant dense<0x7F800000> : vector<400xf32>
    %reduce_min3A_303 = vector.multi_reduction <minimumf>, %select_n3A_301, %reduce_min3A_302 [1] : vector<400x2048xf32> to vector<400xf32>
    %broadcast_in_dim3A_304 = vector.shape_cast %reduce_min3A_303 : vector<400xf32> to vector<400x1xf32>
    %eq3A_305 = vector.broadcast %broadcast_in_dim3A_304 : vector<400x1xf32> to vector<400x2048xf32>
    %eq3A_306 = arith.cmpf oeq, %select_n3A_301, %eq3A_305 : vector<400x2048xf32>
    %jit3A_307 = arith.constant 0x7F800000 : f32
    %broadcast_in_dim3A_308 = vector.broadcast %jit3A_307 : f32 to vector<400x2048xf32>
    %select_n3A_309 = arith.select %eq3A_306, %broadcast_in_dim3A_308, %select_n3A_272 : vector<400x2048xi1>, vector<400x2048xf32>
    %mul3A_310 = arith.constant 7.812500e-03 : f32
    %mul3A_311 = vector.broadcast %mul3A_310 : f32 to vector<400x1xf32>
    %mul3A_312 = arith.mulf %broadcast_in_dim3A_304, %mul3A_311 : vector<400x1xf32>
    %floor3A_313 = math.floor %mul3A_312 : vector<400x1xf32>
    %mul3A_314 = arith.constant 1.280000e+02 : f32
    %mul3A_315 = vector.broadcast %mul3A_314 : f32 to vector<400x1xf32>
    %mul3A_316 = arith.mulf %floor3A_313, %mul3A_315 : vector<400x1xf32>
    %sub3A_317 = arith.subf %broadcast_in_dim3A_304, %mul3A_316 : vector<400x1xf32>
    %eq3A_318 = vector.broadcast %floor3A_313 : vector<400x1xf32> to vector<400x16xf32>
    %eq3A_319 = arith.cmpf oeq, %convert_element_type3A_7, %eq3A_318 : vector<400x16xf32>
    %jit3A_320 = arith.constant 0.000000e+00 : f32
    %broadcast_in_dim3A_321 = vector.broadcast %jit3A_320 : f32 to vector<400x16xf32>
    %select_n3A_322 = arith.select %eq3A_319, %convert_element_type3A, %broadcast_in_dim3A_321 : vector<400x16xi1>, vector<400x16xf32>
    %reduce_sum3A_323 = arith.constant dense<0.000000e+00> : vector<400xf32>
    %reduce_sum3A_324 = vector.multi_reduction <add>, %select_n3A_322, %reduce_sum3A_323 [1] : vector<400x16xf32> to vector<400xf32>
    %broadcast_in_dim3A_325 = vector.shape_cast %reduce_sum3A_324 : vector<400xf32> to vector<400x1xf32>
    %mul3A_326 = arith.constant 1.280000e+02 : f32
    %mul3A_327 = vector.broadcast %mul3A_326 : f32 to vector<400x1xf32>
    %mul3A_328 = arith.mulf %broadcast_in_dim3A_325, %mul3A_327 : vector<400x1xf32>
    %add3A_329 = arith.addf %mul3A_328, %sub3A_317 : vector<400x1xf32>
    %convert_element_type3A_330 = arith.fptosi %add3A_329 : vector<400x1xf32> to vector<400x1xi32>
    %reduce_min3A_331 = arith.constant dense<0x7F800000> : vector<400xf32>
    %reduce_min3A_332 = vector.multi_reduction <minimumf>, %select_n3A_309, %reduce_min3A_331 [1] : vector<400x2048xf32> to vector<400xf32>
    %broadcast_in_dim3A_333 = vector.shape_cast %reduce_min3A_332 : vector<400xf32> to vector<400x1xf32>
    %eq3A_334 = vector.broadcast %broadcast_in_dim3A_333 : vector<400x1xf32> to vector<400x2048xf32>
    %eq3A_335 = arith.cmpf oeq, %select_n3A_309, %eq3A_334 : vector<400x2048xf32>
    %jit3A_336 = arith.constant 1.000000e+09 : f32
    %broadcast_in_dim3A_337 = vector.broadcast %jit3A_336 : f32 to vector<400x2048xf32>
    %select_n3A_338 = arith.select %eq3A_335, %convert_element_type3A_5, %broadcast_in_dim3A_337 : vector<400x2048xi1>, vector<400x2048xf32>
    %reduce_min3A_339 = arith.constant dense<0x7F800000> : vector<400xf32>
    %reduce_min3A_340 = vector.multi_reduction <minimumf>, %select_n3A_338, %reduce_min3A_339 [1] : vector<400x2048xf32> to vector<400xf32>
    %broadcast_in_dim3A_341 = vector.shape_cast %reduce_min3A_340 : vector<400xf32> to vector<400x1xf32>
    %eq3A_342 = vector.broadcast %broadcast_in_dim3A_341 : vector<400x1xf32> to vector<400x2048xf32>
    %eq3A_343 = arith.cmpf oeq, %select_n3A_338, %eq3A_342 : vector<400x2048xf32>
    %jit3A_344 = arith.constant 0x7F800000 : f32
    %broadcast_in_dim3A_345 = vector.broadcast %jit3A_344 : f32 to vector<400x2048xf32>
    %select_n3A_346 = arith.select %eq3A_343, %broadcast_in_dim3A_345, %select_n3A_309 : vector<400x2048xi1>, vector<400x2048xf32>
    %mul3A_347 = arith.constant 7.812500e-03 : f32
    %mul3A_348 = vector.broadcast %mul3A_347 : f32 to vector<400x1xf32>
    %mul3A_349 = arith.mulf %broadcast_in_dim3A_341, %mul3A_348 : vector<400x1xf32>
    %floor3A_350 = math.floor %mul3A_349 : vector<400x1xf32>
    %mul3A_351 = arith.constant 1.280000e+02 : f32
    %mul3A_352 = vector.broadcast %mul3A_351 : f32 to vector<400x1xf32>
    %mul3A_353 = arith.mulf %floor3A_350, %mul3A_352 : vector<400x1xf32>
    %sub3A_354 = arith.subf %broadcast_in_dim3A_341, %mul3A_353 : vector<400x1xf32>
    %eq3A_355 = vector.broadcast %floor3A_350 : vector<400x1xf32> to vector<400x16xf32>
    %eq3A_356 = arith.cmpf oeq, %convert_element_type3A_7, %eq3A_355 : vector<400x16xf32>
    %jit3A_357 = arith.constant 0.000000e+00 : f32
    %broadcast_in_dim3A_358 = vector.broadcast %jit3A_357 : f32 to vector<400x16xf32>
    %select_n3A_359 = arith.select %eq3A_356, %convert_element_type3A, %broadcast_in_dim3A_358 : vector<400x16xi1>, vector<400x16xf32>
    %reduce_sum3A_360 = arith.constant dense<0.000000e+00> : vector<400xf32>
    %reduce_sum3A_361 = vector.multi_reduction <add>, %select_n3A_359, %reduce_sum3A_360 [1] : vector<400x16xf32> to vector<400xf32>
    %broadcast_in_dim3A_362 = vector.shape_cast %reduce_sum3A_361 : vector<400xf32> to vector<400x1xf32>
    %mul3A_363 = arith.constant 1.280000e+02 : f32
    %mul3A_364 = vector.broadcast %mul3A_363 : f32 to vector<400x1xf32>
    %mul3A_365 = arith.mulf %broadcast_in_dim3A_362, %mul3A_364 : vector<400x1xf32>
    %add3A_366 = arith.addf %mul3A_365, %sub3A_354 : vector<400x1xf32>
    %convert_element_type3A_367 = arith.fptosi %add3A_366 : vector<400x1xf32> to vector<400x1xi32>
    %reduce_min3A_368 = arith.constant dense<0x7F800000> : vector<400xf32>
    %reduce_min3A_369 = vector.multi_reduction <minimumf>, %select_n3A_346, %reduce_min3A_368 [1] : vector<400x2048xf32> to vector<400xf32>
    %broadcast_in_dim3A_370 = vector.shape_cast %reduce_min3A_369 : vector<400xf32> to vector<400x1xf32>
    %eq3A_371 = vector.broadcast %broadcast_in_dim3A_370 : vector<400x1xf32> to vector<400x2048xf32>
    %eq3A_372 = arith.cmpf oeq, %select_n3A_346, %eq3A_371 : vector<400x2048xf32>
    %jit3A_373 = arith.constant 1.000000e+09 : f32
    %broadcast_in_dim3A_374 = vector.broadcast %jit3A_373 : f32 to vector<400x2048xf32>
    %select_n3A_375 = arith.select %eq3A_372, %convert_element_type3A_5, %broadcast_in_dim3A_374 : vector<400x2048xi1>, vector<400x2048xf32>
    %reduce_min3A_376 = arith.constant dense<0x7F800000> : vector<400xf32>
    %reduce_min3A_377 = vector.multi_reduction <minimumf>, %select_n3A_375, %reduce_min3A_376 [1] : vector<400x2048xf32> to vector<400xf32>
    %broadcast_in_dim3A_378 = vector.shape_cast %reduce_min3A_377 : vector<400xf32> to vector<400x1xf32>
    %eq3A_379 = vector.broadcast %broadcast_in_dim3A_378 : vector<400x1xf32> to vector<400x2048xf32>
    %eq3A_380 = arith.cmpf oeq, %select_n3A_375, %eq3A_379 : vector<400x2048xf32>
    %jit3A_381 = arith.constant 0x7F800000 : f32
    %broadcast_in_dim3A_382 = vector.broadcast %jit3A_381 : f32 to vector<400x2048xf32>
    %select_n3A_383 = arith.select %eq3A_380, %broadcast_in_dim3A_382, %select_n3A_346 : vector<400x2048xi1>, vector<400x2048xf32>
    %mul3A_384 = arith.constant 7.812500e-03 : f32
    %mul3A_385 = vector.broadcast %mul3A_384 : f32 to vector<400x1xf32>
    %mul3A_386 = arith.mulf %broadcast_in_dim3A_378, %mul3A_385 : vector<400x1xf32>
    %floor3A_387 = math.floor %mul3A_386 : vector<400x1xf32>
    %mul3A_388 = arith.constant 1.280000e+02 : f32
    %mul3A_389 = vector.broadcast %mul3A_388 : f32 to vector<400x1xf32>
    %mul3A_390 = arith.mulf %floor3A_387, %mul3A_389 : vector<400x1xf32>
    %sub3A_391 = arith.subf %broadcast_in_dim3A_378, %mul3A_390 : vector<400x1xf32>
    %eq3A_392 = vector.broadcast %floor3A_387 : vector<400x1xf32> to vector<400x16xf32>
    %eq3A_393 = arith.cmpf oeq, %convert_element_type3A_7, %eq3A_392 : vector<400x16xf32>
    %jit3A_394 = arith.constant 0.000000e+00 : f32
    %broadcast_in_dim3A_395 = vector.broadcast %jit3A_394 : f32 to vector<400x16xf32>
    %select_n3A_396 = arith.select %eq3A_393, %convert_element_type3A, %broadcast_in_dim3A_395 : vector<400x16xi1>, vector<400x16xf32>
    %reduce_sum3A_397 = arith.constant dense<0.000000e+00> : vector<400xf32>
    %reduce_sum3A_398 = vector.multi_reduction <add>, %select_n3A_396, %reduce_sum3A_397 [1] : vector<400x16xf32> to vector<400xf32>
    %broadcast_in_dim3A_399 = vector.shape_cast %reduce_sum3A_398 : vector<400xf32> to vector<400x1xf32>
    %mul3A_400 = arith.constant 1.280000e+02 : f32
    %mul3A_401 = vector.broadcast %mul3A_400 : f32 to vector<400x1xf32>
    %mul3A_402 = arith.mulf %broadcast_in_dim3A_399, %mul3A_401 : vector<400x1xf32>
    %add3A_403 = arith.addf %mul3A_402, %sub3A_391 : vector<400x1xf32>
    %convert_element_type3A_404 = arith.fptosi %add3A_403 : vector<400x1xf32> to vector<400x1xi32>
    %reduce_min3A_405 = arith.constant dense<0x7F800000> : vector<400xf32>
    %reduce_min3A_406 = vector.multi_reduction <minimumf>, %select_n3A_383, %reduce_min3A_405 [1] : vector<400x2048xf32> to vector<400xf32>
    %broadcast_in_dim3A_407 = vector.shape_cast %reduce_min3A_406 : vector<400xf32> to vector<400x1xf32>
    %eq3A_408 = vector.broadcast %broadcast_in_dim3A_407 : vector<400x1xf32> to vector<400x2048xf32>
    %eq3A_409 = arith.cmpf oeq, %select_n3A_383, %eq3A_408 : vector<400x2048xf32>
    %jit3A_410 = arith.constant 1.000000e+09 : f32
    %broadcast_in_dim3A_411 = vector.broadcast %jit3A_410 : f32 to vector<400x2048xf32>
    %select_n3A_412 = arith.select %eq3A_409, %convert_element_type3A_5, %broadcast_in_dim3A_411 : vector<400x2048xi1>, vector<400x2048xf32>
    %reduce_min3A_413 = arith.constant dense<0x7F800000> : vector<400xf32>
    %reduce_min3A_414 = vector.multi_reduction <minimumf>, %select_n3A_412, %reduce_min3A_413 [1] : vector<400x2048xf32> to vector<400xf32>
    %broadcast_in_dim3A_415 = vector.shape_cast %reduce_min3A_414 : vector<400xf32> to vector<400x1xf32>
    %eq3A_416 = vector.broadcast %broadcast_in_dim3A_415 : vector<400x1xf32> to vector<400x2048xf32>
    %eq3A_417 = arith.cmpf oeq, %select_n3A_412, %eq3A_416 : vector<400x2048xf32>
    %jit3A_418 = arith.constant 0x7F800000 : f32
    %broadcast_in_dim3A_419 = vector.broadcast %jit3A_418 : f32 to vector<400x2048xf32>
    %select_n3A_420 = arith.select %eq3A_417, %broadcast_in_dim3A_419, %select_n3A_383 : vector<400x2048xi1>, vector<400x2048xf32>
    %mul3A_421 = arith.constant 7.812500e-03 : f32
    %mul3A_422 = vector.broadcast %mul3A_421 : f32 to vector<400x1xf32>
    %mul3A_423 = arith.mulf %broadcast_in_dim3A_415, %mul3A_422 : vector<400x1xf32>
    %floor3A_424 = math.floor %mul3A_423 : vector<400x1xf32>
    %mul3A_425 = arith.constant 1.280000e+02 : f32
    %mul3A_426 = vector.broadcast %mul3A_425 : f32 to vector<400x1xf32>
    %mul3A_427 = arith.mulf %floor3A_424, %mul3A_426 : vector<400x1xf32>
    %sub3A_428 = arith.subf %broadcast_in_dim3A_415, %mul3A_427 : vector<400x1xf32>
    %eq3A_429 = vector.broadcast %floor3A_424 : vector<400x1xf32> to vector<400x16xf32>
    %eq3A_430 = arith.cmpf oeq, %convert_element_type3A_7, %eq3A_429 : vector<400x16xf32>
    %jit3A_431 = arith.constant 0.000000e+00 : f32
    %broadcast_in_dim3A_432 = vector.broadcast %jit3A_431 : f32 to vector<400x16xf32>
    %select_n3A_433 = arith.select %eq3A_430, %convert_element_type3A, %broadcast_in_dim3A_432 : vector<400x16xi1>, vector<400x16xf32>
    %reduce_sum3A_434 = arith.constant dense<0.000000e+00> : vector<400xf32>
    %reduce_sum3A_435 = vector.multi_reduction <add>, %select_n3A_433, %reduce_sum3A_434 [1] : vector<400x16xf32> to vector<400xf32>
    %broadcast_in_dim3A_436 = vector.shape_cast %reduce_sum3A_435 : vector<400xf32> to vector<400x1xf32>
    %mul3A_437 = arith.constant 1.280000e+02 : f32
    %mul3A_438 = vector.broadcast %mul3A_437 : f32 to vector<400x1xf32>
    %mul3A_439 = arith.mulf %broadcast_in_dim3A_436, %mul3A_438 : vector<400x1xf32>
    %add3A_440 = arith.addf %mul3A_439, %sub3A_428 : vector<400x1xf32>
    %convert_element_type3A_441 = arith.fptosi %add3A_440 : vector<400x1xf32> to vector<400x1xi32>
    %reduce_min3A_442 = arith.constant dense<0x7F800000> : vector<400xf32>
    %reduce_min3A_443 = vector.multi_reduction <minimumf>, %select_n3A_420, %reduce_min3A_442 [1] : vector<400x2048xf32> to vector<400xf32>
    %broadcast_in_dim3A_444 = vector.shape_cast %reduce_min3A_443 : vector<400xf32> to vector<400x1xf32>
    %eq3A_445 = vector.broadcast %broadcast_in_dim3A_444 : vector<400x1xf32> to vector<400x2048xf32>
    %eq3A_446 = arith.cmpf oeq, %select_n3A_420, %eq3A_445 : vector<400x2048xf32>
    %jit3A_447 = arith.constant 1.000000e+09 : f32
    %broadcast_in_dim3A_448 = vector.broadcast %jit3A_447 : f32 to vector<400x2048xf32>
    %select_n3A_449 = arith.select %eq3A_446, %convert_element_type3A_5, %broadcast_in_dim3A_448 : vector<400x2048xi1>, vector<400x2048xf32>
    %reduce_min3A_450 = arith.constant dense<0x7F800000> : vector<400xf32>
    %reduce_min3A_451 = vector.multi_reduction <minimumf>, %select_n3A_449, %reduce_min3A_450 [1] : vector<400x2048xf32> to vector<400xf32>
    %broadcast_in_dim3A_452 = vector.shape_cast %reduce_min3A_451 : vector<400xf32> to vector<400x1xf32>
    %eq3A_453 = vector.broadcast %broadcast_in_dim3A_452 : vector<400x1xf32> to vector<400x2048xf32>
    %eq3A_454 = arith.cmpf oeq, %select_n3A_449, %eq3A_453 : vector<400x2048xf32>
    %jit3A_455 = arith.constant 0x7F800000 : f32
    %broadcast_in_dim3A_456 = vector.broadcast %jit3A_455 : f32 to vector<400x2048xf32>
    %select_n3A_457 = arith.select %eq3A_454, %broadcast_in_dim3A_456, %select_n3A_420 : vector<400x2048xi1>, vector<400x2048xf32>
    %mul3A_458 = arith.constant 7.812500e-03 : f32
    %mul3A_459 = vector.broadcast %mul3A_458 : f32 to vector<400x1xf32>
    %mul3A_460 = arith.mulf %broadcast_in_dim3A_452, %mul3A_459 : vector<400x1xf32>
    %floor3A_461 = math.floor %mul3A_460 : vector<400x1xf32>
    %mul3A_462 = arith.constant 1.280000e+02 : f32
    %mul3A_463 = vector.broadcast %mul3A_462 : f32 to vector<400x1xf32>
    %mul3A_464 = arith.mulf %floor3A_461, %mul3A_463 : vector<400x1xf32>
    %sub3A_465 = arith.subf %broadcast_in_dim3A_452, %mul3A_464 : vector<400x1xf32>
    %eq3A_466 = vector.broadcast %floor3A_461 : vector<400x1xf32> to vector<400x16xf32>
    %eq3A_467 = arith.cmpf oeq, %convert_element_type3A_7, %eq3A_466 : vector<400x16xf32>
    %jit3A_468 = arith.constant 0.000000e+00 : f32
    %broadcast_in_dim3A_469 = vector.broadcast %jit3A_468 : f32 to vector<400x16xf32>
    %select_n3A_470 = arith.select %eq3A_467, %convert_element_type3A, %broadcast_in_dim3A_469 : vector<400x16xi1>, vector<400x16xf32>
    %reduce_sum3A_471 = arith.constant dense<0.000000e+00> : vector<400xf32>
    %reduce_sum3A_472 = vector.multi_reduction <add>, %select_n3A_470, %reduce_sum3A_471 [1] : vector<400x16xf32> to vector<400xf32>
    %broadcast_in_dim3A_473 = vector.shape_cast %reduce_sum3A_472 : vector<400xf32> to vector<400x1xf32>
    %mul3A_474 = arith.constant 1.280000e+02 : f32
    %mul3A_475 = vector.broadcast %mul3A_474 : f32 to vector<400x1xf32>
    %mul3A_476 = arith.mulf %broadcast_in_dim3A_473, %mul3A_475 : vector<400x1xf32>
    %add3A_477 = arith.addf %mul3A_476, %sub3A_465 : vector<400x1xf32>
    %convert_element_type3A_478 = arith.fptosi %add3A_477 : vector<400x1xf32> to vector<400x1xi32>
    %reduce_min3A_479 = arith.constant dense<0x7F800000> : vector<400xf32>
    %reduce_min3A_480 = vector.multi_reduction <minimumf>, %select_n3A_457, %reduce_min3A_479 [1] : vector<400x2048xf32> to vector<400xf32>
    %broadcast_in_dim3A_481 = vector.shape_cast %reduce_min3A_480 : vector<400xf32> to vector<400x1xf32>
    %eq3A_482 = vector.broadcast %broadcast_in_dim3A_481 : vector<400x1xf32> to vector<400x2048xf32>
    %eq3A_483 = arith.cmpf oeq, %select_n3A_457, %eq3A_482 : vector<400x2048xf32>
    %jit3A_484 = arith.constant 1.000000e+09 : f32
    %broadcast_in_dim3A_485 = vector.broadcast %jit3A_484 : f32 to vector<400x2048xf32>
    %select_n3A_486 = arith.select %eq3A_483, %convert_element_type3A_5, %broadcast_in_dim3A_485 : vector<400x2048xi1>, vector<400x2048xf32>
    %reduce_min3A_487 = arith.constant dense<0x7F800000> : vector<400xf32>
    %reduce_min3A_488 = vector.multi_reduction <minimumf>, %select_n3A_486, %reduce_min3A_487 [1] : vector<400x2048xf32> to vector<400xf32>
    %broadcast_in_dim3A_489 = vector.shape_cast %reduce_min3A_488 : vector<400xf32> to vector<400x1xf32>
    %eq3A_490 = vector.broadcast %broadcast_in_dim3A_489 : vector<400x1xf32> to vector<400x2048xf32>
    %eq3A_491 = arith.cmpf oeq, %select_n3A_486, %eq3A_490 : vector<400x2048xf32>
    %jit3A_492 = arith.constant 0x7F800000 : f32
    %broadcast_in_dim3A_493 = vector.broadcast %jit3A_492 : f32 to vector<400x2048xf32>
    %select_n3A_494 = arith.select %eq3A_491, %broadcast_in_dim3A_493, %select_n3A_457 : vector<400x2048xi1>, vector<400x2048xf32>
    %mul3A_495 = arith.constant 7.812500e-03 : f32
    %mul3A_496 = vector.broadcast %mul3A_495 : f32 to vector<400x1xf32>
    %mul3A_497 = arith.mulf %broadcast_in_dim3A_489, %mul3A_496 : vector<400x1xf32>
    %floor3A_498 = math.floor %mul3A_497 : vector<400x1xf32>
    %mul3A_499 = arith.constant 1.280000e+02 : f32
    %mul3A_500 = vector.broadcast %mul3A_499 : f32 to vector<400x1xf32>
    %mul3A_501 = arith.mulf %floor3A_498, %mul3A_500 : vector<400x1xf32>
    %sub3A_502 = arith.subf %broadcast_in_dim3A_489, %mul3A_501 : vector<400x1xf32>
    %eq3A_503 = vector.broadcast %floor3A_498 : vector<400x1xf32> to vector<400x16xf32>
    %eq3A_504 = arith.cmpf oeq, %convert_element_type3A_7, %eq3A_503 : vector<400x16xf32>
    %jit3A_505 = arith.constant 0.000000e+00 : f32
    %broadcast_in_dim3A_506 = vector.broadcast %jit3A_505 : f32 to vector<400x16xf32>
    %select_n3A_507 = arith.select %eq3A_504, %convert_element_type3A, %broadcast_in_dim3A_506 : vector<400x16xi1>, vector<400x16xf32>
    %reduce_sum3A_508 = arith.constant dense<0.000000e+00> : vector<400xf32>
    %reduce_sum3A_509 = vector.multi_reduction <add>, %select_n3A_507, %reduce_sum3A_508 [1] : vector<400x16xf32> to vector<400xf32>
    %broadcast_in_dim3A_510 = vector.shape_cast %reduce_sum3A_509 : vector<400xf32> to vector<400x1xf32>
    %mul3A_511 = arith.constant 1.280000e+02 : f32
    %mul3A_512 = vector.broadcast %mul3A_511 : f32 to vector<400x1xf32>
    %mul3A_513 = arith.mulf %broadcast_in_dim3A_510, %mul3A_512 : vector<400x1xf32>
    %add3A_514 = arith.addf %mul3A_513, %sub3A_502 : vector<400x1xf32>
    %convert_element_type3A_515 = arith.fptosi %add3A_514 : vector<400x1xf32> to vector<400x1xi32>
    %reduce_min3A_516 = arith.constant dense<0x7F800000> : vector<400xf32>
    %reduce_min3A_517 = vector.multi_reduction <minimumf>, %select_n3A_494, %reduce_min3A_516 [1] : vector<400x2048xf32> to vector<400xf32>
    %broadcast_in_dim3A_518 = vector.shape_cast %reduce_min3A_517 : vector<400xf32> to vector<400x1xf32>
    %eq3A_519 = vector.broadcast %broadcast_in_dim3A_518 : vector<400x1xf32> to vector<400x2048xf32>
    %eq3A_520 = arith.cmpf oeq, %select_n3A_494, %eq3A_519 : vector<400x2048xf32>
    %jit3A_521 = arith.constant 1.000000e+09 : f32
    %broadcast_in_dim3A_522 = vector.broadcast %jit3A_521 : f32 to vector<400x2048xf32>
    %select_n3A_523 = arith.select %eq3A_520, %convert_element_type3A_5, %broadcast_in_dim3A_522 : vector<400x2048xi1>, vector<400x2048xf32>
    %reduce_min3A_524 = arith.constant dense<0x7F800000> : vector<400xf32>
    %reduce_min3A_525 = vector.multi_reduction <minimumf>, %select_n3A_523, %reduce_min3A_524 [1] : vector<400x2048xf32> to vector<400xf32>
    %broadcast_in_dim3A_526 = vector.shape_cast %reduce_min3A_525 : vector<400xf32> to vector<400x1xf32>
    %eq3A_527 = vector.broadcast %broadcast_in_dim3A_526 : vector<400x1xf32> to vector<400x2048xf32>
    %eq3A_528 = arith.cmpf oeq, %select_n3A_523, %eq3A_527 : vector<400x2048xf32>
    %jit3A_529 = arith.constant 0x7F800000 : f32
    %broadcast_in_dim3A_530 = vector.broadcast %jit3A_529 : f32 to vector<400x2048xf32>
    %select_n3A_531 = arith.select %eq3A_528, %broadcast_in_dim3A_530, %select_n3A_494 : vector<400x2048xi1>, vector<400x2048xf32>
    %mul3A_532 = arith.constant 7.812500e-03 : f32
    %mul3A_533 = vector.broadcast %mul3A_532 : f32 to vector<400x1xf32>
    %mul3A_534 = arith.mulf %broadcast_in_dim3A_526, %mul3A_533 : vector<400x1xf32>
    %floor3A_535 = math.floor %mul3A_534 : vector<400x1xf32>
    %mul3A_536 = arith.constant 1.280000e+02 : f32
    %mul3A_537 = vector.broadcast %mul3A_536 : f32 to vector<400x1xf32>
    %mul3A_538 = arith.mulf %floor3A_535, %mul3A_537 : vector<400x1xf32>
    %sub3A_539 = arith.subf %broadcast_in_dim3A_526, %mul3A_538 : vector<400x1xf32>
    %eq3A_540 = vector.broadcast %floor3A_535 : vector<400x1xf32> to vector<400x16xf32>
    %eq3A_541 = arith.cmpf oeq, %convert_element_type3A_7, %eq3A_540 : vector<400x16xf32>
    %jit3A_542 = arith.constant 0.000000e+00 : f32
    %broadcast_in_dim3A_543 = vector.broadcast %jit3A_542 : f32 to vector<400x16xf32>
    %select_n3A_544 = arith.select %eq3A_541, %convert_element_type3A, %broadcast_in_dim3A_543 : vector<400x16xi1>, vector<400x16xf32>
    %reduce_sum3A_545 = arith.constant dense<0.000000e+00> : vector<400xf32>
    %reduce_sum3A_546 = vector.multi_reduction <add>, %select_n3A_544, %reduce_sum3A_545 [1] : vector<400x16xf32> to vector<400xf32>
    %broadcast_in_dim3A_547 = vector.shape_cast %reduce_sum3A_546 : vector<400xf32> to vector<400x1xf32>
    %mul3A_548 = arith.constant 1.280000e+02 : f32
    %mul3A_549 = vector.broadcast %mul3A_548 : f32 to vector<400x1xf32>
    %mul3A_550 = arith.mulf %broadcast_in_dim3A_547, %mul3A_549 : vector<400x1xf32>
    %add3A_551 = arith.addf %mul3A_550, %sub3A_539 : vector<400x1xf32>
    %convert_element_type3A_552 = arith.fptosi %add3A_551 : vector<400x1xf32> to vector<400x1xi32>
    %reduce_min3A_553 = arith.constant dense<0x7F800000> : vector<400xf32>
    %reduce_min3A_554 = vector.multi_reduction <minimumf>, %select_n3A_531, %reduce_min3A_553 [1] : vector<400x2048xf32> to vector<400xf32>
    %broadcast_in_dim3A_555 = vector.shape_cast %reduce_min3A_554 : vector<400xf32> to vector<400x1xf32>
    %eq3A_556 = vector.broadcast %broadcast_in_dim3A_555 : vector<400x1xf32> to vector<400x2048xf32>
    %eq3A_557 = arith.cmpf oeq, %select_n3A_531, %eq3A_556 : vector<400x2048xf32>
    %jit3A_558 = arith.constant 1.000000e+09 : f32
    %broadcast_in_dim3A_559 = vector.broadcast %jit3A_558 : f32 to vector<400x2048xf32>
    %select_n3A_560 = arith.select %eq3A_557, %convert_element_type3A_5, %broadcast_in_dim3A_559 : vector<400x2048xi1>, vector<400x2048xf32>
    %reduce_min3A_561 = arith.constant dense<0x7F800000> : vector<400xf32>
    %reduce_min3A_562 = vector.multi_reduction <minimumf>, %select_n3A_560, %reduce_min3A_561 [1] : vector<400x2048xf32> to vector<400xf32>
    %broadcast_in_dim3A_563 = vector.shape_cast %reduce_min3A_562 : vector<400xf32> to vector<400x1xf32>
    %mul3A_564 = arith.constant 7.812500e-03 : f32
    %mul3A_565 = vector.broadcast %mul3A_564 : f32 to vector<400x1xf32>
    %mul3A_566 = arith.mulf %broadcast_in_dim3A_563, %mul3A_565 : vector<400x1xf32>
    %floor3A_567 = math.floor %mul3A_566 : vector<400x1xf32>
    %mul3A_568 = arith.constant 1.280000e+02 : f32
    %mul3A_569 = vector.broadcast %mul3A_568 : f32 to vector<400x1xf32>
    %mul3A_570 = arith.mulf %floor3A_567, %mul3A_569 : vector<400x1xf32>
    %sub3A_571 = arith.subf %broadcast_in_dim3A_563, %mul3A_570 : vector<400x1xf32>
    %eq3A_572 = vector.broadcast %floor3A_567 : vector<400x1xf32> to vector<400x16xf32>
    %eq3A_573 = arith.cmpf oeq, %convert_element_type3A_7, %eq3A_572 : vector<400x16xf32>
    %jit3A_574 = arith.constant 0.000000e+00 : f32
    %broadcast_in_dim3A_575 = vector.broadcast %jit3A_574 : f32 to vector<400x16xf32>
    %select_n3A_576 = arith.select %eq3A_573, %convert_element_type3A, %broadcast_in_dim3A_575 : vector<400x16xi1>, vector<400x16xf32>
    %reduce_sum3A_577 = arith.constant dense<0.000000e+00> : vector<400xf32>
    %reduce_sum3A_578 = vector.multi_reduction <add>, %select_n3A_576, %reduce_sum3A_577 [1] : vector<400x16xf32> to vector<400xf32>
    %broadcast_in_dim3A_579 = vector.shape_cast %reduce_sum3A_578 : vector<400xf32> to vector<400x1xf32>
    %mul3A_580 = arith.constant 1.280000e+02 : f32
    %mul3A_581 = vector.broadcast %mul3A_580 : f32 to vector<400x1xf32>
    %mul3A_582 = arith.mulf %broadcast_in_dim3A_579, %mul3A_581 : vector<400x1xf32>
    %add3A_583 = arith.addf %mul3A_582, %sub3A_571 : vector<400x1xf32>
    %convert_element_type3A_584 = arith.fptosi %add3A_583 : vector<400x1xf32> to vector<400x1xi32>
    %concatenate3A = tpu.concatenate %convert_element_type3A_34, %convert_element_type3A_71, %convert_element_type3A_108, %convert_element_type3A_145, %convert_element_type3A_182, %convert_element_type3A_219, %convert_element_type3A_256, %convert_element_type3A_293, %convert_element_type3A_330, %convert_element_type3A_367, %convert_element_type3A_404, %convert_element_type3A_441, %convert_element_type3A_478, %convert_element_type3A_515, %convert_element_type3A_552, %convert_element_type3A_584 in 1 : vector<400x1xi32>, vector<400x1xi32>, vector<400x1xi32>, vector<400x1xi32>, vector<400x1xi32>, vector<400x1xi32>, vector<400x1xi32>, vector<400x1xi32>, vector<400x1xi32>, vector<400x1xi32>, vector<400x1xi32>, vector<400x1xi32>, vector<400x1xi32>, vector<400x1xi32>, vector<400x1xi32>, vector<400x1xi32> -> vector<400x16xi32>
    %swap3A = arith.constant 0 : index
    %swap3A_585 = arith.constant 0 : index
    %swap3A_586 = vector.load %arg3[%swap3A, %swap3A_585] : memref<400x16xi32, #tpu.memory_space<vmem>>, vector<400x16xi32>
    tpu.vector_store %arg3[%swap3A, %swap3A_585], %concatenate3A {strides = array<i32>} : memref<400x16xi32, #tpu.memory_space<vmem>>, vector<400x16xi32>,
    return
  }
  func.func @transform_0(%arg0: i32) -> (i32, i32) {
    %c0_i32 = arith.constant 0 : i32
    %c0_i32_0 = arith.constant 0 : i32
    return %arg0, %c0_i32 : i32, i32
  }
  func.func @transform_1(%arg0: i32) -> (i32, i32) {
    %c0_i32 = arith.constant 0 : i32
    %c0_i32_0 = arith.constant 0 : i32
    return %arg0, %c0_i32 : i32, i32
  }
  func.func @transform_2(%arg0: i32) -> (i32, i32) {
    %c0_i32 = arith.constant 0 : i32
    %c0_i32_0 = arith.constant 0 : i32
    return %arg0, %c0_i32 : i32, i32
  }
}

module attributes {stable_mosaic.version = 14 : i64} {
  func.func @_conv_body(%arg0: i32, %arg1: memref<16x400x128xf32, #tpu.memory_space<vmem>>, %arg2: memref<400x64xf32, #tpu.memory_space<vmem>>, %arg3: memref<64x64xf32, #tpu.memory_space<vmem>>, %arg4: memref<64x64xf32, #tpu.memory_space<vmem>>, %arg5: memref<8x64xf32, #tpu.memory_space<vmem>>, %arg6: memref<400x64xf32, #tpu.memory_space<vmem>>) attributes {dimension_semantics = [#tpu.dimension_semantics<arbitrary>], iteration_bounds = array<i64: 25>, scalar_prefetch = 0 : i64, scratch_operands = 0 : i64, tpu.core_type = #tpu.core_type<tc>, window_params = [{transform_indices = @transform_0, window_bounds = array<i64: 16, 400, 128>}, {transform_indices = @transform_1, window_bounds = array<i64: 400, 64>}, {pipeline_mode = #tpu.pipeline_mode<synchronous>, transform_indices = @transform_2, window_bounds = array<i64: 64, 64>}, {pipeline_mode = #tpu.pipeline_mode<synchronous>, transform_indices = @transform_3, window_bounds = array<i64: 64, 64>}, {pipeline_mode = #tpu.pipeline_mode<synchronous>, transform_indices = @transform_4, window_bounds = array<i64: 8, 64>}, {transform_indices = @transform_5, window_bounds = array<i64: 400, 64>}]} {
    %get3A = arith.constant 0 : index
    %get3A_0 = arith.constant 0 : index
    %get3A_1 = vector.load %arg5[%get3A, %get3A_0] : memref<8x64xf32, #tpu.memory_space<vmem>>, vector<1x64xf32>
    %get3A_2 = arith.constant 1 : index
    %get3A_3 = arith.constant 0 : index
    %get3A_4 = vector.load %arg5[%get3A_2, %get3A_3] : memref<8x64xf32, #tpu.memory_space<vmem>>, vector<1x64xf32>
    %get3A_5 = arith.constant 2 : index
    %get3A_6 = arith.constant 0 : index
    %get3A_7 = vector.load %arg5[%get3A_5, %get3A_6] : memref<8x64xf32, #tpu.memory_space<vmem>>, vector<1x64xf32>
    %get3A_8 = arith.constant 3 : index
    %get3A_9 = arith.constant 0 : index
    %get3A_10 = vector.load %arg5[%get3A_8, %get3A_9] : memref<8x64xf32, #tpu.memory_space<vmem>>, vector<1x64xf32>
    %get3A_11 = arith.constant 0 : index
    %get3A_12 = arith.constant 0 : index
    %get3A_13 = vector.load %arg4[%get3A_11, %get3A_12] : memref<64x64xf32, #tpu.memory_space<vmem>>, vector<64x64xf32>
    %get3A_14 = arith.constant 0 : index
    %get3A_15 = arith.constant 0 : index
    %get3A_16 = arith.constant 0 : index
    %get3A_17 = vector.load %arg1[%get3A_14, %get3A_15, %get3A_16] : memref<16x400x128xf32, #tpu.memory_space<vmem>>, vector<16x400x64xf32>
    %get3A_18 = arith.constant 0 : index
    %get3A_19 = arith.constant 0 : index
    %get3A_20 = vector.load %arg2[%get3A_18, %get3A_19] : memref<400x64xf32, #tpu.memory_space<vmem>>, vector<400x64xf32>
    %broadcast_in_dim3A = vector.shape_cast %get3A_20 : vector<400x64xf32> to vector<1x400x64xf32>
    %sub3A = vector.broadcast %broadcast_in_dim3A : vector<1x400x64xf32> to vector<16x400x64xf32>
    %sub3A_21 = arith.subf %get3A_17, %sub3A : vector<16x400x64xf32>
    %reshape3A = vector.shape_cast %sub3A_21 : vector<16x400x64xf32> to vector<6400x64xf32>
    %add3A = vector.broadcast %get3A_1 : vector<1x64xf32> to vector<6400x64xf32>
    %add3A_22 = arith.addf %reshape3A, %add3A : vector<6400x64xf32>
    %dot_general3A = arith.constant dense<0.000000e+00> : vector<6400x64xf32>
    %dot_general3A_23 = tpu.matmul %add3A_22, %get3A_13, %dot_general3A {dimension_numbers = #tpu.dot_dimension_numbers<[1], [0], [0], [1], [0, 0, 1, 1], [], []>, transpose_lhs_hint = false} : vector<6400x64xf32>, vector<64x64xf32>, vector<6400x64xf32> -> vector<6400x64xf32>
    %sub3A_24 = arith.subf %add3A_22, %dot_general3A_23 : vector<6400x64xf32>
    %mul3A = arith.mulf %sub3A_24, %sub3A_24 : vector<6400x64xf32>
    %dot_general3A_25 = arith.constant dense<0.000000e+00> : vector<6400x64xf32>
    %dot_general3A_26 = tpu.matmul %mul3A, %get3A_13, %dot_general3A_25 {dimension_numbers = #tpu.dot_dimension_numbers<[1], [0], [0], [1], [0, 0, 1, 1], [], []>, transpose_lhs_hint = false} : vector<6400x64xf32>, vector<64x64xf32>, vector<6400x64xf32> -> vector<6400x64xf32>
    %add3A_27 = arith.constant 9.99999974E-6 : f32
    %add3A_28 = vector.broadcast %add3A_27 : f32 to vector<6400x64xf32>
    %add3A_29 = arith.addf %dot_general3A_26, %add3A_28 : vector<6400x64xf32>
    %sqrt3A = math.sqrt %add3A_29 : vector<6400x64xf32>
    %div3A = arith.divf %sub3A_24, %sqrt3A : vector<6400x64xf32>
    %mul3A_30 = vector.broadcast %get3A_4 : vector<1x64xf32> to vector<6400x64xf32>
    %mul3A_31 = arith.mulf %div3A, %mul3A_30 : vector<6400x64xf32>
    %add3A_32 = vector.broadcast %get3A_7 : vector<1x64xf32> to vector<6400x64xf32>
    %add3A_33 = arith.addf %mul3A_31, %add3A_32 : vector<6400x64xf32>
    %max3A = arith.constant 0.000000e+00 : f32
    %max3A_34 = vector.broadcast %max3A : f32 to vector<6400x64xf32>
    %max3A_35 = arith.maximumf %add3A_33, %max3A_34 : vector<6400x64xf32>
    %get3A_36 = arith.constant 0 : index
    %get3A_37 = arith.constant 0 : index
    %get3A_38 = vector.load %arg3[%get3A_36, %get3A_37] : memref<64x64xf32, #tpu.memory_space<vmem>>, vector<64x64xf32>
    %dot_general3A_39 = arith.constant dense<0.000000e+00> : vector<6400x64xf32>
    %dot_general3A_40 = tpu.matmul %max3A_35, %get3A_38, %dot_general3A_39 {dimension_numbers = #tpu.dot_dimension_numbers<[1], [0], [0], [1], [0, 0, 1, 1], [], []>, transpose_lhs_hint = false} : vector<6400x64xf32>, vector<64x64xf32>, vector<6400x64xf32> -> vector<6400x64xf32>
    %reshape3A_41 = vector.shape_cast %dot_general3A_40 : vector<6400x64xf32> to vector<16x400x64xf32>
    %reduce_max3A = arith.constant dense<0xFF800000> : vector<400x64xf32>
    %reduce_max3A_42 = vector.multi_reduction <maximumf>, %reshape3A_41, %reduce_max3A [0] : vector<16x400x64xf32> to vector<400x64xf32>
    %add3A_43 = vector.broadcast %get3A_10 : vector<1x64xf32> to vector<400x64xf32>
    %add3A_44 = arith.addf %reduce_max3A_42, %add3A_43 : vector<400x64xf32>
    %max3A_45 = arith.constant 0.000000e+00 : f32
    %max3A_46 = vector.broadcast %max3A_45 : f32 to vector<400x64xf32>
    %max3A_47 = arith.maximumf %add3A_44, %max3A_46 : vector<400x64xf32>
    %swap3A = arith.constant 0 : index
    %swap3A_48 = arith.constant 0 : index
    %swap3A_49 = vector.load %arg6[%swap3A, %swap3A_48] : memref<400x64xf32, #tpu.memory_space<vmem>>, vector<400x64xf32>
    tpu.vector_store %arg6[%swap3A, %swap3A_48], %max3A_47 {strides = array<i32>} : memref<400x64xf32, #tpu.memory_space<vmem>>, vector<400x64xf32>,
    return
  }
  func.func @transform_0(%arg0: i32) -> (i32, i32, i32) {
    %c0_i32 = arith.constant 0 : i32
    %c0_i32_0 = arith.constant 0 : i32
    %c0_i32_1 = arith.constant 0 : i32
    return %c0_i32, %arg0, %c0_i32_0 : i32, i32, i32
  }
  func.func @transform_1(%arg0: i32) -> (i32, i32) {
    %c0_i32 = arith.constant 0 : i32
    %c0_i32_0 = arith.constant 0 : i32
    return %arg0, %c0_i32 : i32, i32
  }
  func.func @transform_2(%arg0: i32) -> (i32, i32) {
    %c0_i32 = arith.constant 0 : i32
    %c0_i32_0 = arith.constant 0 : i32
    %c0_i32_1 = arith.constant 0 : i32
    return %c0_i32, %c0_i32_0 : i32, i32
  }
  func.func @transform_3(%arg0: i32) -> (i32, i32) {
    %c0_i32 = arith.constant 0 : i32
    %c0_i32_0 = arith.constant 0 : i32
    %c0_i32_1 = arith.constant 0 : i32
    return %c0_i32, %c0_i32_0 : i32, i32
  }
  func.func @transform_4(%arg0: i32) -> (i32, i32) {
    %c0_i32 = arith.constant 0 : i32
    %c0_i32_0 = arith.constant 0 : i32
    %c0_i32_1 = arith.constant 0 : i32
    return %c0_i32, %c0_i32_0 : i32, i32
  }
  func.func @transform_5(%arg0: i32) -> (i32, i32) {
    %c0_i32 = arith.constant 0 : i32
    %c0_i32_0 = arith.constant 0 : i32
    return %arg0, %c0_i32 : i32, i32
  }
}

module attributes {stable_mosaic.version = 14 : i64} {
  func.func @_ab_body(%arg0: memref<10000x64xf32, #tpu.memory_space<vmem>>, %arg1: memref<10000x3xf32, #tpu.memory_space<vmem>>, %arg2: memref<64x64xf32, #tpu.memory_space<vmem>>, %arg3: memref<3x64xf32, #tpu.memory_space<vmem>>, %arg4: memref<10000x64xf32, #tpu.memory_space<vmem>>, %arg5: memref<10000x64xf32, #tpu.memory_space<vmem>>) attributes {dimension_semantics = [], scalar_prefetch = 0 : i64, scratch_operands = 0 : i64, tpu.core_type = #tpu.core_type<tc>} {
    %get3A = arith.constant 0 : index
    %get3A_0 = arith.constant 0 : index
    %get3A_1 = vector.load %arg1[%get3A, %get3A_0] : memref<10000x3xf32, #tpu.memory_space<vmem>>, vector<10000x3xf32>
    %get3A_2 = arith.constant 0 : index
    %get3A_3 = arith.constant 0 : index
    %get3A_4 = vector.load %arg3[%get3A_2, %get3A_3] : memref<3x64xf32, #tpu.memory_space<vmem>>, vector<3x64xf32>
    %dot_general3A = arith.constant dense<0.000000e+00> : vector<10000x64xf32>
    %dot_general3A_5 = tpu.matmul %get3A_1, %get3A_4, %dot_general3A {dimension_numbers = #tpu.dot_dimension_numbers<[1], [0], [0], [1], [0, 0, 1, 1], [], []>, transpose_lhs_hint = false} : vector<10000x3xf32>, vector<3x64xf32>, vector<10000x64xf32> -> vector<10000x64xf32>
    %get3A_6 = arith.constant 0 : index
    %get3A_7 = arith.constant 0 : index
    %get3A_8 = vector.load %arg0[%get3A_6, %get3A_7] : memref<10000x64xf32, #tpu.memory_space<vmem>>, vector<10000x64xf32>
    %get3A_9 = arith.constant 0 : index
    %get3A_10 = arith.constant 0 : index
    %get3A_11 = vector.load %arg2[%get3A_9, %get3A_10] : memref<64x64xf32, #tpu.memory_space<vmem>>, vector<64x64xf32>
    %dot_general3A_12 = arith.constant dense<0.000000e+00> : vector<10000x64xf32>
    %dot_general3A_13 = tpu.matmul %get3A_8, %get3A_11, %dot_general3A_12 {dimension_numbers = #tpu.dot_dimension_numbers<[1], [0], [0], [1], [0, 0, 1, 1], [], []>, transpose_lhs_hint = false} : vector<10000x64xf32>, vector<64x64xf32>, vector<10000x64xf32> -> vector<10000x64xf32>
    %add3A = arith.addf %dot_general3A_13, %dot_general3A_5 : vector<10000x64xf32>
    %swap3A = arith.constant 0 : index
    %swap3A_14 = arith.constant 0 : index
    %swap3A_15 = vector.load %arg4[%swap3A, %swap3A_14] : memref<10000x64xf32, #tpu.memory_space<vmem>>, vector<10000x64xf32>
    tpu.vector_store %arg4[%swap3A, %swap3A_14], %add3A {strides = array<i32>} : memref<10000x64xf32, #tpu.memory_space<vmem>>, vector<10000x64xf32>,
    %swap3A_16 = arith.constant 0 : index
    %swap3A_17 = arith.constant 0 : index
    %swap3A_18 = vector.load %arg5[%swap3A_16, %swap3A_17] : memref<10000x64xf32, #tpu.memory_space<vmem>>, vector<10000x64xf32>
    tpu.vector_store %arg5[%swap3A_16, %swap3A_17], %dot_general3A_5 {strides = array<i32>} : memref<10000x64xf32, #tpu.memory_space<vmem>>, vector<10000x64xf32>,
    return
  }
}

module attributes {stable_mosaic.version = 14 : i64} {
  func.func @_ab_body(%arg0: memref<10000x64xf32, #tpu.memory_space<vmem>>, %arg1: memref<10000x3xf32, #tpu.memory_space<vmem>>, %arg2: memref<64x128xf32, #tpu.memory_space<vmem>>, %arg3: memref<3x128xf32, #tpu.memory_space<vmem>>, %arg4: memref<10000x128xf32, #tpu.memory_space<vmem>>, %arg5: memref<10000x128xf32, #tpu.memory_space<vmem>>) attributes {dimension_semantics = [], scalar_prefetch = 0 : i64, scratch_operands = 0 : i64, tpu.core_type = #tpu.core_type<tc>} {
    %get3A = arith.constant 0 : index
    %get3A_0 = arith.constant 0 : index
    %get3A_1 = vector.load %arg1[%get3A, %get3A_0] : memref<10000x3xf32, #tpu.memory_space<vmem>>, vector<10000x3xf32>
    %get3A_2 = arith.constant 0 : index
    %get3A_3 = arith.constant 0 : index
    %get3A_4 = vector.load %arg3[%get3A_2, %get3A_3] : memref<3x128xf32, #tpu.memory_space<vmem>>, vector<3x128xf32>
    %dot_general3A = arith.constant dense<0.000000e+00> : vector<10000x128xf32>
    %dot_general3A_5 = tpu.matmul %get3A_1, %get3A_4, %dot_general3A {dimension_numbers = #tpu.dot_dimension_numbers<[1], [0], [0], [1], [0, 0, 1, 1], [], []>, transpose_lhs_hint = false} : vector<10000x3xf32>, vector<3x128xf32>, vector<10000x128xf32> -> vector<10000x128xf32>
    %get3A_6 = arith.constant 0 : index
    %get3A_7 = arith.constant 0 : index
    %get3A_8 = vector.load %arg0[%get3A_6, %get3A_7] : memref<10000x64xf32, #tpu.memory_space<vmem>>, vector<10000x64xf32>
    %get3A_9 = arith.constant 0 : index
    %get3A_10 = arith.constant 0 : index
    %get3A_11 = vector.load %arg2[%get3A_9, %get3A_10] : memref<64x128xf32, #tpu.memory_space<vmem>>, vector<64x128xf32>
    %dot_general3A_12 = arith.constant dense<0.000000e+00> : vector<10000x128xf32>
    %dot_general3A_13 = tpu.matmul %get3A_8, %get3A_11, %dot_general3A_12 {dimension_numbers = #tpu.dot_dimension_numbers<[1], [0], [0], [1], [0, 0, 1, 1], [], []>, transpose_lhs_hint = false} : vector<10000x64xf32>, vector<64x128xf32>, vector<10000x128xf32> -> vector<10000x128xf32>
    %add3A = arith.addf %dot_general3A_13, %dot_general3A_5 : vector<10000x128xf32>
    %swap3A = arith.constant 0 : index
    %swap3A_14 = arith.constant 0 : index
    %swap3A_15 = vector.load %arg4[%swap3A, %swap3A_14] : memref<10000x128xf32, #tpu.memory_space<vmem>>, vector<10000x128xf32>
    tpu.vector_store %arg4[%swap3A, %swap3A_14], %add3A {strides = array<i32>} : memref<10000x128xf32, #tpu.memory_space<vmem>>, vector<10000x128xf32>,
    %swap3A_16 = arith.constant 0 : index
    %swap3A_17 = arith.constant 0 : index
    %swap3A_18 = vector.load %arg5[%swap3A_16, %swap3A_17] : memref<10000x128xf32, #tpu.memory_space<vmem>>, vector<10000x128xf32>
    tpu.vector_store %arg5[%swap3A_16, %swap3A_17], %dot_general3A_5 {strides = array<i32>} : memref<10000x128xf32, #tpu.memory_space<vmem>>, vector<10000x128xf32>,
    return
  }
}

module attributes {stable_mosaic.version = 14 : i64} {
  func.func @_conv_body(%arg0: i32, %arg1: memref<16x400x128xf32, #tpu.memory_space<vmem>>, %arg2: memref<400x128xf32, #tpu.memory_space<vmem>>, %arg3: memref<128x128xf32, #tpu.memory_space<vmem>>, %arg4: memref<128x128xf32, #tpu.memory_space<vmem>>, %arg5: memref<8x128xf32, #tpu.memory_space<vmem>>, %arg6: memref<400x128xf32, #tpu.memory_space<vmem>>) attributes {dimension_semantics = [#tpu.dimension_semantics<arbitrary>], iteration_bounds = array<i64: 25>, scalar_prefetch = 0 : i64, scratch_operands = 0 : i64, tpu.core_type = #tpu.core_type<tc>, window_params = [{transform_indices = @transform_0, window_bounds = array<i64: 16, 400, 128>}, {transform_indices = @transform_1, window_bounds = array<i64: 400, 128>}, {pipeline_mode = #tpu.pipeline_mode<synchronous>, transform_indices = @transform_2, window_bounds = array<i64: 128, 128>}, {pipeline_mode = #tpu.pipeline_mode<synchronous>, transform_indices = @transform_3, window_bounds = array<i64: 128, 128>}, {pipeline_mode = #tpu.pipeline_mode<synchronous>, transform_indices = @transform_4, window_bounds = array<i64: 8, 128>}, {transform_indices = @transform_5, window_bounds = array<i64: 400, 128>}]} {
    %get3A = arith.constant 0 : index
    %get3A_0 = arith.constant 0 : index
    %get3A_1 = vector.load %arg5[%get3A, %get3A_0] : memref<8x128xf32, #tpu.memory_space<vmem>>, vector<1x128xf32>
    %get3A_2 = arith.constant 1 : index
    %get3A_3 = arith.constant 0 : index
    %get3A_4 = vector.load %arg5[%get3A_2, %get3A_3] : memref<8x128xf32, #tpu.memory_space<vmem>>, vector<1x128xf32>
    %get3A_5 = arith.constant 2 : index
    %get3A_6 = arith.constant 0 : index
    %get3A_7 = vector.load %arg5[%get3A_5, %get3A_6] : memref<8x128xf32, #tpu.memory_space<vmem>>, vector<1x128xf32>
    %get3A_8 = arith.constant 3 : index
    %get3A_9 = arith.constant 0 : index
    %get3A_10 = vector.load %arg5[%get3A_8, %get3A_9] : memref<8x128xf32, #tpu.memory_space<vmem>>, vector<1x128xf32>
    %get3A_11 = arith.constant 0 : index
    %get3A_12 = arith.constant 0 : index
    %get3A_13 = vector.load %arg4[%get3A_11, %get3A_12] : memref<128x128xf32, #tpu.memory_space<vmem>>, vector<128x128xf32>
    %get3A_14 = arith.constant 0 : index
    %get3A_15 = arith.constant 0 : index
    %get3A_16 = arith.constant 0 : index
    %get3A_17 = vector.load %arg1[%get3A_14, %get3A_15, %get3A_16] : memref<16x400x128xf32, #tpu.memory_space<vmem>>, vector<16x400x128xf32>
    %get3A_18 = arith.constant 0 : index
    %get3A_19 = arith.constant 0 : index
    %get3A_20 = vector.load %arg2[%get3A_18, %get3A_19] : memref<400x128xf32, #tpu.memory_space<vmem>>, vector<400x128xf32>
    %broadcast_in_dim3A = vector.shape_cast %get3A_20 : vector<400x128xf32> to vector<1x400x128xf32>
    %sub3A = vector.broadcast %broadcast_in_dim3A : vector<1x400x128xf32> to vector<16x400x128xf32>
    %sub3A_21 = arith.subf %get3A_17, %sub3A : vector<16x400x128xf32>
    %reshape3A = vector.shape_cast %sub3A_21 : vector<16x400x128xf32> to vector<6400x128xf32>
    %add3A = vector.broadcast %get3A_1 : vector<1x128xf32> to vector<6400x128xf32>
    %add3A_22 = arith.addf %reshape3A, %add3A : vector<6400x128xf32>
    %dot_general3A = arith.constant dense<0.000000e+00> : vector<6400x128xf32>
    %dot_general3A_23 = tpu.matmul %add3A_22, %get3A_13, %dot_general3A {dimension_numbers = #tpu.dot_dimension_numbers<[1], [0], [0], [1], [0, 0, 1, 1], [], []>, transpose_lhs_hint = false} : vector<6400x128xf32>, vector<128x128xf32>, vector<6400x128xf32> -> vector<6400x128xf32>
    %sub3A_24 = arith.subf %add3A_22, %dot_general3A_23 : vector<6400x128xf32>
    %mul3A = arith.mulf %sub3A_24, %sub3A_24 : vector<6400x128xf32>
    %dot_general3A_25 = arith.constant dense<0.000000e+00> : vector<6400x128xf32>
    %dot_general3A_26 = tpu.matmul %mul3A, %get3A_13, %dot_general3A_25 {dimension_numbers = #tpu.dot_dimension_numbers<[1], [0], [0], [1], [0, 0, 1, 1], [], []>, transpose_lhs_hint = false} : vector<6400x128xf32>, vector<128x128xf32>, vector<6400x128xf32> -> vector<6400x128xf32>
    %add3A_27 = arith.constant 9.99999974E-6 : f32
    %add3A_28 = vector.broadcast %add3A_27 : f32 to vector<6400x128xf32>
    %add3A_29 = arith.addf %dot_general3A_26, %add3A_28 : vector<6400x128xf32>
    %sqrt3A = math.sqrt %add3A_29 : vector<6400x128xf32>
    %div3A = arith.divf %sub3A_24, %sqrt3A : vector<6400x128xf32>
    %mul3A_30 = vector.broadcast %get3A_4 : vector<1x128xf32> to vector<6400x128xf32>
    %mul3A_31 = arith.mulf %div3A, %mul3A_30 : vector<6400x128xf32>
    %add3A_32 = vector.broadcast %get3A_7 : vector<1x128xf32> to vector<6400x128xf32>
    %add3A_33 = arith.addf %mul3A_31, %add3A_32 : vector<6400x128xf32>
    %max3A = arith.constant 0.000000e+00 : f32
    %max3A_34 = vector.broadcast %max3A : f32 to vector<6400x128xf32>
    %max3A_35 = arith.maximumf %add3A_33, %max3A_34 : vector<6400x128xf32>
    %get3A_36 = arith.constant 0 : index
    %get3A_37 = arith.constant 0 : index
    %get3A_38 = vector.load %arg3[%get3A_36, %get3A_37] : memref<128x128xf32, #tpu.memory_space<vmem>>, vector<128x128xf32>
    %dot_general3A_39 = arith.constant dense<0.000000e+00> : vector<6400x128xf32>
    %dot_general3A_40 = tpu.matmul %max3A_35, %get3A_38, %dot_general3A_39 {dimension_numbers = #tpu.dot_dimension_numbers<[1], [0], [0], [1], [0, 0, 1, 1], [], []>, transpose_lhs_hint = false} : vector<6400x128xf32>, vector<128x128xf32>, vector<6400x128xf32> -> vector<6400x128xf32>
    %reshape3A_41 = vector.shape_cast %dot_general3A_40 : vector<6400x128xf32> to vector<16x400x128xf32>
    %reduce_max3A = arith.constant dense<0xFF800000> : vector<400x128xf32>
    %reduce_max3A_42 = vector.multi_reduction <maximumf>, %reshape3A_41, %reduce_max3A [0] : vector<16x400x128xf32> to vector<400x128xf32>
    %add3A_43 = vector.broadcast %get3A_10 : vector<1x128xf32> to vector<400x128xf32>
    %add3A_44 = arith.addf %reduce_max3A_42, %add3A_43 : vector<400x128xf32>
    %max3A_45 = arith.constant 0.000000e+00 : f32
    %max3A_46 = vector.broadcast %max3A_45 : f32 to vector<400x128xf32>
    %max3A_47 = arith.maximumf %add3A_44, %max3A_46 : vector<400x128xf32>
    %swap3A = arith.constant 0 : index
    %swap3A_48 = arith.constant 0 : index
    %swap3A_49 = vector.load %arg6[%swap3A, %swap3A_48] : memref<400x128xf32, #tpu.memory_space<vmem>>, vector<400x128xf32>
    tpu.vector_store %arg6[%swap3A, %swap3A_48], %max3A_47 {strides = array<i32>} : memref<400x128xf32, #tpu.memory_space<vmem>>, vector<400x128xf32>,
    return
  }
  func.func @transform_0(%arg0: i32) -> (i32, i32, i32) {
    %c0_i32 = arith.constant 0 : i32
    %c0_i32_0 = arith.constant 0 : i32
    %c0_i32_1 = arith.constant 0 : i32
    return %c0_i32, %arg0, %c0_i32_0 : i32, i32, i32
  }
  func.func @transform_1(%arg0: i32) -> (i32, i32) {
    %c0_i32 = arith.constant 0 : i32
    %c0_i32_0 = arith.constant 0 : i32
    return %arg0, %c0_i32 : i32, i32
  }
  func.func @transform_2(%arg0: i32) -> (i32, i32) {
    %c0_i32 = arith.constant 0 : i32
    %c0_i32_0 = arith.constant 0 : i32
    %c0_i32_1 = arith.constant 0 : i32
    return %c0_i32, %c0_i32_0 : i32, i32
  }
  func.func @transform_3(%arg0: i32) -> (i32, i32) {
    %c0_i32 = arith.constant 0 : i32
    %c0_i32_0 = arith.constant 0 : i32
    %c0_i32_1 = arith.constant 0 : i32
    return %c0_i32, %c0_i32_0 : i32, i32
  }
  func.func @transform_4(%arg0: i32) -> (i32, i32) {
    %c0_i32 = arith.constant 0 : i32
    %c0_i32_0 = arith.constant 0 : i32
    %c0_i32_1 = arith.constant 0 : i32
    return %c0_i32, %c0_i32_0 : i32, i32
  }
  func.func @transform_5(%arg0: i32) -> (i32, i32) {
    %c0_i32 = arith.constant 0 : i32
    %c0_i32_0 = arith.constant 0 : i32
    return %arg0, %c0_i32 : i32, i32
  }
}

</mosaic_0001>

<sc_bundles>
// kernel: kernel.14.cloned.1.call-start
scs
__scs_entry_jumppad:
0x0: {  	(pc) =	sbr.rel $0x88, $3  }
0x1: {  	(tag) =	ssettag $0x0;
	lr =	simm.s32 $0x1  }
0x2: {  	[smem:$0x3F8D] =	sst lr;
	_ =	strace $0xD0000000  }
0x3: {  	_ = 	snop  }
0x4: {  	_ = 	snop  }
0x5: {  	_ = 	snop  }
0x6: {  	_ = 	snop  }
0x7: {  	_ = 	snop  }
__scs_overlays_trampoline_lowered:
0x8: {  	[smem:$0x3F9C] =	sst s0  }
0x9: {  	[smem:$0x3F9D] =	sst s1  }
0xa: {  	[smem:$0x3F9E] =	sst s2  }
0xb: {  	[smem:$0x3F9F] =	sst s3  }
0xc: {  	[smem:$0x3FA0] =	sst s4  }
0xd: {  	[smem:$0x3FA1] =	sst s5  }
0xe: {  	[smem:$0x3FA2] =	sst s6  }
0xf: {  	[smem:$0x3FA3] =	sst s7  }
0x10: {  	[smem:$0x3FA4] =	sst s8  }
0x11: {  	[smem:$0x3FA5] =	sst s9;
	s0 =	simm.s32 @!p0 $0x0  }
0x12: {  	s1 =	sld [smem:$0x3F8B];
	s0 =	simm.s32 @p0 $0x1  }
0x13: {  	[smem:$0x3FA6] =	sst s0;
	s0 =	simm.s32 @!p1 $0x0  }
0x14: {  	s2 =	sld [smem:$0x3F8A];
	s0 =	simm.s32 @p1 $0x1  }
0x15: {  	[smem:$0x3FA7] =	sst s0;
	s0 =	simm.s32 @!p2 $0x0  }
0x16: {  	s3 =	sld [smem:$0x3FDB];
	s0 =	simm.s32 @p2 $0x1  }
0x17: {  	s4 =	simm.s32 $0x1BF5;
	[smem:$0x3FA9] =	sst s0  }
0x18: {  	s0 =	sld [smem:$0x3F8C];
	_ =	swait.ge [sflag:s4], $0x0  }
0x19: {  	s7 =	sld [smem:$0x3F8D]  }
0x1a: {  	s8 =	sadd.s32 $0xFFFFE003, lr  }
0x1b: {  	s9 =	sadd.s32 $0xFFFFFEF7, lr;
	s5 =	simm.s32 $0xFFFFFFFF;
	p2 =	slt.u32 s8, $0xFFFFF086  }
0x1c: {  	p1 =	slt.u32 s9, $0xF7A;
	s5 =	simm.s32 @!p2 $0x0  }
0x1d: {  	s5 =	simm.s32 @p1 $0x1;
	p0 =	seq.s32 s7, s2  }
0x1e: {  	s7 =	smul.u32 @!p0 $0xF7A, s2;
	p2 =	seq.s32 @!p0 s5, $0x0  }
0x1f: {  	s9 =	smul.u32 $0xF7A, s1;
	s8 =	simm.s32 @!p0 $0x1BF5;
	p2 =	por !p2, p0  }
0x20: {  	[sflag:s8] =	ssyncset.s32 @!p0 $0xFFFFF086;
	s6 =	sadd.s32 @!p0 s3, s7;
	s7 =	simm.s32 @!p0 $0x108  }
0x21: {  	s3 =	sadd.s32 s3, s9;
	s6 =	sadd.s32 @!p0 $0x88, s6;
	s7 =	simm.s32 @p2 $0x1082  }
0x22: {  	[simem:s7], [sflag:s8] =	dma.local @!p0 [hbm:s6], $0xF7A  }
0x23: {  	s9 =	sor.u32 $0xD0000000, s2;
	s6 =	simm.s32 $0x108;
	_ =	swait.ge @!p0 [sflag:s8], $0x0  }
0x24: {  	s3 =	sadd.s32 $0x88, s3;
	s6 =	simm.s32 @!p1 $0x1082;
	[sflag:s4] =	ssyncset.s32 $0xFFFFF086  }
0x25: {  	[simem:s6], [sflag:s4] =	dma.local [hbm:s3], $0xF7A  }
0x26: {  	[smem:$0x3F8D] =	sst s1;
	(tag) =	ssettag s2;
	_ =	strace s9  }
0x27: {  	s1 =	sld [smem:$0x3F9D]  }
0x28: {  	s2 =	sld [smem:$0x3F9E]  }
0x29: {  	s4 =	sld [smem:$0x3FA0]  }
0x2a: {  	p0 =	seq.s32 s5, $0x0;
	s5 =	sld [smem:$0x3FA1]  }
0x2b: {  	s6 =	sld [smem:$0x3FA2]  }
0x2c: {  	s7 =	sld [smem:$0x3FA3]  }
0x2d: {  	s3 =	simm.s32 $0x108;
	s8 =	sld [smem:$0x3FA4]  }
0x2e: {  	s3 =	simm.s32 @!p0 $0x1082;
	s9 =	sld [smem:$0x3FA5]  }
0x2f: {  	lr =	sadd.s32 s0, s3;
	s0 =	sld [smem:$0x3F9C]  }
0x30: {  	s3 =	sld [smem:$0x3F9F]  }
0x31: {  	[smem:$0x3FA8] =	sst s10  }
0x32: {  	s10 =	sld [smem:$0x3FA6];
	_ =	sdelay $0x3  }
0x33: {  	p0 =	seq.s32 s10, $0x1;
	s10 =	sld [smem:$0x3FA8];
	_ =	sdelay $0x3  }
0x34: {  	[smem:$0x3FA8] =	sst s10  }
0x35: {  	s10 =	sld [smem:$0x3FA7];
	_ =	sdelay $0x3  }
0x36: {  	p1 =	seq.s32 s10, $0x1;
	s10 =	sld [smem:$0x3FA8];
	_ =	sdelay $0x3  }
0x37: {  	[smem:$0x3FA8] =	sst s10  }
0x38: {  	s10 =	sld [smem:$0x3FA9]  }
0x39: {  	_ = 	snop;
	(pc) =	sbr.ind lr, $3  }
0x3a: {  	_ = 	snop  }
0x3b: {  	_ = 	snop  }
0x3c: {  	p2 =	seq.s32 s10, $0x1;
	s10 =	sld [smem:$0x3FA8]  }
0x3d: {  	_ =	shalt  }
0x3e: {  	_ =	shalt  }
0x3f: {  	_ =	shalt  }
0x40: {  	_ =	shalt  }
0x41: {  	_ =	shalt  }
0x42: {  	_ =	shalt  }
0x43: {  	_ =	shalt  }
0x44: {  	_ =	shalt  }
0x45: {  	_ =	shalt  }
0x46: {  	_ =	shalt  }
0x47: {  	_ =	shalt  }
0x48: {  	_ =	shalt  }
0x49: {  	_ =	shalt  }
0x4a: {  	_ =	shalt  }
0x4b: {  	_ =	shalt  }
0x4c: {  	_ =	shalt  }
0x4d: {  	_ =	shalt  }
0x4e: {  	_ =	shalt  }
0x4f: {  	_ =	shalt  }
0x50: {  	_ =	shalt  }
0x51: {  	_ =	shalt  }
0x52: {  	_ =	shalt  }
0x53: {  	_ =	shalt  }
0x54: {  	_ =	shalt  }
0x55: {  	_ =	shalt  }
0x56: {  	_ =	shalt  }
0x57: {  	_ =	shalt  }
0x58: {  	_ =	shalt  }
0x59: {  	_ =	shalt  }
0x5a: {  	_ =	shalt  }
0x5b: {  	_ =	shalt  }
0x5c: {  	_ =	shalt  }
0x5d: {  	_ =	shalt  }
0x5e: {  	_ =	shalt  }
0x5f: {  	_ =	shalt  }
0x60: {  	_ =	shalt  }
0x61: {  	_ =	shalt  }
0x62: {  	_ =	shalt  }
0x63: {  	_ =	shalt  }
0x64: {  	_ =	shalt  }
0x65: {  	_ =	shalt  }
0x66: {  	_ =	shalt  }
0x67: {  	_ =	shalt  }
0x68: {  	_ =	shalt  }
0x69: {  	_ =	shalt  }
0x6a: {  	_ =	shalt  }
0x6b: {  	_ =	shalt  }
0x6c: {  	_ =	shalt  }
0x6d: {  	_ =	shalt  }
0x6e: {  	_ =	shalt  }
0x6f: {  	_ =	shalt  }
0x70: {  	_ =	shalt  }
0x71: {  	_ =	shalt  }
0x72: {  	_ =	shalt  }
0x73: {  	_ =	shalt  }
0x74: {  	_ =	shalt  }
0x75: {  	_ =	shalt  }
0x76: {  	_ =	shalt  }
0x77: {  	_ =	shalt  }
0x78: {  	_ =	shalt  }
0x79: {  	_ =	shalt  }
0x7a: {  	_ =	shalt  }
0x7b: {  	_ =	shalt  }
0x7c: {  	_ =	shalt  }
0x7d: {  	_ =	shalt  }
0x7e: {  	_ =	shalt  }
0x7f: {  	_ =	shalt  }
0x80: {  	_ =	shalt  }
0x81: {  	_ =	shalt  }
0x82: {  	_ =	shalt  }
0x83: {  	_ =	shalt  }
0x84: {  	_ =	shalt  }
0x85: {  	_ =	shalt  }
0x86: {  	_ =	shalt  }
0x87: {  	_ =	shalt  }
.Lfunc_end0:
.L_simem_size_0:
called_computation_lowered:
.L_overlay_start_0:
0x88: {  	s2 =	sld [smem:$0x3FD9]  }
0x89: {  	s3 =	sld [smem:$0x3FFE];
	_ =	sdelay $0x1  }
0x8a: {  	s1 =	srdreg.scid  }
0x8b: {  	s0 =	sand.u32 $0x1, s1  }
0x8c: {  	s14 =	sshll.u32 s0, $0xA;
	s2 =	sadd.s32 s3, s2  }
0x8d: {  	s2 =	sadd.s32 s2, s14  }
0x8e: {  	[smem:$0x3FB4] =	sst s2  }
0x8f: {  	_ = 	snop  }
0x90: {  	s2 =	sld [smem:$0x3FD0];
	_ =	sdelay $0x2  }
0x91: {  	s15 =	simm.s32 $0xA;
	s4 =	simm.s32 $0x10  }
0x92: {  	[smem:s4], [sflag:s15] =	dma.local [hbm:s2], $0x1  }
0x93: {  	_ =	swait.eq [sflag:s15], $0x1  }
0x94: {  	[sflag:s15] =	ssyncset.done $0x0  }
0x95: {  	[sflag:s15] =	ssyncadd.s32 $0xFFFFFFFF  }
0x96: {  	s16 =	sld [smem:$0x11];
	(tm) =	ssettm $0x1  }
0x97: {  	s17 =	sld [smem:$0x3FFB];
	_ =	sdelay $0x3  }
0x98: {  	_ =	strace s17  }
0x99: {  	s3 =	sld [smem:$0x3FFC];
	_ =	sdelay $0x3  }
0x9a: {  	_ =	strace s3  }
0x9b: {  	s3 =	sld [smem:$0x3FFD];
	_ =	sdelay $0x3  }
0x9c: {  	_ =	strace s3  }
0x9d: {  	_ =	strace $0x8FFFFFFF  }
0x9e: {  	s18 =	sld [smem:$0x3FDB];
	_ =	sdelay $0x1  }
0x9f: {  	s19 =	simm.s32 $_scs_section_size  }
0xa0: {  	s5 =	simm.s32 $_size__tile_overlayer_lowered;
	s6 =	simm.s32 $_tile_overlayer_lowered  }
0xa1: {  	s22 =	simm.s32 $0x1BFF;
	s21 =	sshll.u32 s6, $0x1;
	s3 =	sadd.s32 s19, s18  }
0xa2: {  	s7 =	simm.s32 $0x0;
	s20 =	sshll.u32 s5, $0x1;
	s5 =	sadd.s32 s21, s3  }
0xa3: {  	[timem:s7], [sflag:s22] =	dma.local [hbm:s5], s20  }
0xa4: {  	_ =	swait.ge [sflag:s22], s20  }
0xa5: {  	s4 =	ssub.s32 $0x0, s20;
	[sflag:s22] =	ssyncset.done $0x0  }
0xa6: {  	[sflag:s22] =	ssyncadd.s32 s4;
	_ =	sdelay $0x1  }
0xa7: {  	s23 =	simm.s32 $0x1B8B  }
0xa8: {  	_ =	swait.ge [sflag:s23], $0x1  }
0xa9: {  	[sflag:s23] =	ssyncset.done $0x0  }
0xaa: {  	s25 =	simm.s32 $0x1B8E;
	s24 =	sld [smem:$0x3FFE];
	[sflag:s23] =	ssyncadd.s32 $0xFFFFFFFF  }
0xab: {  	s26 =	simm.s32 $execute0_lowered;
	[smem:$0x3FD2] =	sst s25  }
0xac: {  	s5 =	sshll.u32 s26, $0x1;
	_ =	strace $0x80000046;
	[dreg:$0x1] =	wrdreg $0xFFFFFFFF  }
0xad: {  	s28 =	simm.s32 $_size_execute0_lowered;
	s3 =	sadd.s32 s3, s5;
	[dreg:$0x0] =	wrdreg $0x0  }
0xae: {  	s5 =	sshll.u32 s28, $0x1;
	[dreg:$0x2] =	wrdreg s3  }
0xaf: {  	[dreg:$0x3] =	wrdreg s5  }
0xb0: {  	[dreg:$0x4] =	wrdreg $0xC0  }
0xb1: {  	_ =	task [dreg:s7], $0x5FFFF  }
0xb2: {  	[dreg:$0x1] =	wrdreg $0xFFFFFFFF  }
0xb3: {  	[dreg:$0x0] =	wrdreg $0x60  }
0xb4: {  	[dreg:$0x2] =	wrdreg s16  }
0xb5: {  	[dreg:$0x3] =	wrdreg s24  }
0xb6: {  	[dreg:$0x4] =	wrdreg $0x9  }
0xb7: {  	_ =	task.clear_ibuf [dreg:s7], $0x5FFFF;
	_ =	strace $0x90000046  }
0xb8: {  	s29 =	simm.s32 $0x9;
	_ =	strace $0x80000048  }
0xb9: {  	_ =	swait.ge [sflag:s29], $0x1  }
0xba: {  	[sflag:s29] =	ssyncadd.s32 $0xFFFFFFFF  }
0xbb: {  	_ =	strace $0x90000048  }
0xbc: {  	_ =	sfence  }
0xbd: {  	s30 =	sld [smem:$0x0];
	_ =	sdelay $0x2  }
0xbe: {  	s31 =	sshll.u32 s1, $0xD;
	s1 =	sshrl.u32 s1, $0x2  }
0xbf: {  	s3 =	sand.u32 $0x4000, s31;
	s1 =	sadd.s32 s1, s30  }
0xc0: {  	s0 =	sor.u32 s3, s0;
	s1 =	sshll.u32 s1, $0x11  }
0xc1: {  	s0 =	sor.u32 s1, s0  }
0xc2: {  	s0 =	sadd.s32 $0x8F2B, s0  }
0xc3: {  	[sflag:s0] =	ssyncadd.remote.s32 $0x1  }
0xc4: {  	_ =	sfence.sel $0xFFFF  }
0xc5: {  	[dreg:$0x0] =	wrdreg $0xFFFFFFFF;
	(pc) =	sbr.abs _section_cstart, $3  }
0xc6: {  	[dreg:$0x1] =	wrdreg $0xFFFFFFFF  }
0xc7: {  	_ =	task.clear_ibuf [dreg:s7], $0x2FFFF;
	_ =	strace $0x9FFFFFFF  }
0xc8: {  	(tm) =	ssettm $0x7FFFFFFF  }
0xc9: {  	_ =	shalt  }
tec
execute0_lowered:
.L_overlay_start_1:
0x0: {  	(tag) =	ssettag $0x1  }
0x1: {  	s4 =	rddreg [dreg:$0x0];
	s1 =	srdreg.scid  }
0x2: {  	s0 =	stileid.u32;
	s5 =	rddreg [dreg:$0x1];
	s2 =	simm.s32 $0x0  }
0x3: {  	s14 =	simm.s32 $0x1;
	s15 =	simm.s32 $0x2;
	s16 =	simm.s32 $0x1380  }
0x4: {  	s17 =	simm.s32 $0x0;
	s7 =	sand.u32 $0x1, s1;
	s10 =	smul.u32 $0x50, s0  }
0x5: {  	s3 =	sshll.u32 s0, $0x1;
	s1 =	rddreg [dreg:$0x2];
	s29 =	smul.u32 $0x28000, s0  }
0x6: {  	[smem:$0x7FF] =	sst s2;
	s13 =	sadd.s32 $0xCAE600, s5;
	s12 =	smul.u32 $0x28, s7  }
0x7: {  	s6 =	sor.u32 s7, s3;
	_ =	strace $0x80000047;
	s30 =	smul.u32 $0x14000, s7  }
0x8: {  	s9 =	ssub.s32 $0x2, s7;
	s3 =	sadd.s32 $0x6600, s5;
	s8 =	smul.u32 $0x280, s6  }
0x9: {  	s11 =	sshrl.u32 s9, $0x1;
	s6 =	smul.u32 $0x14000, s6;
	s31 =	sadd.s32 s29, s13  }
0xa: {  	s25 =	ssub.s32 s9, s11;
	s26 =	sadd.s32 s12, s10;
	s9 =	sadd.s32 s30, s31  }
0xb: {  	s10 =	simm.s32 $0x3;
	s11 =	simm.s32 $0x1400;
	s12 =	simm.s32 $0x80  }
0xc: {  	s4 =	sadd.s32 s4, s8;
	s28 =	sadd.s32 s13, s6;
	s8 =	sshll.u32 s26, $0xB  }
0xd: {  	s5 =	smax.u32 s25, $0x1;
	s6 =	sadd.s32 $0x13000, s28;
	s8 =	sadd.s32 s8, s13  }
0xe: {  	s7 =	sadd.s32 $0x13800, s28;
	s13 =	simm.s32 $0x5400;
	s8 =	sadd.s32 $0x800, s8  }
.LBB2_1:
0xf: {  	[tilespmem:s2], [sflag:$0x3] =	stream.linear.gather [hbm4b:s4+s2], $0x1400, $0x38;
	[tilespmem:$0x9400] =	vst v63  }
0x10: {  	_ =	swait.ge [sflag:s10], $0x1400  }
0x11: {  	[sflag:s10] =	ssyncset.done $0x0  }
0x12: {  	[sflag:s10] =	ssyncadd.s32 $0xFFFFEC00  }
0x13: {  	[tilespmem:s11], [sflag:$0x1] =	stream.indirect.gather [hbm4b:s3+s12], $0x80, s2, s12, $0xb8;
	[tilespmem:$0x9400] =	vst v63  }
0x14: {  	_ = 	snop  }
0x15: {  	[tilespmem:s13], [sflag:$0x2] =	stream.indirect.gather [hbm4b:s3+s12], $0x80, s12, s12, $0xb8;
	[tilespmem:$0x9400] =	vst v63  }
0x16: {  	_ =	swait.ge [sflag:s14], $0x4000  }
0x17: {  	[sflag:s14] =	ssyncset.done $0x0  }
0x18: {  	s18 =	sadd.s32 $0x0, s9;
	[sflag:s14] =	ssyncadd.s32 $0xFFFFC000  }
0x19: {  	[hbm4b:s18+s2] =	stream.linear.scatter [tilespmem:s11], [sflag:$0x3], $0x4000, $0x38;
	[tilespmem:$0x9400] =	vst v63  }
0x1a: {  	_ =	swait.ge [sflag:s10], $0x4000  }
0x1b: {  	[sflag:s10] =	ssyncset.done $0x0  }
0x1c: {  	s30 =	simm.s32 $0x100;
	[sflag:s10] =	ssyncadd.s32 $0xFFFFC000  }
0x1d: {  	[tilespmem:s11], [sflag:$0x1] =	stream.indirect.gather [hbm4b:s3+s12], $0x80, s30, s12, $0xb8;
	[tilespmem:$0x9400] =	vst v63  }
0x1e: {  	_ =	swait.ge [sflag:s15], $0x4000  }
0x1f: {  	[sflag:s15] =	ssyncset.done $0x0  }
0x20: {  	s31 =	sadd.s32 $0x0, s8;
	[sflag:s15] =	ssyncadd.s32 $0xFFFFC000  }
0x21: {  	[hbm4b:s31+s2] =	stream.linear.scatter [tilespmem:s13], [sflag:$0x3], $0x4000, $0x38;
	[tilespmem:$0x9400] =	vst v63  }
0x22: {  	_ =	swait.ge [sflag:s10], $0x4000  }
0x23: {  	s19 =	simm.s32 $0x80;
	s18 =	simm.s32 $0x1000;
	[sflag:s10] =	ssyncset.done $0x0  }
.LBB2_2:
0x24: {  	p0 =	sne.s32 s18, $0x12000;
	[sflag:s10] =	ssyncadd.s32 $0xFFFFC000;
	s19 =	sadd.s32 $0x100, s19  }
0x25: {  	[tilespmem:s13], [sflag:$0x2] =	stream.indirect.gather [hbm4b:s3+s12], $0x80, s19, s12, $0xb8;
	[tilespmem:$0x9400] =	vst v63  }
0x26: {  	s20 =	smov.u32 s18;
	s18 =	sadd.s32 $0x1000, s18;
	_ =	swait.ge [sflag:s14], $0x4000  }
0x27: {  	[sflag:s14] =	ssyncset.done $0x0  }
0x28: {  	s21 =	sadd.s32 s20, s9;
	[sflag:s14] =	ssyncadd.s32 $0xFFFFC000  }
0x29: {  	[hbm4b:s21+s2] =	stream.linear.scatter [tilespmem:s11], [sflag:$0x3], $0x4000, $0x38;
	[tilespmem:$0x9400] =	vst v63  }
0x2a: {  	_ =	swait.ge [sflag:s10], $0x4000  }
0x2b: {  	[sflag:s10] =	ssyncset.done $0x0  }
0x2c: {  	s21 =	sadd.s32 $0x80, s19;
	[sflag:s10] =	ssyncadd.s32 $0xFFFFC000  }
0x2d: {  	[tilespmem:s11], [sflag:$0x1] =	stream.indirect.gather [hbm4b:s3+s12], $0x80, s21, s12, $0xb8;
	[tilespmem:$0x9400] =	vst v63  }
0x2e: {  	_ =	swait.ge [sflag:s15], $0x4000  }
.Ltmp0:
0x2f: {  	[sflag:s15] =	ssyncset.done $0x0;
	(pc) =	sbr.rel @p0 .LBB2_2-.Ltmp0, $4  }
0x30: {  	s20 =	sadd.s32 s20, s8;
	[sflag:s15] =	ssyncadd.s32 $0xFFFFC000  }
0x31: {  	[hbm4b:s20+s2] =	stream.linear.scatter [tilespmem:s13], [sflag:$0x3], $0x4000, $0x38;
	[tilespmem:$0x9400] =	vst v63  }
0x32: {  	_ =	swait.ge [sflag:s10], $0x4000  }
0x33: {  	[sflag:s10] =	ssyncset.done $0x0  }
0x34: {  	[sflag:s10] =	ssyncadd.s32 $0xFFFFC000  }
0x35: {  	[tilespmem:s13], [sflag:$0x2] =	stream.indirect.gather [hbm4b:s3+s12], $0x80, s16, s12, $0xb8;
	[tilespmem:$0x9400] =	vst v63  }
0x36: {  	_ =	swait.ge [sflag:s14], $0x4000  }
0x37: {  	[sflag:s14] =	ssyncset.done $0x0  }
0x38: {  	[sflag:s14] =	ssyncadd.s32 $0xFFFFC000  }
0x39: {  	[hbm4b:s6+s2] =	stream.linear.scatter [tilespmem:s11], [sflag:$0x3], $0x4000, $0x38;
	[tilespmem:$0x9400] =	vst v63  }
0x3a: {  	_ =	swait.ge [sflag:s10], $0x4000  }
0x3b: {  	[sflag:s10] =	ssyncset.done $0x0  }
0x3c: {  	[sflag:s10] =	ssyncadd.s32 $0xFFFFC000  }
0x3d: {  	s17 =	sadd.s32 $0x1, s17;
	_ =	swait.ge [sflag:s15], $0x4000  }
0x3e: {  	p0 =	sne.s32 s17, s5;
	[sflag:s15] =	ssyncset.done $0x0  }
.Ltmp1:
0x3f: {  	[sflag:s15] =	ssyncadd.s32 $0xFFFFC000;
	(pc) =	sbr.rel @p0 .LBB2_1-.Ltmp1, $4  }
0x40: {  	[hbm4b:s7+s2] =	stream.linear.scatter [tilespmem:s13], [sflag:$0x3], $0x4000, $0x38;
	[tilespmem:$0x9400] =	vst v63  }
0x41: {  	_ =	swait.ge [sflag:s10], $0x4000  }
0x42: {  	[sflag:s10] =	ssyncset.done $0x0  }
0x43: {  	[sflag:s10] =	ssyncadd.s32 $0xFFFFC000  }
0x44: {  	_ =	sfence.sel $0x180000  }
0x45: {  	[bflag:$0x0] =	sbarrier.arrive $0xFFFF  }
0x46: {  	p0 =	sne.s32 s0, $0x0;
	_ =	strace $0x90000047  }
0x47: {  	s0 =	sadd.s32 @!p0 $0x100000, s1;
	[bflag:$0x2] =	sbarrier.arrive $0xFFFF  }
0x48: {  	[sflag:s0] =	ssyncadd.tile.s32 @!p0 $0x1;
	_ =	shalt  }
.Lfunc_end2:
_tile_overlayer_lowered:
.L_overlay_start_2:
0x49: {  	(tag) =	ssettag $0x2  }
0x4a: {  	s0 =	rddreg [dreg:$0x0];
	s2 =	stileid.u32  }
0x4b: {  	s1 =	rddreg [dreg:$0x1];
	p0 =	sne.s32 s2, $0x0  }
0x4c: {  	s3 =	rddreg [dreg:$0x2];
	[bflag:$0x3] =	sbarrier.arrive $0xFFFF;
	s2 =	simm.s32 @!p0 $0x1C03  }
0x4d: {  	[timem:s3], [sflag:s2] =	dma.local @!p0 [hbm:s0], s1  }
0x4e: {  	s0 =	simm.s32 @!p0 $0x3  }
0x4f: {  	_ =	swait.ge @!p0 [sflag:s0], s1  }
0x50: {  	s1 =	ssub.s32 @!p0 $0x0, s1;
	[sflag:s0] =	ssyncset.done @!p0 $0x0  }
0x51: {  	[sflag:s0] =	ssyncadd.s32 @!p0 s1  }
0x52: {  	[bflag:$0x3] =	sbarrier.arrive $0xFFFF  }
0x53: {  	_ =	shalt  }

// kernel: kernel.17.cloned.1.call-start
scs
__scs_entry_jumppad:
0x0: {  	(pc) =	sbr.rel $0x88, $3  }
0x1: {  	(tag) =	ssettag $0x0;
	lr =	simm.s32 $0x1  }
0x2: {  	[smem:$0x3F8D] =	sst lr;
	_ =	strace $0xD0000000  }
0x3: {  	_ = 	snop  }
0x4: {  	_ = 	snop  }
0x5: {  	_ = 	snop  }
0x6: {  	_ = 	snop  }
0x7: {  	_ = 	snop  }
__scs_overlays_trampoline_lowered:
0x8: {  	[smem:$0x3F9C] =	sst s0  }
0x9: {  	[smem:$0x3F9D] =	sst s1  }
0xa: {  	[smem:$0x3F9E] =	sst s2  }
0xb: {  	[smem:$0x3F9F] =	sst s3  }
0xc: {  	[smem:$0x3FA0] =	sst s4  }
0xd: {  	[smem:$0x3FA1] =	sst s5  }
0xe: {  	[smem:$0x3FA2] =	sst s6  }
0xf: {  	[smem:$0x3FA3] =	sst s7  }
0x10: {  	[smem:$0x3FA4] =	sst s8  }
0x11: {  	[smem:$0x3FA5] =	sst s9;
	s0 =	simm.s32 @!p0 $0x0  }
0x12: {  	s1 =	sld [smem:$0x3F8B];
	s0 =	simm.s32 @p0 $0x1  }
0x13: {  	[smem:$0x3FA6] =	sst s0;
	s0 =	simm.s32 @!p1 $0x0  }
0x14: {  	s2 =	sld [smem:$0x3F8A];
	s0 =	simm.s32 @p1 $0x1  }
0x15: {  	[smem:$0x3FA7] =	sst s0;
	s0 =	simm.s32 @!p2 $0x0  }
0x16: {  	s3 =	sld [smem:$0x3FDB];
	s0 =	simm.s32 @p2 $0x1  }
0x17: {  	s4 =	simm.s32 $0x1BF5;
	[smem:$0x3FA9] =	sst s0  }
0x18: {  	s0 =	sld [smem:$0x3F8C];
	_ =	swait.ge [sflag:s4], $0x0  }
0x19: {  	s7 =	sld [smem:$0x3F8D]  }
0x1a: {  	s8 =	sadd.s32 $0xFFFFE003, lr  }
0x1b: {  	s9 =	sadd.s32 $0xFFFFFEF7, lr;
	s5 =	simm.s32 $0xFFFFFFFF;
	p2 =	slt.u32 s8, $0xFFFFF086  }
0x1c: {  	p1 =	slt.u32 s9, $0xF7A;
	s5 =	simm.s32 @!p2 $0x0  }
0x1d: {  	s5 =	simm.s32 @p1 $0x1;
	p0 =	seq.s32 s7, s2  }
0x1e: {  	s7 =	smul.u32 @!p0 $0xF7A, s2;
	p2 =	seq.s32 @!p0 s5, $0x0  }
0x1f: {  	s9 =	smul.u32 $0xF7A, s1;
	s8 =	simm.s32 @!p0 $0x1BF5;
	p2 =	por !p2, p0  }
0x20: {  	[sflag:s8] =	ssyncset.s32 @!p0 $0xFFFFF086;
	s6 =	sadd.s32 @!p0 s3, s7;
	s7 =	simm.s32 @!p0 $0x108  }
0x21: {  	s3 =	sadd.s32 s3, s9;
	s6 =	sadd.s32 @!p0 $0x88, s6;
	s7 =	simm.s32 @p2 $0x1082  }
0x22: {  	[simem:s7], [sflag:s8] =	dma.local @!p0 [hbm:s6], $0xF7A  }
0x23: {  	s9 =	sor.u32 $0xD0000000, s2;
	s6 =	simm.s32 $0x108;
	_ =	swait.ge @!p0 [sflag:s8], $0x0  }
0x24: {  	s3 =	sadd.s32 $0x88, s3;
	s6 =	simm.s32 @!p1 $0x1082;
	[sflag:s4] =	ssyncset.s32 $0xFFFFF086  }
0x25: {  	[simem:s6], [sflag:s4] =	dma.local [hbm:s3], $0xF7A  }
0x26: {  	[smem:$0x3F8D] =	sst s1;
	(tag) =	ssettag s2;
	_ =	strace s9  }
0x27: {  	s1 =	sld [smem:$0x3F9D]  }
0x28: {  	s2 =	sld [smem:$0x3F9E]  }
0x29: {  	s4 =	sld [smem:$0x3FA0]  }
0x2a: {  	p0 =	seq.s32 s5, $0x0;
	s5 =	sld [smem:$0x3FA1]  }
0x2b: {  	s6 =	sld [smem:$0x3FA2]  }
0x2c: {  	s7 =	sld [smem:$0x3FA3]  }
0x2d: {  	s3 =	simm.s32 $0x108;
	s8 =	sld [smem:$0x3FA4]  }
0x2e: {  	s3 =	simm.s32 @!p0 $0x1082;
	s9 =	sld [smem:$0x3FA5]  }
0x2f: {  	lr =	sadd.s32 s0, s3;
	s0 =	sld [smem:$0x3F9C]  }
0x30: {  	s3 =	sld [smem:$0x3F9F]  }
0x31: {  	[smem:$0x3FA8] =	sst s10  }
0x32: {  	s10 =	sld [smem:$0x3FA6];
	_ =	sdelay $0x3  }
0x33: {  	p0 =	seq.s32 s10, $0x1;
	s10 =	sld [smem:$0x3FA8];
	_ =	sdelay $0x3  }
0x34: {  	[smem:$0x3FA8] =	sst s10  }
0x35: {  	s10 =	sld [smem:$0x3FA7];
	_ =	sdelay $0x3  }
0x36: {  	p1 =	seq.s32 s10, $0x1;
	s10 =	sld [smem:$0x3FA8];
	_ =	sdelay $0x3  }
0x37: {  	[smem:$0x3FA8] =	sst s10  }
0x38: {  	s10 =	sld [smem:$0x3FA9]  }
0x39: {  	_ = 	snop;
	(pc) =	sbr.ind lr, $3  }
0x3a: {  	_ = 	snop  }
0x3b: {  	_ = 	snop  }
0x3c: {  	p2 =	seq.s32 s10, $0x1;
	s10 =	sld [smem:$0x3FA8]  }
0x3d: {  	_ =	shalt  }
0x3e: {  	_ =	shalt  }
0x3f: {  	_ =	shalt  }
0x40: {  	_ =	shalt  }
0x41: {  	_ =	shalt  }
0x42: {  	_ =	shalt  }
0x43: {  	_ =	shalt  }
0x44: {  	_ =	shalt  }
0x45: {  	_ =	shalt  }
0x46: {  	_ =	shalt  }
0x47: {  	_ =	shalt  }
0x48: {  	_ =	shalt  }
0x49: {  	_ =	shalt  }
0x4a: {  	_ =	shalt  }
0x4b: {  	_ =	shalt  }
0x4c: {  	_ =	shalt  }
0x4d: {  	_ =	shalt  }
0x4e: {  	_ =	shalt  }
0x4f: {  	_ =	shalt  }
0x50: {  	_ =	shalt  }
0x51: {  	_ =	shalt  }
0x52: {  	_ =	shalt  }
0x53: {  	_ =	shalt  }
0x54: {  	_ =	shalt  }
0x55: {  	_ =	shalt  }
0x56: {  	_ =	shalt  }
0x57: {  	_ =	shalt  }
0x58: {  	_ =	shalt  }
0x59: {  	_ =	shalt  }
0x5a: {  	_ =	shalt  }
0x5b: {  	_ =	shalt  }
0x5c: {  	_ =	shalt  }
0x5d: {  	_ =	shalt  }
0x5e: {  	_ =	shalt  }
0x5f: {  	_ =	shalt  }
0x60: {  	_ =	shalt  }
0x61: {  	_ =	shalt  }
0x62: {  	_ =	shalt  }
0x63: {  	_ =	shalt  }
0x64: {  	_ =	shalt  }
0x65: {  	_ =	shalt  }
0x66: {  	_ =	shalt  }
0x67: {  	_ =	shalt  }
0x68: {  	_ =	shalt  }
0x69: {  	_ =	shalt  }
0x6a: {  	_ =	shalt  }
0x6b: {  	_ =	shalt  }
0x6c: {  	_ =	shalt  }
0x6d: {  	_ =	shalt  }
0x6e: {  	_ =	shalt  }
0x6f: {  	_ =	shalt  }
0x70: {  	_ =	shalt  }
0x71: {  	_ =	shalt  }
0x72: {  	_ =	shalt  }
0x73: {  	_ =	shalt  }
0x74: {  	_ =	shalt  }
0x75: {  	_ =	shalt  }
0x76: {  	_ =	shalt  }
0x77: {  	_ =	shalt  }
0x78: {  	_ =	shalt  }
0x79: {  	_ =	shalt  }
0x7a: {  	_ =	shalt  }
0x7b: {  	_ =	shalt  }
0x7c: {  	_ =	shalt  }
0x7d: {  	_ =	shalt  }
0x7e: {  	_ =	shalt  }
0x7f: {  	_ =	shalt  }
0x80: {  	_ =	shalt  }
0x81: {  	_ =	shalt  }
0x82: {  	_ =	shalt  }
0x83: {  	_ =	shalt  }
0x84: {  	_ =	shalt  }
0x85: {  	_ =	shalt  }
0x86: {  	_ =	shalt  }
0x87: {  	_ =	shalt  }
.Lfunc_end0:
.L_simem_size_0:
called_computation.1_lowered:
.L_overlay_start_0:
0x88: {  	s2 =	sld [smem:$0x3FD9]  }
0x89: {  	s3 =	sld [smem:$0x3FFE];
	_ =	sdelay $0x1  }
0x8a: {  	s1 =	srdreg.scid  }
0x8b: {  	s0 =	sand.u32 $0x1, s1  }
0x8c: {  	s14 =	sshll.u32 s0, $0xA;
	s2 =	sadd.s32 s3, s2  }
0x8d: {  	s2 =	sadd.s32 s2, s14  }
0x8e: {  	[smem:$0x3FB4] =	sst s2  }
0x8f: {  	_ = 	snop  }
0x90: {  	s2 =	sld [smem:$0x3FD0];
	_ =	sdelay $0x2  }
0x91: {  	s15 =	simm.s32 $0xA;
	s4 =	simm.s32 $0x10  }
0x92: {  	[smem:s4], [sflag:s15] =	dma.local [hbm:s2], $0x1  }
0x93: {  	_ =	swait.eq [sflag:s15], $0x1  }
0x94: {  	[sflag:s15] =	ssyncset.done $0x0  }
0x95: {  	[sflag:s15] =	ssyncadd.s32 $0xFFFFFFFF  }
0x96: {  	s16 =	sld [smem:$0x12];
	(tm) =	ssettm $0x1  }
0x97: {  	s17 =	sld [smem:$0x3FFB];
	_ =	sdelay $0x3  }
0x98: {  	_ =	strace s17  }
0x99: {  	s3 =	sld [smem:$0x3FFC];
	_ =	sdelay $0x3  }
0x9a: {  	_ =	strace s3  }
0x9b: {  	s3 =	sld [smem:$0x3FFD];
	_ =	sdelay $0x3  }
0x9c: {  	_ =	strace s3  }
0x9d: {  	_ =	strace $0x8FFFFFFF  }
0x9e: {  	s18 =	sld [smem:$0x3FDB];
	_ =	sdelay $0x1  }
0x9f: {  	s19 =	simm.s32 $_scs_section_size  }
0xa0: {  	s5 =	simm.s32 $_size__tile_overlayer_lowered;
	s6 =	simm.s32 $_tile_overlayer_lowered  }
0xa1: {  	s22 =	simm.s32 $0x1BFF;
	s21 =	sshll.u32 s6, $0x1;
	s3 =	sadd.s32 s19, s18  }
0xa2: {  	s7 =	simm.s32 $0x0;
	s20 =	sshll.u32 s5, $0x1;
	s5 =	sadd.s32 s21, s3  }
0xa3: {  	[timem:s7], [sflag:s22] =	dma.local [hbm:s5], s20  }
0xa4: {  	_ =	swait.ge [sflag:s22], s20  }
0xa5: {  	s4 =	ssub.s32 $0x0, s20;
	[sflag:s22] =	ssyncset.done $0x0  }
0xa6: {  	[sflag:s22] =	ssyncadd.s32 s4;
	_ =	sdelay $0x1  }
0xa7: {  	s23 =	simm.s32 $0x1B8B  }
0xa8: {  	_ =	swait.ge [sflag:s23], $0x1  }
0xa9: {  	[sflag:s23] =	ssyncset.done $0x0  }
0xaa: {  	s25 =	simm.s32 $0x1B8E;
	s24 =	sld [smem:$0x3FFE];
	[sflag:s23] =	ssyncadd.s32 $0xFFFFFFFF  }
0xab: {  	s26 =	simm.s32 $execute0_lowered;
	[smem:$0x3FD2] =	sst s25  }
0xac: {  	s5 =	sshll.u32 s26, $0x1;
	_ =	strace $0x80000049;
	[dreg:$0x1] =	wrdreg $0xFFFFFFFF  }
0xad: {  	s28 =	simm.s32 $_size_execute0_lowered;
	s3 =	sadd.s32 s3, s5;
	[dreg:$0x0] =	wrdreg $0x0  }
0xae: {  	s5 =	sshll.u32 s28, $0x1;
	[dreg:$0x2] =	wrdreg s3  }
0xaf: {  	[dreg:$0x3] =	wrdreg s5  }
0xb0: {  	[dreg:$0x4] =	wrdreg $0xC0  }
0xb1: {  	_ =	task [dreg:s7], $0x5FFFF  }
0xb2: {  	[dreg:$0x1] =	wrdreg $0xFFFFFFFF  }
0xb3: {  	[dreg:$0x0] =	wrdreg $0x60  }
0xb4: {  	[dreg:$0x2] =	wrdreg s24  }
0xb5: {  	[dreg:$0x3] =	wrdreg s16  }
0xb6: {  	[dreg:$0x4] =	wrdreg $0x9  }
0xb7: {  	_ =	task.clear_ibuf [dreg:s7], $0x5FFFF;
	_ =	strace $0x90000049  }
0xb8: {  	s29 =	simm.s32 $0x9;
	_ =	strace $0x8000004B  }
0xb9: {  	_ =	swait.ge [sflag:s29], $0x1  }
0xba: {  	[sflag:s29] =	ssyncadd.s32 $0xFFFFFFFF  }
0xbb: {  	_ =	strace $0x9000004B  }
0xbc: {  	_ =	sfence  }
0xbd: {  	s30 =	sld [smem:$0x0];
	_ =	sdelay $0x2  }
0xbe: {  	s31 =	sshll.u32 s1, $0xD;
	s1 =	sshrl.u32 s1, $0x2  }
0xbf: {  	s3 =	sand.u32 $0x4000, s31;
	s1 =	sadd.s32 s1, s30  }
0xc0: {  	s0 =	sor.u32 s3, s0;
	s1 =	sshll.u32 s1, $0x11  }
0xc1: {  	s0 =	sor.u32 s1, s0  }
0xc2: {  	s0 =	sadd.s32 $0x8F2B, s0  }
0xc3: {  	[sflag:s0] =	ssyncadd.remote.s32 $0x1  }
0xc4: {  	_ =	sfence.sel $0xFFFF  }
0xc5: {  	[dreg:$0x0] =	wrdreg $0xFFFFFFFF;
	(pc) =	sbr.abs _section_cstart, $3  }
0xc6: {  	[dreg:$0x1] =	wrdreg $0xFFFFFFFF  }
0xc7: {  	_ =	task.clear_ibuf [dreg:s7], $0x2FFFF;
	_ =	strace $0x9FFFFFFF  }
0xc8: {  	(tm) =	ssettm $0x7FFFFFFF  }
0xc9: {  	_ =	shalt  }
tec
execute0_lowered:
.L_overlay_start_1:
0x0: {  	(tag) =	ssettag $0x1  }
0x1: {  	s4 =	rddreg [dreg:$0x0];
	s1 =	srdreg.scid  }
0x2: {  	s0 =	stileid.u32;
	s2 =	rddreg [dreg:$0x1];
	s3 =	simm.s32 $0x0  }
0x3: {  	s13 =	simm.s32 $0x5400;
	s14 =	simm.s32 $0x1;
	s15 =	simm.s32 $0x2  }
0x4: {  	s16 =	simm.s32 $0x1380;
	s17 =	simm.s32 $0x0;
	s9 =	smul.u32 $0x50, s0  }
0x5: {  	s7 =	sand.u32 $0x1, s1;
	s1 =	rddreg [dreg:$0x2];
	s29 =	smul.u32 $0x28000, s0  }
0x6: {  	s5 =	sshll.u32 s0, $0x1;
	[smem:$0x7FF] =	sst s3;
	s11 =	smul.u32 $0x28, s7  }
0x7: {  	s12 =	sadd.s32 $0x6600, s4;
	s5 =	sor.u32 s7, s5;
	s30 =	smul.u32 $0x14000, s7  }
0x8: {  	_ =	strace $0x8000004A;
	s8 =	ssub.s32 $0x2, s7;
	s6 =	smul.u32 $0x280, s5  }
0x9: {  	s10 =	sshrl.u32 s8, $0x1;
	s25 =	smul.u32 $0x14000, s5;
	s31 =	sadd.s32 s29, s12  }
0xa: {  	s8 =	ssub.s32 s8, s10;
	s26 =	sadd.s32 s11, s9;
	s10 =	simm.s32 $0x3  }
0xb: {  	s11 =	simm.s32 $0x1400;
	s6 =	sadd.s32 s6, s4;
	s5 =	smax.u32 s8, $0x1  }
0xc: {  	s28 =	sadd.s32 s12, s25;
	s9 =	sshll.u32 s26, $0xB;
	s4 =	sadd.s32 $0xCAD800, s6  }
0xd: {  	s6 =	sadd.s32 $0x13000, s28;
	s9 =	sadd.s32 s9, s12;
	s7 =	sadd.s32 $0x13800, s28  }
0xe: {  	s12 =	simm.s32 $0x80;
	s8 =	sadd.s32 $0x800, s9;
	s9 =	sadd.s32 s30, s31  }
.LBB2_1:
0xf: {  	[tilespmem:s3], [sflag:$0x3] =	stream.linear.gather [hbm4b:s4+s3], $0x1400, $0x38;
	[tilespmem:$0x9400] =	vst v63  }
0x10: {  	_ =	swait.ge [sflag:s10], $0x1400  }
0x11: {  	[sflag:s10] =	ssyncset.done $0x0  }
0x12: {  	[sflag:s10] =	ssyncadd.s32 $0xFFFFEC00  }
0x13: {  	[tilespmem:s11], [sflag:$0x1] =	stream.indirect.gather [hbm4b:s2+s12], $0x80, s3, s12, $0xb8;
	[tilespmem:$0x9400] =	vst v63  }
0x14: {  	_ = 	snop  }
0x15: {  	[tilespmem:s13], [sflag:$0x2] =	stream.indirect.gather [hbm4b:s2+s12], $0x80, s12, s12, $0xb8;
	[tilespmem:$0x9400] =	vst v63  }
0x16: {  	_ =	swait.ge [sflag:s14], $0x4000  }
0x17: {  	[sflag:s14] =	ssyncset.done $0x0  }
0x18: {  	s18 =	sadd.s32 $0x0, s9;
	[sflag:s14] =	ssyncadd.s32 $0xFFFFC000  }
0x19: {  	[hbm4b:s18+s3] =	stream.linear.scatter [tilespmem:s11], [sflag:$0x3], $0x4000, $0x38;
	[tilespmem:$0x9400] =	vst v63  }
0x1a: {  	_ =	swait.ge [sflag:s10], $0x4000  }
0x1b: {  	[sflag:s10] =	ssyncset.done $0x0  }
0x1c: {  	s30 =	simm.s32 $0x100;
	[sflag:s10] =	ssyncadd.s32 $0xFFFFC000  }
0x1d: {  	[tilespmem:s11], [sflag:$0x1] =	stream.indirect.gather [hbm4b:s2+s12], $0x80, s30, s12, $0xb8;
	[tilespmem:$0x9400] =	vst v63  }
0x1e: {  	_ =	swait.ge [sflag:s15], $0x4000  }
0x1f: {  	[sflag:s15] =	ssyncset.done $0x0  }
0x20: {  	s31 =	sadd.s32 $0x0, s8;
	[sflag:s15] =	ssyncadd.s32 $0xFFFFC000  }
0x21: {  	[hbm4b:s31+s3] =	stream.linear.scatter [tilespmem:s13], [sflag:$0x3], $0x4000, $0x38;
	[tilespmem:$0x9400] =	vst v63  }
0x22: {  	_ =	swait.ge [sflag:s10], $0x4000  }
0x23: {  	s19 =	simm.s32 $0x80;
	s18 =	simm.s32 $0x1000;
	[sflag:s10] =	ssyncset.done $0x0  }
.LBB2_2:
0x24: {  	p0 =	sne.s32 s18, $0x12000;
	[sflag:s10] =	ssyncadd.s32 $0xFFFFC000;
	s19 =	sadd.s32 $0x100, s19  }
0x25: {  	[tilespmem:s13], [sflag:$0x2] =	stream.indirect.gather [hbm4b:s2+s12], $0x80, s19, s12, $0xb8;
	[tilespmem:$0x9400] =	vst v63  }
0x26: {  	s20 =	smov.u32 s18;
	s18 =	sadd.s32 $0x1000, s18;
	_ =	swait.ge [sflag:s14], $0x4000  }
0x27: {  	[sflag:s14] =	ssyncset.done $0x0  }
0x28: {  	s21 =	sadd.s32 s20, s9;
	[sflag:s14] =	ssyncadd.s32 $0xFFFFC000  }
0x29: {  	[hbm4b:s21+s3] =	stream.linear.scatter [tilespmem:s11], [sflag:$0x3], $0x4000, $0x38;
	[tilespmem:$0x9400] =	vst v63  }
0x2a: {  	_ =	swait.ge [sflag:s10], $0x4000  }
0x2b: {  	[sflag:s10] =	ssyncset.done $0x0  }
0x2c: {  	s21 =	sadd.s32 $0x80, s19;
	[sflag:s10] =	ssyncadd.s32 $0xFFFFC000  }
0x2d: {  	[tilespmem:s11], [sflag:$0x1] =	stream.indirect.gather [hbm4b:s2+s12], $0x80, s21, s12, $0xb8;
	[tilespmem:$0x9400] =	vst v63  }
0x2e: {  	_ =	swait.ge [sflag:s15], $0x4000  }
.Ltmp0:
0x2f: {  	[sflag:s15] =	ssyncset.done $0x0;
	(pc) =	sbr.rel @p0 .LBB2_2-.Ltmp0, $4  }
0x30: {  	s20 =	sadd.s32 s20, s8;
	[sflag:s15] =	ssyncadd.s32 $0xFFFFC000  }
0x31: {  	[hbm4b:s20+s3] =	stream.linear.scatter [tilespmem:s13], [sflag:$0x3], $0x4000, $0x38;
	[tilespmem:$0x9400] =	vst v63  }
0x32: {  	_ =	swait.ge [sflag:s10], $0x4000  }
0x33: {  	[sflag:s10] =	ssyncset.done $0x0  }
0x34: {  	[sflag:s10] =	ssyncadd.s32 $0xFFFFC000  }
0x35: {  	[tilespmem:s13], [sflag:$0x2] =	stream.indirect.gather [hbm4b:s2+s12], $0x80, s16, s12, $0xb8;
	[tilespmem:$0x9400] =	vst v63  }
0x36: {  	_ =	swait.ge [sflag:s14], $0x4000  }
0x37: {  	[sflag:s14] =	ssyncset.done $0x0  }
0x38: {  	[sflag:s14] =	ssyncadd.s32 $0xFFFFC000  }
0x39: {  	[hbm4b:s6+s3] =	stream.linear.scatter [tilespmem:s11], [sflag:$0x3], $0x4000, $0x38;
	[tilespmem:$0x9400] =	vst v63  }
0x3a: {  	_ =	swait.ge [sflag:s10], $0x4000  }
0x3b: {  	[sflag:s10] =	ssyncset.done $0x0  }
0x3c: {  	[sflag:s10] =	ssyncadd.s32 $0xFFFFC000  }
0x3d: {  	s17 =	sadd.s32 $0x1, s17;
	_ =	swait.ge [sflag:s15], $0x4000  }
0x3e: {  	p0 =	sne.s32 s17, s5;
	[sflag:s15] =	ssyncset.done $0x0  }
.Ltmp1:
0x3f: {  	[sflag:s15] =	ssyncadd.s32 $0xFFFFC000;
	(pc) =	sbr.rel @p0 .LBB2_1-.Ltmp1, $4  }
0x40: {  	[hbm4b:s7+s3] =	stream.linear.scatter [tilespmem:s13], [sflag:$0x3], $0x4000, $0x38;
	[tilespmem:$0x9400] =	vst v63  }
0x41: {  	_ =	swait.ge [sflag:s10], $0x4000  }
0x42: {  	[sflag:s10] =	ssyncset.done $0x0  }
0x43: {  	[sflag:s10] =	ssyncadd.s32 $0xFFFFC000  }
0x44: {  	_ =	sfence.sel $0x180000  }
0x45: {  	[bflag:$0x0] =	sbarrier.arrive $0xFFFF  }
0x46: {  	p0 =	sne.s32 s0, $0x0;
	_ =	strace $0x9000004A  }
0x47: {  	s0 =	sadd.s32 @!p0 $0x100000, s1;
	[bflag:$0x2] =	sbarrier.arrive $0xFFFF  }
0x48: {  	[sflag:s0] =	ssyncadd.tile.s32 @!p0 $0x1;
	_ =	shalt  }
.Lfunc_end2:
_tile_overlayer_lowered:
.L_overlay_start_2:
0x49: {  	(tag) =	ssettag $0x2  }
0x4a: {  	s0 =	rddreg [dreg:$0x0];
	s2 =	stileid.u32  }
0x4b: {  	s1 =	rddreg [dreg:$0x1];
	p0 =	sne.s32 s2, $0x0  }
0x4c: {  	s3 =	rddreg [dreg:$0x2];
	[bflag:$0x3] =	sbarrier.arrive $0xFFFF;
	s2 =	simm.s32 @!p0 $0x1C03  }
0x4d: {  	[timem:s3], [sflag:s2] =	dma.local @!p0 [hbm:s0], s1  }
0x4e: {  	s0 =	simm.s32 @!p0 $0x3  }
0x4f: {  	_ =	swait.ge @!p0 [sflag:s0], s1  }
0x50: {  	s1 =	ssub.s32 @!p0 $0x0, s1;
	[sflag:s0] =	ssyncset.done @!p0 $0x0  }
0x51: {  	[sflag:s0] =	ssyncadd.s32 @!p0 s1  }
0x52: {  	[bflag:$0x3] =	sbarrier.arrive $0xFFFF  }
0x53: {  	_ =	shalt  }

// kernel: kernel.20.cloned.1.call-start
scs
__scs_entry_jumppad:
0x0: {  	(pc) =	sbr.rel $0x88, $3  }
0x1: {  	(tag) =	ssettag $0x0;
	lr =	simm.s32 $0x1  }
0x2: {  	[smem:$0x3F8D] =	sst lr;
	_ =	strace $0xD0000000  }
0x3: {  	_ = 	snop  }
0x4: {  	_ = 	snop  }
0x5: {  	_ = 	snop  }
0x6: {  	_ = 	snop  }
0x7: {  	_ = 	snop  }
__scs_overlays_trampoline_lowered:
0x8: {  	[smem:$0x3F9C] =	sst s0  }
0x9: {  	[smem:$0x3F9D] =	sst s1  }
0xa: {  	[smem:$0x3F9E] =	sst s2  }
0xb: {  	[smem:$0x3F9F] =	sst s3  }
0xc: {  	[smem:$0x3FA0] =	sst s4  }
0xd: {  	[smem:$0x3FA1] =	sst s5  }
0xe: {  	[smem:$0x3FA2] =	sst s6  }
0xf: {  	[smem:$0x3FA3] =	sst s7  }
0x10: {  	[smem:$0x3FA4] =	sst s8  }
0x11: {  	[smem:$0x3FA5] =	sst s9;
	s0 =	simm.s32 @!p0 $0x0  }
0x12: {  	s1 =	sld [smem:$0x3F8B];
	s0 =	simm.s32 @p0 $0x1  }
0x13: {  	[smem:$0x3FA6] =	sst s0;
	s0 =	simm.s32 @!p1 $0x0  }
0x14: {  	s2 =	sld [smem:$0x3F8A];
	s0 =	simm.s32 @p1 $0x1  }
0x15: {  	[smem:$0x3FA7] =	sst s0;
	s0 =	simm.s32 @!p2 $0x0  }
0x16: {  	s3 =	sld [smem:$0x3FDB];
	s0 =	simm.s32 @p2 $0x1  }
0x17: {  	s4 =	simm.s32 $0x1BF5;
	[smem:$0x3FA9] =	sst s0  }
0x18: {  	s0 =	sld [smem:$0x3F8C];
	_ =	swait.ge [sflag:s4], $0x0  }
0x19: {  	s7 =	sld [smem:$0x3F8D]  }
0x1a: {  	s8 =	sadd.s32 $0xFFFFE003, lr  }
0x1b: {  	s9 =	sadd.s32 $0xFFFFFEF7, lr;
	s5 =	simm.s32 $0xFFFFFFFF;
	p2 =	slt.u32 s8, $0xFFFFF086  }
0x1c: {  	p1 =	slt.u32 s9, $0xF7A;
	s5 =	simm.s32 @!p2 $0x0  }
0x1d: {  	s5 =	simm.s32 @p1 $0x1;
	p0 =	seq.s32 s7, s2  }
0x1e: {  	s7 =	smul.u32 @!p0 $0xF7A, s2;
	p2 =	seq.s32 @!p0 s5, $0x0  }
0x1f: {  	s9 =	smul.u32 $0xF7A, s1;
	s8 =	simm.s32 @!p0 $0x1BF5;
	p2 =	por !p2, p0  }
0x20: {  	[sflag:s8] =	ssyncset.s32 @!p0 $0xFFFFF086;
	s6 =	sadd.s32 @!p0 s3, s7;
	s7 =	simm.s32 @!p0 $0x108  }
0x21: {  	s3 =	sadd.s32 s3, s9;
	s6 =	sadd.s32 @!p0 $0x88, s6;
	s7 =	simm.s32 @p2 $0x1082  }
0x22: {  	[simem:s7], [sflag:s8] =	dma.local @!p0 [hbm:s6], $0xF7A  }
0x23: {  	s9 =	sor.u32 $0xD0000000, s2;
	s6 =	simm.s32 $0x108;
	_ =	swait.ge @!p0 [sflag:s8], $0x0  }
0x24: {  	s3 =	sadd.s32 $0x88, s3;
	s6 =	simm.s32 @!p1 $0x1082;
	[sflag:s4] =	ssyncset.s32 $0xFFFFF086  }
0x25: {  	[simem:s6], [sflag:s4] =	dma.local [hbm:s3], $0xF7A  }
0x26: {  	[smem:$0x3F8D] =	sst s1;
	(tag) =	ssettag s2;
	_ =	strace s9  }
0x27: {  	s1 =	sld [smem:$0x3F9D]  }
0x28: {  	s2 =	sld [smem:$0x3F9E]  }
0x29: {  	s4 =	sld [smem:$0x3FA0]  }
0x2a: {  	p0 =	seq.s32 s5, $0x0;
	s5 =	sld [smem:$0x3FA1]  }
0x2b: {  	s6 =	sld [smem:$0x3FA2]  }
0x2c: {  	s7 =	sld [smem:$0x3FA3]  }
0x2d: {  	s3 =	simm.s32 $0x108;
	s8 =	sld [smem:$0x3FA4]  }
0x2e: {  	s3 =	simm.s32 @!p0 $0x1082;
	s9 =	sld [smem:$0x3FA5]  }
0x2f: {  	lr =	sadd.s32 s0, s3;
	s0 =	sld [smem:$0x3F9C]  }
0x30: {  	s3 =	sld [smem:$0x3F9F]  }
0x31: {  	[smem:$0x3FA8] =	sst s10  }
0x32: {  	s10 =	sld [smem:$0x3FA6];
	_ =	sdelay $0x3  }
0x33: {  	p0 =	seq.s32 s10, $0x1;
	s10 =	sld [smem:$0x3FA8];
	_ =	sdelay $0x3  }
0x34: {  	[smem:$0x3FA8] =	sst s10  }
0x35: {  	s10 =	sld [smem:$0x3FA7];
	_ =	sdelay $0x3  }
0x36: {  	p1 =	seq.s32 s10, $0x1;
	s10 =	sld [smem:$0x3FA8];
	_ =	sdelay $0x3  }
0x37: {  	[smem:$0x3FA8] =	sst s10  }
0x38: {  	s10 =	sld [smem:$0x3FA9]  }
0x39: {  	_ = 	snop;
	(pc) =	sbr.ind lr, $3  }
0x3a: {  	_ = 	snop  }
0x3b: {  	_ = 	snop  }
0x3c: {  	p2 =	seq.s32 s10, $0x1;
	s10 =	sld [smem:$0x3FA8]  }
0x3d: {  	_ =	shalt  }
0x3e: {  	_ =	shalt  }
0x3f: {  	_ =	shalt  }
0x40: {  	_ =	shalt  }
0x41: {  	_ =	shalt  }
0x42: {  	_ =	shalt  }
0x43: {  	_ =	shalt  }
0x44: {  	_ =	shalt  }
0x45: {  	_ =	shalt  }
0x46: {  	_ =	shalt  }
0x47: {  	_ =	shalt  }
0x48: {  	_ =	shalt  }
0x49: {  	_ =	shalt  }
0x4a: {  	_ =	shalt  }
0x4b: {  	_ =	shalt  }
0x4c: {  	_ =	shalt  }
0x4d: {  	_ =	shalt  }
0x4e: {  	_ =	shalt  }
0x4f: {  	_ =	shalt  }
0x50: {  	_ =	shalt  }
0x51: {  	_ =	shalt  }
0x52: {  	_ =	shalt  }
0x53: {  	_ =	shalt  }
0x54: {  	_ =	shalt  }
0x55: {  	_ =	shalt  }
0x56: {  	_ =	shalt  }
0x57: {  	_ =	shalt  }
0x58: {  	_ =	shalt  }
0x59: {  	_ =	shalt  }
0x5a: {  	_ =	shalt  }
0x5b: {  	_ =	shalt  }
0x5c: {  	_ =	shalt  }
0x5d: {  	_ =	shalt  }
0x5e: {  	_ =	shalt  }
0x5f: {  	_ =	shalt  }
0x60: {  	_ =	shalt  }
0x61: {  	_ =	shalt  }
0x62: {  	_ =	shalt  }
0x63: {  	_ =	shalt  }
0x64: {  	_ =	shalt  }
0x65: {  	_ =	shalt  }
0x66: {  	_ =	shalt  }
0x67: {  	_ =	shalt  }
0x68: {  	_ =	shalt  }
0x69: {  	_ =	shalt  }
0x6a: {  	_ =	shalt  }
0x6b: {  	_ =	shalt  }
0x6c: {  	_ =	shalt  }
0x6d: {  	_ =	shalt  }
0x6e: {  	_ =	shalt  }
0x6f: {  	_ =	shalt  }
0x70: {  	_ =	shalt  }
0x71: {  	_ =	shalt  }
0x72: {  	_ =	shalt  }
0x73: {  	_ =	shalt  }
0x74: {  	_ =	shalt  }
0x75: {  	_ =	shalt  }
0x76: {  	_ =	shalt  }
0x77: {  	_ =	shalt  }
0x78: {  	_ =	shalt  }
0x79: {  	_ =	shalt  }
0x7a: {  	_ =	shalt  }
0x7b: {  	_ =	shalt  }
0x7c: {  	_ =	shalt  }
0x7d: {  	_ =	shalt  }
0x7e: {  	_ =	shalt  }
0x7f: {  	_ =	shalt  }
0x80: {  	_ =	shalt  }
0x81: {  	_ =	shalt  }
0x82: {  	_ =	shalt  }
0x83: {  	_ =	shalt  }
0x84: {  	_ =	shalt  }
0x85: {  	_ =	shalt  }
0x86: {  	_ =	shalt  }
0x87: {  	_ =	shalt  }
.Lfunc_end0:
.L_simem_size_0:
called_computation.2_lowered:
.L_overlay_start_0:
0x88: {  	s2 =	sld [smem:$0x3FD9]  }
0x89: {  	s3 =	sld [smem:$0x3FFE];
	_ =	sdelay $0x1  }
0x8a: {  	s1 =	srdreg.scid  }
0x8b: {  	s0 =	sand.u32 $0x1, s1  }
0x8c: {  	s16 =	sshll.u32 s0, $0xA;
	s2 =	sadd.s32 s3, s2  }
0x8d: {  	s2 =	sadd.s32 s2, s16  }
0x8e: {  	[smem:$0x3FB4] =	sst s2  }
0x8f: {  	_ = 	snop  }
0x90: {  	(tm) =	ssettm $0x1  }
0x91: {  	s17 =	sld [smem:$0x3FFB];
	_ =	sdelay $0x3  }
0x92: {  	_ =	strace s17  }
0x93: {  	s2 =	sld [smem:$0x3FFC];
	_ =	sdelay $0x3  }
0x94: {  	_ =	strace s2  }
0x95: {  	s2 =	sld [smem:$0x3FFD];
	_ =	sdelay $0x3  }
0x96: {  	_ =	strace s2  }
0x97: {  	_ =	strace $0x8FFFFFFF  }
0x98: {  	s18 =	sld [smem:$0x3FDB];
	_ =	sdelay $0x1  }
0x99: {  	s19 =	simm.s32 $_scs_section_size  }
0x9a: {  	s4 =	simm.s32 $_size__tile_overlayer_lowered;
	s5 =	simm.s32 $_tile_overlayer_lowered  }
0x9b: {  	s22 =	simm.s32 $0x1BFF;
	s21 =	sshll.u32 s5, $0x1;
	s2 =	sadd.s32 s19, s18  }
0x9c: {  	s6 =	simm.s32 $0x0;
	s20 =	sshll.u32 s4, $0x1;
	s4 =	sadd.s32 s21, s2  }
0x9d: {  	[timem:s6], [sflag:s22] =	dma.local [hbm:s4], s20  }
0x9e: {  	_ =	swait.ge [sflag:s22], s20  }
0x9f: {  	s3 =	ssub.s32 $0x0, s20;
	[sflag:s22] =	ssyncset.done $0x0  }
0xa0: {  	[sflag:s22] =	ssyncadd.s32 s3;
	_ =	sdelay $0x1  }
0xa1: {  	s23 =	simm.s32 $0x1B8B  }
0xa2: {  	_ =	swait.ge [sflag:s23], $0x1  }
0xa3: {  	[sflag:s23] =	ssyncset.done $0x0  }
0xa4: {  	s25 =	simm.s32 $0x1B8E;
	s24 =	sld [smem:$0x3FFE];
	[sflag:s23] =	ssyncadd.s32 $0xFFFFFFFF  }
0xa5: {  	s26 =	simm.s32 $execute0_lowered;
	[smem:$0x3FD2] =	sst s25  }
0xa6: {  	s4 =	sshll.u32 s26, $0x1;
	_ =	strace $0x8000004C;
	[dreg:$0x1] =	wrdreg $0xFFFFFFFF  }
0xa7: {  	s28 =	simm.s32 $_size_execute0_lowered;
	s2 =	sadd.s32 s2, s4;
	[dreg:$0x0] =	wrdreg $0x0  }
0xa8: {  	s4 =	sshll.u32 s28, $0x1;
	[dreg:$0x2] =	wrdreg s2  }
0xa9: {  	[dreg:$0x3] =	wrdreg s4  }
0xaa: {  	[dreg:$0x4] =	wrdreg $0xC0  }
0xab: {  	_ =	task [dreg:s6], $0x5FFFF  }
0xac: {  	[dreg:$0x1] =	wrdreg $0xFFFFFFFF  }
0xad: {  	[dreg:$0x0] =	wrdreg $0x60  }
0xae: {  	[dreg:$0x2] =	wrdreg s24  }
0xaf: {  	[dreg:$0x3] =	wrdreg $0x9  }
0xb0: {  	_ =	task.clear_ibuf [dreg:s6], $0x4FFFF;
	_ =	strace $0x9000004C  }
0xb1: {  	s29 =	simm.s32 $0x9;
	_ =	strace $0x8000004E  }
0xb2: {  	_ =	swait.ge [sflag:s29], $0x1  }
0xb3: {  	[sflag:s29] =	ssyncadd.s32 $0xFFFFFFFF  }
0xb4: {  	_ =	strace $0x9000004E  }
0xb5: {  	_ =	sfence  }
0xb6: {  	s30 =	sld [smem:$0x0];
	_ =	sdelay $0x2  }
0xb7: {  	s31 =	sshll.u32 s1, $0xD;
	s1 =	sshrl.u32 s1, $0x2  }
0xb8: {  	s3 =	sand.u32 $0x4000, s31;
	s1 =	sadd.s32 s1, s30  }
0xb9: {  	s0 =	sor.u32 s3, s0;
	s1 =	sshll.u32 s1, $0x11  }
0xba: {  	s0 =	sor.u32 s1, s0  }
0xbb: {  	s0 =	sadd.s32 $0x8F2B, s0  }
0xbc: {  	[sflag:s0] =	ssyncadd.remote.s32 $0x1  }
0xbd: {  	_ =	sfence.sel $0xFFFF  }
0xbe: {  	[dreg:$0x0] =	wrdreg $0xFFFFFFFF;
	(pc) =	sbr.abs _section_cstart, $3  }
0xbf: {  	[dreg:$0x1] =	wrdreg $0xFFFFFFFF  }
0xc0: {  	_ =	task.clear_ibuf [dreg:s6], $0x2FFFF;
	_ =	strace $0x9FFFFFFF  }
0xc1: {  	(tm) =	ssettm $0x7FFFFFFF  }
tec
execute0_lowered:
.L_overlay_start_1:
0x0: {  	(tag) =	ssettag $0x1  }
0x1: {  	s1 =	srdreg.scid;
	s0 =	stileid.u32  }
0x2: {  	s4 =	rddreg [dreg:$0x0];
	s2 =	simm.s32 $0x0;
	s13 =	simm.s32 $0x5400  }
0x3: {  	s14 =	simm.s32 $0x1;
	s15 =	simm.s32 $0x2;
	s16 =	simm.s32 $0x1380  }
0x4: {  	s17 =	simm.s32 $0x0;
	s7 =	sand.u32 $0x1, s1;
	s9 =	smul.u32 $0x50, s0  }
0x5: {  	s3 =	sshll.u32 s0, $0x1;
	s1 =	rddreg [dreg:$0x1];
	s29 =	smul.u32 $0x28000, s0  }
0x6: {  	[smem:$0x7FF] =	sst s2;
	s12 =	sadd.s32 $0x6600, s4;
	s11 =	smul.u32 $0x28, s7  }
0x7: {  	s5 =	sor.u32 s7, s3;
	s8 =	ssub.s32 $0x2, s7;
	s30 =	smul.u32 $0x14000, s7  }
0x8: {  	_ =	strace $0x8000004D;
	s3 =	smul.u32 $0x280, s5;
	s10 =	sshrl.u32 s8, $0x1  }
0x9: {  	s25 =	smul.u32 $0x14000, s5;
	s31 =	sadd.s32 s29, s12;
	s8 =	ssub.s32 s8, s10  }
0xa: {  	s26 =	sadd.s32 s11, s9;
	s10 =	simm.s32 $0x3;
	s11 =	simm.s32 $0x1400  }
0xb: {  	s6 =	sadd.s32 s3, s4;
	s3 =	sadd.s32 $0xCB2800, s4;
	s5 =	smax.u32 s8, $0x1  }
0xc: {  	s28 =	sadd.s32 s12, s25;
	s9 =	sshll.u32 s26, $0xB;
	s4 =	sadd.s32 $0xCAD800, s6  }
0xd: {  	s6 =	sadd.s32 $0x13000, s28;
	s9 =	sadd.s32 s9, s12;
	s7 =	sadd.s32 $0x13800, s28  }
0xe: {  	s12 =	simm.s32 $0x80;
	s8 =	sadd.s32 $0x800, s9;
	s9 =	sadd.s32 s30, s31  }
.LBB2_1:
0xf: {  	[tilespmem:s2], [sflag:$0x3] =	stream.linear.gather [hbm4b:s4+s2], $0x1400, $0x38;
	[tilespmem:$0x9400] =	vst v63  }
0x10: {  	_ =	swait.ge [sflag:s10], $0x1400  }
0x11: {  	[sflag:s10] =	ssyncset.done $0x0  }
0x12: {  	[sflag:s10] =	ssyncadd.s32 $0xFFFFEC00  }
0x13: {  	[tilespmem:s11], [sflag:$0x1] =	stream.indirect.gather [hbm4b:s3+s12], $0x80, s2, s12, $0xb8;
	[tilespmem:$0x9400] =	vst v63  }
0x14: {  	_ = 	snop  }
0x15: {  	[tilespmem:s13], [sflag:$0x2] =	stream.indirect.gather [hbm4b:s3+s12], $0x80, s12, s12, $0xb8;
	[tilespmem:$0x9400] =	vst v63  }
0x16: {  	_ =	swait.ge [sflag:s14], $0x4000  }
0x17: {  	[sflag:s14] =	ssyncset.done $0x0  }
0x18: {  	s18 =	sadd.s32 $0x0, s9;
	[sflag:s14] =	ssyncadd.s32 $0xFFFFC000  }
0x19: {  	[hbm4b:s18+s2] =	stream.linear.scatter [tilespmem:s11], [sflag:$0x3], $0x4000, $0x38;
	[tilespmem:$0x9400] =	vst v63  }
0x1a: {  	_ =	swait.ge [sflag:s10], $0x4000  }
0x1b: {  	[sflag:s10] =	ssyncset.done $0x0  }
0x1c: {  	s30 =	simm.s32 $0x100;
	[sflag:s10] =	ssyncadd.s32 $0xFFFFC000  }
0x1d: {  	[tilespmem:s11], [sflag:$0x1] =	stream.indirect.gather [hbm4b:s3+s12], $0x80, s30, s12, $0xb8;
	[tilespmem:$0x9400] =	vst v63  }
0x1e: {  	_ =	swait.ge [sflag:s15], $0x4000  }
0x1f: {  	[sflag:s15] =	ssyncset.done $0x0  }
0x20: {  	s31 =	sadd.s32 $0x0, s8;
	[sflag:s15] =	ssyncadd.s32 $0xFFFFC000  }
0x21: {  	[hbm4b:s31+s2] =	stream.linear.scatter [tilespmem:s13], [sflag:$0x3], $0x4000, $0x38;
	[tilespmem:$0x9400] =	vst v63  }
0x22: {  	_ =	swait.ge [sflag:s10], $0x4000  }
0x23: {  	s19 =	simm.s32 $0x80;
	s18 =	simm.s32 $0x1000;
	[sflag:s10] =	ssyncset.done $0x0  }
.LBB2_2:
0x24: {  	p0 =	sne.s32 s18, $0x12000;
	[sflag:s10] =	ssyncadd.s32 $0xFFFFC000;
	s19 =	sadd.s32 $0x100, s19  }
0x25: {  	[tilespmem:s13], [sflag:$0x2] =	stream.indirect.gather [hbm4b:s3+s12], $0x80, s19, s12, $0xb8;
	[tilespmem:$0x9400] =	vst v63  }
0x26: {  	s20 =	smov.u32 s18;
	s18 =	sadd.s32 $0x1000, s18;
	_ =	swait.ge [sflag:s14], $0x4000  }
0x27: {  	[sflag:s14] =	ssyncset.done $0x0  }
0x28: {  	s21 =	sadd.s32 s20, s9;
	[sflag:s14] =	ssyncadd.s32 $0xFFFFC000  }
0x29: {  	[hbm4b:s21+s2] =	stream.linear.scatter [tilespmem:s11], [sflag:$0x3], $0x4000, $0x38;
	[tilespmem:$0x9400] =	vst v63  }
0x2a: {  	_ =	swait.ge [sflag:s10], $0x4000  }
0x2b: {  	[sflag:s10] =	ssyncset.done $0x0  }
0x2c: {  	s21 =	sadd.s32 $0x80, s19;
	[sflag:s10] =	ssyncadd.s32 $0xFFFFC000  }
0x2d: {  	[tilespmem:s11], [sflag:$0x1] =	stream.indirect.gather [hbm4b:s3+s12], $0x80, s21, s12, $0xb8;
	[tilespmem:$0x9400] =	vst v63  }
0x2e: {  	_ =	swait.ge [sflag:s15], $0x4000  }
.Ltmp0:
0x2f: {  	[sflag:s15] =	ssyncset.done $0x0;
	(pc) =	sbr.rel @p0 .LBB2_2-.Ltmp0, $4  }
0x30: {  	s20 =	sadd.s32 s20, s8;
	[sflag:s15] =	ssyncadd.s32 $0xFFFFC000  }
0x31: {  	[hbm4b:s20+s2] =	stream.linear.scatter [tilespmem:s13], [sflag:$0x3], $0x4000, $0x38;
	[tilespmem:$0x9400] =	vst v63  }
0x32: {  	_ =	swait.ge [sflag:s10], $0x4000  }
0x33: {  	[sflag:s10] =	ssyncset.done $0x0  }
0x34: {  	[sflag:s10] =	ssyncadd.s32 $0xFFFFC000  }
0x35: {  	[tilespmem:s13], [sflag:$0x2] =	stream.indirect.gather [hbm4b:s3+s12], $0x80, s16, s12, $0xb8;
	[tilespmem:$0x9400] =	vst v63  }
0x36: {  	_ =	swait.ge [sflag:s14], $0x4000  }
0x37: {  	[sflag:s14] =	ssyncset.done $0x0  }
0x38: {  	[sflag:s14] =	ssyncadd.s32 $0xFFFFC000  }
0x39: {  	[hbm4b:s6+s2] =	stream.linear.scatter [tilespmem:s11], [sflag:$0x3], $0x4000, $0x38;
	[tilespmem:$0x9400] =	vst v63  }
0x3a: {  	_ =	swait.ge [sflag:s10], $0x4000  }
0x3b: {  	[sflag:s10] =	ssyncset.done $0x0  }
0x3c: {  	[sflag:s10] =	ssyncadd.s32 $0xFFFFC000  }
0x3d: {  	s17 =	sadd.s32 $0x1, s17;
	_ =	swait.ge [sflag:s15], $0x4000  }
0x3e: {  	p0 =	sne.s32 s17, s5;
	[sflag:s15] =	ssyncset.done $0x0  }
.Ltmp1:
0x3f: {  	[sflag:s15] =	ssyncadd.s32 $0xFFFFC000;
	(pc) =	sbr.rel @p0 .LBB2_1-.Ltmp1, $4  }
0x40: {  	[hbm4b:s7+s2] =	stream.linear.scatter [tilespmem:s13], [sflag:$0x3], $0x4000, $0x38;
	[tilespmem:$0x9400] =	vst v63  }
0x41: {  	_ =	swait.ge [sflag:s10], $0x4000  }
0x42: {  	[sflag:s10] =	ssyncset.done $0x0  }
0x43: {  	[sflag:s10] =	ssyncadd.s32 $0xFFFFC000  }
0x44: {  	_ =	sfence.sel $0x180000  }
0x45: {  	[bflag:$0x0] =	sbarrier.arrive $0xFFFF  }
0x46: {  	p0 =	sne.s32 s0, $0x0;
	_ =	strace $0x9000004D  }
0x47: {  	s0 =	sadd.s32 @!p0 $0x100000, s1;
	[bflag:$0x2] =	sbarrier.arrive $0xFFFF  }
0x48: {  	[sflag:s0] =	ssyncadd.tile.s32 @!p0 $0x1;
	_ =	shalt  }
.Lfunc_end2:
_tile_overlayer_lowered:
.L_overlay_start_2:
0x49: {  	(tag) =	ssettag $0x2  }
0x4a: {  	s0 =	rddreg [dreg:$0x0];
	s2 =	stileid.u32  }
0x4b: {  	s1 =	rddreg [dreg:$0x1];
	p0 =	sne.s32 s2, $0x0  }
0x4c: {  	s3 =	rddreg [dreg:$0x2];
	[bflag:$0x3] =	sbarrier.arrive $0xFFFF;
	s2 =	simm.s32 @!p0 $0x1C03  }
0x4d: {  	[timem:s3], [sflag:s2] =	dma.local @!p0 [hbm:s0], s1  }
0x4e: {  	s0 =	simm.s32 @!p0 $0x3  }
0x4f: {  	_ =	swait.ge @!p0 [sflag:s0], s1  }
0x50: {  	s1 =	ssub.s32 @!p0 $0x0, s1;
	[sflag:s0] =	ssyncset.done @!p0 $0x0  }
0x51: {  	[sflag:s0] =	ssyncadd.s32 @!p0 s1  }
0x52: {  	[bflag:$0x3] =	sbarrier.arrive $0xFFFF  }
0x53: {  	_ =	shalt  }

// kernel: kernel.23.cloned.1.call-start
scs
__scs_entry_jumppad:
0x0: {  	(pc) =	sbr.rel $0x88, $3  }
0x1: {  	(tag) =	ssettag $0x0;
	lr =	simm.s32 $0x1  }
0x2: {  	[smem:$0x3F8D] =	sst lr;
	_ =	strace $0xD0000000  }
0x3: {  	_ = 	snop  }
0x4: {  	_ = 	snop  }
0x5: {  	_ = 	snop  }
0x6: {  	_ = 	snop  }
0x7: {  	_ = 	snop  }
__scs_overlays_trampoline_lowered:
0x8: {  	[smem:$0x3F9C] =	sst s0  }
0x9: {  	[smem:$0x3F9D] =	sst s1  }
0xa: {  	[smem:$0x3F9E] =	sst s2  }
0xb: {  	[smem:$0x3F9F] =	sst s3  }
0xc: {  	[smem:$0x3FA0] =	sst s4  }
0xd: {  	[smem:$0x3FA1] =	sst s5  }
0xe: {  	[smem:$0x3FA2] =	sst s6  }
0xf: {  	[smem:$0x3FA3] =	sst s7  }
0x10: {  	[smem:$0x3FA4] =	sst s8  }
0x11: {  	[smem:$0x3FA5] =	sst s9;
	s0 =	simm.s32 @!p0 $0x0  }
0x12: {  	s1 =	sld [smem:$0x3F8B];
	s0 =	simm.s32 @p0 $0x1  }
0x13: {  	[smem:$0x3FA6] =	sst s0;
	s0 =	simm.s32 @!p1 $0x0  }
0x14: {  	s2 =	sld [smem:$0x3F8A];
	s0 =	simm.s32 @p1 $0x1  }
0x15: {  	[smem:$0x3FA7] =	sst s0;
	s0 =	simm.s32 @!p2 $0x0  }
0x16: {  	s3 =	sld [smem:$0x3FDB];
	s0 =	simm.s32 @p2 $0x1  }
0x17: {  	s4 =	simm.s32 $0x1BF5;
	[smem:$0x3FA9] =	sst s0  }
0x18: {  	s0 =	sld [smem:$0x3F8C];
	_ =	swait.ge [sflag:s4], $0x0  }
0x19: {  	s7 =	sld [smem:$0x3F8D]  }
0x1a: {  	s8 =	sadd.s32 $0xFFFFE003, lr  }
0x1b: {  	s9 =	sadd.s32 $0xFFFFFEF7, lr;
	s5 =	simm.s32 $0xFFFFFFFF;
	p2 =	slt.u32 s8, $0xFFFFF086  }
0x1c: {  	p1 =	slt.u32 s9, $0xF7A;
	s5 =	simm.s32 @!p2 $0x0  }
0x1d: {  	s5 =	simm.s32 @p1 $0x1;
	p0 =	seq.s32 s7, s2  }
0x1e: {  	s7 =	smul.u32 @!p0 $0xF7A, s2;
	p2 =	seq.s32 @!p0 s5, $0x0  }
0x1f: {  	s9 =	smul.u32 $0xF7A, s1;
	s8 =	simm.s32 @!p0 $0x1BF5;
	p2 =	por !p2, p0  }
0x20: {  	[sflag:s8] =	ssyncset.s32 @!p0 $0xFFFFF086;
	s6 =	sadd.s32 @!p0 s3, s7;
	s7 =	simm.s32 @!p0 $0x108  }
0x21: {  	s3 =	sadd.s32 s3, s9;
	s6 =	sadd.s32 @!p0 $0x88, s6;
	s7 =	simm.s32 @p2 $0x1082  }
0x22: {  	[simem:s7], [sflag:s8] =	dma.local @!p0 [hbm:s6], $0xF7A  }
0x23: {  	s9 =	sor.u32 $0xD0000000, s2;
	s6 =	simm.s32 $0x108;
	_ =	swait.ge @!p0 [sflag:s8], $0x0  }
0x24: {  	s3 =	sadd.s32 $0x88, s3;
	s6 =	simm.s32 @!p1 $0x1082;
	[sflag:s4] =	ssyncset.s32 $0xFFFFF086  }
0x25: {  	[simem:s6], [sflag:s4] =	dma.local [hbm:s3], $0xF7A  }
0x26: {  	[smem:$0x3F8D] =	sst s1;
	(tag) =	ssettag s2;
	_ =	strace s9  }
0x27: {  	s1 =	sld [smem:$0x3F9D]  }
0x28: {  	s2 =	sld [smem:$0x3F9E]  }
0x29: {  	s4 =	sld [smem:$0x3FA0]  }
0x2a: {  	p0 =	seq.s32 s5, $0x0;
	s5 =	sld [smem:$0x3FA1]  }
0x2b: {  	s6 =	sld [smem:$0x3FA2]  }
0x2c: {  	s7 =	sld [smem:$0x3FA3]  }
0x2d: {  	s3 =	simm.s32 $0x108;
	s8 =	sld [smem:$0x3FA4]  }
0x2e: {  	s3 =	simm.s32 @!p0 $0x1082;
	s9 =	sld [smem:$0x3FA5]  }
0x2f: {  	lr =	sadd.s32 s0, s3;
	s0 =	sld [smem:$0x3F9C]  }
0x30: {  	s3 =	sld [smem:$0x3F9F]  }
0x31: {  	[smem:$0x3FA8] =	sst s10  }
0x32: {  	s10 =	sld [smem:$0x3FA6];
	_ =	sdelay $0x3  }
0x33: {  	p0 =	seq.s32 s10, $0x1;
	s10 =	sld [smem:$0x3FA8];
	_ =	sdelay $0x3  }
0x34: {  	[smem:$0x3FA8] =	sst s10  }
0x35: {  	s10 =	sld [smem:$0x3FA7];
	_ =	sdelay $0x3  }
0x36: {  	p1 =	seq.s32 s10, $0x1;
	s10 =	sld [smem:$0x3FA8];
	_ =	sdelay $0x3  }
0x37: {  	[smem:$0x3FA8] =	sst s10  }
0x38: {  	s10 =	sld [smem:$0x3FA9]  }
0x39: {  	_ = 	snop;
	(pc) =	sbr.ind lr, $3  }
0x3a: {  	_ = 	snop  }
0x3b: {  	_ = 	snop  }
0x3c: {  	p2 =	seq.s32 s10, $0x1;
	s10 =	sld [smem:$0x3FA8]  }
0x3d: {  	_ =	shalt  }
0x3e: {  	_ =	shalt  }
0x3f: {  	_ =	shalt  }
0x40: {  	_ =	shalt  }
0x41: {  	_ =	shalt  }
0x42: {  	_ =	shalt  }
0x43: {  	_ =	shalt  }
0x44: {  	_ =	shalt  }
0x45: {  	_ =	shalt  }
0x46: {  	_ =	shalt  }
0x47: {  	_ =	shalt  }
0x48: {  	_ =	shalt  }
0x49: {  	_ =	shalt  }
0x4a: {  	_ =	shalt  }
0x4b: {  	_ =	shalt  }
0x4c: {  	_ =	shalt  }
0x4d: {  	_ =	shalt  }
0x4e: {  	_ =	shalt  }
0x4f: {  	_ =	shalt  }
0x50: {  	_ =	shalt  }
0x51: {  	_ =	shalt  }
0x52: {  	_ =	shalt  }
0x53: {  	_ =	shalt  }
0x54: {  	_ =	shalt  }
0x55: {  	_ =	shalt  }
0x56: {  	_ =	shalt  }
0x57: {  	_ =	shalt  }
0x58: {  	_ =	shalt  }
0x59: {  	_ =	shalt  }
0x5a: {  	_ =	shalt  }
0x5b: {  	_ =	shalt  }
0x5c: {  	_ =	shalt  }
0x5d: {  	_ =	shalt  }
0x5e: {  	_ =	shalt  }
0x5f: {  	_ =	shalt  }
0x60: {  	_ =	shalt  }
0x61: {  	_ =	shalt  }
0x62: {  	_ =	shalt  }
0x63: {  	_ =	shalt  }
0x64: {  	_ =	shalt  }
0x65: {  	_ =	shalt  }
0x66: {  	_ =	shalt  }
0x67: {  	_ =	shalt  }
0x68: {  	_ =	shalt  }
0x69: {  	_ =	shalt  }
0x6a: {  	_ =	shalt  }
0x6b: {  	_ =	shalt  }
0x6c: {  	_ =	shalt  }
0x6d: {  	_ =	shalt  }
0x6e: {  	_ =	shalt  }
0x6f: {  	_ =	shalt  }
0x70: {  	_ =	shalt  }
0x71: {  	_ =	shalt  }
0x72: {  	_ =	shalt  }
0x73: {  	_ =	shalt  }
0x74: {  	_ =	shalt  }
0x75: {  	_ =	shalt  }
0x76: {  	_ =	shalt  }
0x77: {  	_ =	shalt  }
0x78: {  	_ =	shalt  }
0x79: {  	_ =	shalt  }
0x7a: {  	_ =	shalt  }
0x7b: {  	_ =	shalt  }
0x7c: {  	_ =	shalt  }
0x7d: {  	_ =	shalt  }
0x7e: {  	_ =	shalt  }
0x7f: {  	_ =	shalt  }
0x80: {  	_ =	shalt  }
0x81: {  	_ =	shalt  }
0x82: {  	_ =	shalt  }
0x83: {  	_ =	shalt  }
0x84: {  	_ =	shalt  }
0x85: {  	_ =	shalt  }
0x86: {  	_ =	shalt  }
0x87: {  	_ =	shalt  }
.Lfunc_end0:
.L_simem_size_0:
called_computation.3_lowered:
.L_overlay_start_0:
0x88: {  	s2 =	sld [smem:$0x3FD9]  }
0x89: {  	s3 =	sld [smem:$0x3FFE];
	_ =	sdelay $0x1  }
0x8a: {  	s1 =	srdreg.scid  }
0x8b: {  	s0 =	sand.u32 $0x1, s1  }
0x8c: {  	s16 =	sshll.u32 s0, $0xA;
	s2 =	sadd.s32 s3, s2  }
0x8d: {  	s2 =	sadd.s32 s2, s16  }
0x8e: {  	[smem:$0x3FB4] =	sst s2  }
0x8f: {  	_ = 	snop  }
0x90: {  	(tm) =	ssettm $0x1  }
0x91: {  	s17 =	sld [smem:$0x3FFB];
	_ =	sdelay $0x3  }
0x92: {  	_ =	strace s17  }
0x93: {  	s2 =	sld [smem:$0x3FFC];
	_ =	sdelay $0x3  }
0x94: {  	_ =	strace s2  }
0x95: {  	s2 =	sld [smem:$0x3FFD];
	_ =	sdelay $0x3  }
0x96: {  	_ =	strace s2  }
0x97: {  	_ =	strace $0x8FFFFFFF  }
0x98: {  	s18 =	sld [smem:$0x3FDB];
	_ =	sdelay $0x1  }
0x99: {  	s19 =	simm.s32 $_scs_section_size  }
0x9a: {  	s4 =	simm.s32 $_size__tile_overlayer_lowered;
	s5 =	simm.s32 $_tile_overlayer_lowered  }
0x9b: {  	s22 =	simm.s32 $0x1BFF;
	s21 =	sshll.u32 s5, $0x1;
	s2 =	sadd.s32 s19, s18  }
0x9c: {  	s6 =	simm.s32 $0x0;
	s20 =	sshll.u32 s4, $0x1;
	s4 =	sadd.s32 s21, s2  }
0x9d: {  	[timem:s6], [sflag:s22] =	dma.local [hbm:s4], s20  }
0x9e: {  	_ =	swait.ge [sflag:s22], s20  }
0x9f: {  	s3 =	ssub.s32 $0x0, s20;
	[sflag:s22] =	ssyncset.done $0x0  }
0xa0: {  	[sflag:s22] =	ssyncadd.s32 s3;
	_ =	sdelay $0x1  }
0xa1: {  	s23 =	simm.s32 $0x1B8B  }
0xa2: {  	_ =	swait.ge [sflag:s23], $0x1  }
0xa3: {  	[sflag:s23] =	ssyncset.done $0x0  }
0xa4: {  	s25 =	simm.s32 $0x1B8E;
	s24 =	sld [smem:$0x3FFE];
	[sflag:s23] =	ssyncadd.s32 $0xFFFFFFFF  }
0xa5: {  	s26 =	simm.s32 $execute0_lowered;
	[smem:$0x3FD2] =	sst s25  }
0xa6: {  	s4 =	sshll.u32 s26, $0x1;
	_ =	strace $0x8000004F;
	[dreg:$0x1] =	wrdreg $0xFFFFFFFF  }
0xa7: {  	s28 =	simm.s32 $_size_execute0_lowered;
	s2 =	sadd.s32 s2, s4;
	[dreg:$0x0] =	wrdreg $0x0  }
0xa8: {  	s4 =	sshll.u32 s28, $0x1;
	[dreg:$0x2] =	wrdreg s2  }
0xa9: {  	[dreg:$0x3] =	wrdreg s4  }
0xaa: {  	[dreg:$0x4] =	wrdreg $0xC0  }
0xab: {  	_ =	task [dreg:s6], $0x5FFFF  }
0xac: {  	[dreg:$0x1] =	wrdreg $0xFFFFFFFF  }
0xad: {  	[dreg:$0x0] =	wrdreg $0x60  }
0xae: {  	[dreg:$0x2] =	wrdreg s24  }
0xaf: {  	[dreg:$0x3] =	wrdreg $0x9  }
0xb0: {  	_ =	task.clear_ibuf [dreg:s6], $0x4FFFF;
	_ =	strace $0x9000004F  }
0xb1: {  	s29 =	simm.s32 $0x9;
	_ =	strace $0x80000051  }
0xb2: {  	_ =	swait.ge [sflag:s29], $0x1  }
0xb3: {  	[sflag:s29] =	ssyncadd.s32 $0xFFFFFFFF  }
0xb4: {  	_ =	strace $0x90000051  }
0xb5: {  	_ =	sfence  }
0xb6: {  	s30 =	sld [smem:$0x0];
	_ =	sdelay $0x2  }
0xb7: {  	s31 =	sshll.u32 s1, $0xD;
	s1 =	sshrl.u32 s1, $0x2  }
0xb8: {  	s3 =	sand.u32 $0x4000, s31;
	s1 =	sadd.s32 s1, s30  }
0xb9: {  	s0 =	sor.u32 s3, s0;
	s1 =	sshll.u32 s1, $0x11  }
0xba: {  	s0 =	sor.u32 s1, s0  }
0xbb: {  	s0 =	sadd.s32 $0x8F2B, s0  }
0xbc: {  	[sflag:s0] =	ssyncadd.remote.s32 $0x1  }
0xbd: {  	_ =	sfence.sel $0xFFFF  }
0xbe: {  	[dreg:$0x0] =	wrdreg $0xFFFFFFFF;
	(pc) =	sbr.abs _section_cstart, $3  }
0xbf: {  	[dreg:$0x1] =	wrdreg $0xFFFFFFFF  }
0xc0: {  	_ =	task.clear_ibuf [dreg:s6], $0x2FFFF;
	_ =	strace $0x9FFFFFFF  }
0xc1: {  	(tm) =	ssettm $0x7FFFFFFF  }
tec
execute0_lowered:
.L_overlay_start_1:
0x0: {  	(tag) =	ssettag $0x1  }
0x1: {  	s1 =	srdreg.scid;
	s0 =	stileid.u32  }
0x2: {  	s4 =	rddreg [dreg:$0x0];
	s2 =	simm.s32 $0x0;
	s13 =	simm.s32 $0x5400  }
0x3: {  	s14 =	simm.s32 $0x1;
	s15 =	simm.s32 $0x2;
	s16 =	simm.s32 $0x1380  }
0x4: {  	s17 =	simm.s32 $0x0;
	s7 =	sand.u32 $0x1, s1;
	s9 =	smul.u32 $0x50, s0  }
0x5: {  	s3 =	sshll.u32 s0, $0x1;
	s1 =	rddreg [dreg:$0x1];
	s29 =	smul.u32 $0x28000, s0  }
0x6: {  	[smem:$0x7FF] =	sst s2;
	s12 =	sadd.s32 $0x2D800, s4;
	s11 =	smul.u32 $0x28, s7  }
0x7: {  	s5 =	sor.u32 s7, s3;
	s8 =	ssub.s32 $0x2, s7;
	s30 =	smul.u32 $0x14000, s7  }
0x8: {  	_ =	strace $0x80000050;
	s3 =	smul.u32 $0x280, s5;
	s10 =	sshrl.u32 s8, $0x1  }
0x9: {  	s25 =	smul.u32 $0x14000, s5;
	s31 =	sadd.s32 s29, s12;
	s8 =	ssub.s32 s8, s10  }
0xa: {  	s26 =	sadd.s32 s11, s9;
	s10 =	simm.s32 $0x3;
	s11 =	simm.s32 $0x1400  }
0xb: {  	s6 =	sadd.s32 s3, s4;
	s3 =	sadd.s32 $0x6600, s4;
	s5 =	smax.u32 s8, $0x1  }
0xc: {  	s28 =	sadd.s32 s12, s25;
	s9 =	sshll.u32 s26, $0xB;
	s4 =	sadd.s32 $0xCAD800, s6  }
0xd: {  	s6 =	sadd.s32 $0x13000, s28;
	s9 =	sadd.s32 s9, s12;
	s7 =	sadd.s32 $0x13800, s28  }
0xe: {  	s12 =	simm.s32 $0x80;
	s8 =	sadd.s32 $0x800, s9;
	s9 =	sadd.s32 s30, s31  }
.LBB2_1:
0xf: {  	[tilespmem:s2], [sflag:$0x3] =	stream.linear.gather [hbm4b:s4+s2], $0x1400, $0x38;
	[tilespmem:$0x9400] =	vst v63  }
0x10: {  	_ =	swait.ge [sflag:s10], $0x1400  }
0x11: {  	[sflag:s10] =	ssyncset.done $0x0  }
0x12: {  	[sflag:s10] =	ssyncadd.s32 $0xFFFFEC00  }
0x13: {  	[tilespmem:s11], [sflag:$0x1] =	stream.indirect.gather [hbm4b:s3+s12], $0x80, s2, s12, $0xb8;
	[tilespmem:$0x9400] =	vst v63  }
0x14: {  	_ = 	snop  }
0x15: {  	[tilespmem:s13], [sflag:$0x2] =	stream.indirect.gather [hbm4b:s3+s12], $0x80, s12, s12, $0xb8;
	[tilespmem:$0x9400] =	vst v63  }
0x16: {  	_ =	swait.ge [sflag:s14], $0x4000  }
0x17: {  	[sflag:s14] =	ssyncset.done $0x0  }
0x18: {  	s18 =	sadd.s32 $0x0, s9;
	[sflag:s14] =	ssyncadd.s32 $0xFFFFC000  }
0x19: {  	[hbm4b:s18+s2] =	stream.linear.scatter [tilespmem:s11], [sflag:$0x3], $0x4000, $0x38;
	[tilespmem:$0x9400] =	vst v63  }
0x1a: {  	_ =	swait.ge [sflag:s10], $0x4000  }
0x1b: {  	[sflag:s10] =	ssyncset.done $0x0  }
0x1c: {  	s30 =	simm.s32 $0x100;
	[sflag:s10] =	ssyncadd.s32 $0xFFFFC000  }
0x1d: {  	[tilespmem:s11], [sflag:$0x1] =	stream.indirect.gather [hbm4b:s3+s12], $0x80, s30, s12, $0xb8;
	[tilespmem:$0x9400] =	vst v63  }
0x1e: {  	_ =	swait.ge [sflag:s15], $0x4000  }
0x1f: {  	[sflag:s15] =	ssyncset.done $0x0  }
0x20: {  	s31 =	sadd.s32 $0x0, s8;
	[sflag:s15] =	ssyncadd.s32 $0xFFFFC000  }
0x21: {  	[hbm4b:s31+s2] =	stream.linear.scatter [tilespmem:s13], [sflag:$0x3], $0x4000, $0x38;
	[tilespmem:$0x9400] =	vst v63  }
0x22: {  	_ =	swait.ge [sflag:s10], $0x4000  }
0x23: {  	s19 =	simm.s32 $0x80;
	s18 =	simm.s32 $0x1000;
	[sflag:s10] =	ssyncset.done $0x0  }
.LBB2_2:
0x24: {  	p0 =	sne.s32 s18, $0x12000;
	[sflag:s10] =	ssyncadd.s32 $0xFFFFC000;
	s19 =	sadd.s32 $0x100, s19  }
0x25: {  	[tilespmem:s13], [sflag:$0x2] =	stream.indirect.gather [hbm4b:s3+s12], $0x80, s19, s12, $0xb8;
	[tilespmem:$0x9400] =	vst v63  }
0x26: {  	s20 =	smov.u32 s18;
	s18 =	sadd.s32 $0x1000, s18;
	_ =	swait.ge [sflag:s14], $0x4000  }
0x27: {  	[sflag:s14] =	ssyncset.done $0x0  }
0x28: {  	s21 =	sadd.s32 s20, s9;
	[sflag:s14] =	ssyncadd.s32 $0xFFFFC000  }
0x29: {  	[hbm4b:s21+s2] =	stream.linear.scatter [tilespmem:s11], [sflag:$0x3], $0x4000, $0x38;
	[tilespmem:$0x9400] =	vst v63  }
0x2a: {  	_ =	swait.ge [sflag:s10], $0x4000  }
0x2b: {  	[sflag:s10] =	ssyncset.done $0x0  }
0x2c: {  	s21 =	sadd.s32 $0x80, s19;
	[sflag:s10] =	ssyncadd.s32 $0xFFFFC000  }
0x2d: {  	[tilespmem:s11], [sflag:$0x1] =	stream.indirect.gather [hbm4b:s3+s12], $0x80, s21, s12, $0xb8;
	[tilespmem:$0x9400] =	vst v63  }
0x2e: {  	_ =	swait.ge [sflag:s15], $0x4000  }
.Ltmp0:
0x2f: {  	[sflag:s15] =	ssyncset.done $0x0;
	(pc) =	sbr.rel @p0 .LBB2_2-.Ltmp0, $4  }
0x30: {  	s20 =	sadd.s32 s20, s8;
	[sflag:s15] =	ssyncadd.s32 $0xFFFFC000  }
0x31: {  	[hbm4b:s20+s2] =	stream.linear.scatter [tilespmem:s13], [sflag:$0x3], $0x4000, $0x38;
	[tilespmem:$0x9400] =	vst v63  }
0x32: {  	_ =	swait.ge [sflag:s10], $0x4000  }
0x33: {  	[sflag:s10] =	ssyncset.done $0x0  }
0x34: {  	[sflag:s10] =	ssyncadd.s32 $0xFFFFC000  }
0x35: {  	[tilespmem:s13], [sflag:$0x2] =	stream.indirect.gather [hbm4b:s3+s12], $0x80, s16, s12, $0xb8;
	[tilespmem:$0x9400] =	vst v63  }
0x36: {  	_ =	swait.ge [sflag:s14], $0x4000  }
0x37: {  	[sflag:s14] =	ssyncset.done $0x0  }
0x38: {  	[sflag:s14] =	ssyncadd.s32 $0xFFFFC000  }
0x39: {  	[hbm4b:s6+s2] =	stream.linear.scatter [tilespmem:s11], [sflag:$0x3], $0x4000, $0x38;
	[tilespmem:$0x9400] =	vst v63  }
0x3a: {  	_ =	swait.ge [sflag:s10], $0x4000  }
0x3b: {  	[sflag:s10] =	ssyncset.done $0x0  }
0x3c: {  	[sflag:s10] =	ssyncadd.s32 $0xFFFFC000  }
0x3d: {  	s17 =	sadd.s32 $0x1, s17;
	_ =	swait.ge [sflag:s15], $0x4000  }
0x3e: {  	p0 =	sne.s32 s17, s5;
	[sflag:s15] =	ssyncset.done $0x0  }
.Ltmp1:
0x3f: {  	[sflag:s15] =	ssyncadd.s32 $0xFFFFC000;
	(pc) =	sbr.rel @p0 .LBB2_1-.Ltmp1, $4  }
0x40: {  	[hbm4b:s7+s2] =	stream.linear.scatter [tilespmem:s13], [sflag:$0x3], $0x4000, $0x38;
	[tilespmem:$0x9400] =	vst v63  }
0x41: {  	_ =	swait.ge [sflag:s10], $0x4000  }
0x42: {  	[sflag:s10] =	ssyncset.done $0x0  }
0x43: {  	[sflag:s10] =	ssyncadd.s32 $0xFFFFC000  }
0x44: {  	_ =	sfence.sel $0x180000  }
0x45: {  	[bflag:$0x0] =	sbarrier.arrive $0xFFFF  }
0x46: {  	p0 =	sne.s32 s0, $0x0;
	_ =	strace $0x90000050  }
0x47: {  	s0 =	sadd.s32 @!p0 $0x100000, s1;
	[bflag:$0x2] =	sbarrier.arrive $0xFFFF  }
0x48: {  	[sflag:s0] =	ssyncadd.tile.s32 @!p0 $0x1;
	_ =	shalt  }
.Lfunc_end2:
_tile_overlayer_lowered:
.L_overlay_start_2:
0x49: {  	(tag) =	ssettag $0x2  }
0x4a: {  	s0 =	rddreg [dreg:$0x0];
	s2 =	stileid.u32  }
0x4b: {  	s1 =	rddreg [dreg:$0x1];
	p0 =	sne.s32 s2, $0x0  }
0x4c: {  	s3 =	rddreg [dreg:$0x2];
	[bflag:$0x3] =	sbarrier.arrive $0xFFFF;
	s2 =	simm.s32 @!p0 $0x1C03  }
0x4d: {  	[timem:s3], [sflag:s2] =	dma.local @!p0 [hbm:s0], s1  }
0x4e: {  	s0 =	simm.s32 @!p0 $0x3  }
0x4f: {  	_ =	swait.ge @!p0 [sflag:s0], s1  }
0x50: {  	s1 =	ssub.s32 @!p0 $0x0, s1;
	[sflag:s0] =	ssyncset.done @!p0 $0x0  }
0x51: {  	[sflag:s0] =	ssyncadd.s32 @!p0 s1  }
0x52: {  	[bflag:$0x3] =	sbarrier.arrive $0xFFFF  }
0x53: {  	_ =	shalt  }

</sc_bundles>
